<compile_context>
chip_gen: v7x
topology: tpu7x:2x2x1
jax: 0.10.2.dev20260603
libtpu: 0.0.44.dev20260713+nightly
codegen_flags: <defaults>
</compile_context>

<pallas_src>
import functools

import jax
import jax.numpy as jnp
from jax import lax
from jax.experimental import pallas as pl
from jax.experimental.pallas import tpu as pltpu
from jax.experimental.pallas import tpu_sc as plsc

NC = 2
NS = 16
NW = NC * NS
L = 16



def _d1_body(x_ref, wg1_ref, bg1_ref, wg2_ref, bg2_ref, wl1a_ref,
             mg_ref, h1l_ref):
    xb = x_ref[...]
    h = jnp.maximum(
        jnp.dot(xb, wg1_ref[...], preferred_element_type=jnp.float32)
        + bg1_ref[...], 0.0)
    mg_ref[...] = (jnp.dot(h, wg2_ref[...], preferred_element_type=jnp.float32)
                   + bg2_ref[...])
    h1l_ref[...] = jnp.dot(xb, wl1a_ref[...],
                           preferred_element_type=jnp.float32)


def _d2_body(cpart_ref, mg_ref, wl1b_ref, bl1_ref, h1l_ref, wl2_ref, bl2_ref,
             out_ref, bias_s):
    @pl.when(pl.program_id(0) == 0)
    def _():
        c = jnp.sum(cpart_ref[...], axis=0, keepdims=True)
        s = jnp.dot(c, mg_ref[...],
                    preferred_element_type=jnp.float32)
        bias_s[...] = (jnp.dot(s, wl1b_ref[...],
                               preferred_element_type=jnp.float32)
                       + bl1_ref[...])

    h = jnp.maximum(h1l_ref[...] + bias_s[...], 0.0)
    out_ref[...] = (jnp.dot(h, wl2_ref[...],
                            preferred_element_type=jnp.float32)
                    + bl2_ref[...])


def _sum_body(a_ref, b_ref, o_ref):
    o_ref[...] = a_ref[0] + b_ref[0]



def _make_sc_c(n_nodes, e_per_w):
    mesh = plsc.VectorSubcoreMesh(core_axis_name="c", subcore_axis_name="s",
                                  num_cores=NC, num_subcores=NS)

    @functools.partial(
        pl.kernel,
        out_type=jax.ShapeDtypeStruct((NW, n_nodes), jnp.float32),
        mesh=mesh,
        scratch_types=[
            pltpu.VMEM((n_nodes,), jnp.float32),
            pltpu.VMEM((e_per_w,), jnp.int32),
            pltpu.VMEM((e_per_w,), jnp.int32),
            pltpu.VMEM((n_nodes,), jnp.float32),
        ],
        compiler_params=pltpu.CompilerParams(needs_layout_passes=False),
    )
    def sc_c(src_hbm, dst_hbm, evals_hbm, out_hbm, evals_v, src_v, dst_v, c_v):
        cid = lax.axis_index("c")
        sid = lax.axis_index("s")
        wid = sid * NC + cid
        pltpu.sync_copy(evals_hbm, evals_v)
        pltpu.sync_copy(src_hbm.at[wid], src_v)
        pltpu.sync_copy(dst_hbm.at[wid], dst_v)

        def zero_body(i, carry):
            c_v[pl.ds(i * L, L)] = jnp.zeros((L,), jnp.float32)
            return carry
        lax.fori_loop(0, n_nodes // L, zero_body, 0)

        def body(i, carry):
            sv = src_v[pl.ds(i * L, L)]
            dv = dst_v[pl.ds(i * L, L)]
            vals = plsc.load_gather(evals_v, [dv])
            plsc.addupdate_scatter(c_v, [sv], vals)
            return carry
        lax.fori_loop(0, e_per_w // L, body, 0)
        pltpu.sync_copy(c_v, out_hbm.at[wid])

    return sc_c


def _make_sc_w(n_nodes, d_out, n_chunks, k):
    mesh = plsc.VectorSubcoreMesh(core_axis_name="c", subcore_axis_name="s",
                                  num_cores=NC, num_subcores=NS)
    R = 4
    assert n_chunks % R == 0 and n_chunks >= 2 * R
    zk = 80
    n_zchunks = n_nodes // zk

    @functools.partial(
        pl.kernel,
        out_type=jax.ShapeDtypeStruct((NC, n_nodes, d_out), jnp.float32),
        mesh=mesh,
        scratch_types=[
            pltpu.VMEM((R, k), jnp.int32),
            pltpu.VMEM((R, k), jnp.int32),
            pltpu.VMEM((k, d_out), jnp.float32),
            pltpu.VMEM((k, d_out), jnp.float32),
            pltpu.VMEM_SHARED((n_nodes + 8, d_out), jnp.float32),
            [pltpu.SemaphoreType.DMA] * R,
            pltpu.SemaphoreType.DMA,
            pltpu.SemaphoreType.DMA,
        ],
        compiler_params=pltpu.CompilerParams(needs_layout_passes=False),
    )
    def sc_w(src_hbm, dst_hbm, ml_hbm, out_hbm, src_ring, dst_ring,
             rows0, rows1, shw, semi, sem0, sem1):
        cid = lax.axis_index("c")
        sid = lax.axis_index("s")
        wid = sid * NC + cid

        def idx_start(j, s):
            pltpu.async_copy(src_hbm.at[wid, j], src_ring.at[s], semi[s])
            pltpu.async_copy(dst_hbm.at[wid, j], dst_ring.at[s], semi[s])

        def idx_wait(j, s):
            pltpu.make_async_copy(src_hbm.at[wid, j], src_ring.at[s],
                                  semi[s]).wait()
            pltpu.make_async_copy(dst_hbm.at[wid, j], dst_ring.at[s],
                                  semi[s]).wait()

        def g_start(s, buf, sem):
            pltpu.async_copy(ml_hbm.at[src_ring.at[s]], buf, sem)

        def g_wait(s, buf, sem):
            pltpu.make_async_copy(ml_hbm.at[src_ring.at[s]], buf, sem).wait()

        for s in range(R):
            idx_start(s, s)

        def zero_body(i, carry):
            rows0[i // (d_out // L), pl.ds((i % (d_out // L)) * L, L)] = (
                jnp.zeros((L,), jnp.float32))
            return carry
        lax.fori_loop(0, k * (d_out // L), zero_body, 0)
        n_rounds = (n_zchunks + NS - 1) // NS
        for t in range(n_rounds):
            cj = sid + t * NS

            @pl.when(cj < n_zchunks)
            def _():
                pltpu.sync_copy(rows0.at[pl.ds(0, zk)],
                                shw.at[pl.ds(cj * zk, zk)])

        idx_wait(0, 0)
        g_start(0, rows0, sem0)
        idx_wait(1, 1)
        g_start(1, rows1, sem1)
        plsc.subcore_barrier()

        def group_body(g, carry):
            j0 = g * R
            for s in range(R):
                j = j0 + s
                buf = rows0 if s % 2 == 0 else rows1
                sem = sem0 if s % 2 == 0 else sem1
                g_wait(s, buf, sem)
                pltpu.sync_copy(buf, shw.at[dst_ring.at[s]], add=True)

                @pl.when(j + R < n_chunks)
                def _():
                    idx_start(j + R, s)

                s2 = (s + 2) % R

                @pl.when(j + 2 < n_chunks)
                def _():
                    idx_wait(j + 2, s2)
                    g_start(s2, buf, sem)
            return carry
        lax.fori_loop(0, n_chunks // R, group_body, 0)
        plsc.subcore_barrier()

        for t in range(n_rounds + 2):
            if t >= 2:
                tw = t - 2
                cjw = sid + tw * NS
                bufw = rows0 if tw % 2 == 0 else rows1
                semw = sem0 if tw % 2 == 0 else sem1

                @pl.when(cjw < n_zchunks)
                def _():
                    pltpu.make_async_copy(
                        bufw.at[pl.ds(0, zk)],
                        out_hbm.at[cid, pl.ds(cjw * zk, zk)], semw).wait()
            if t < n_rounds:
                cj = sid + t * NS
                buf = rows0 if t % 2 == 0 else rows1
                sem = sem0 if t % 2 == 0 else sem1

                @pl.when(cj < n_zchunks)
                def _():
                    pltpu.sync_copy(shw.at[pl.ds(cj * zk, zk)],
                                    buf.at[pl.ds(0, zk)])
                    pltpu.async_copy(buf.at[pl.ds(0, zk)],
                                     out_hbm.at[cid, pl.ds(cj * zk, zk)], sem)

    return sc_w



def kernel(x, p, edge_index, Wg1, bg1, Wg2, bg2, Wl1, bl1, Wl2, bl2):
    n, d = x.shape
    e = edge_index.shape[1]
    dg_o = Wg2.shape[1]
    dl_h = Wl1.shape[1]
    dl_o = Wl2.shape[1]

    src = edge_index[0]
    dst = edge_index[1]
    evals = p[:, 0]
    Wl1a = Wl1[:d]
    Wl1b = Wl1[d:]

    e_per_w = e // NW
    k = 128
    n_chunks = 4 * (-(-e_per_w // (4 * k)))
    e_pad = n_chunks * k
    src_w = src.reshape(NW, e_per_w)
    dst_w = dst.reshape(NW, e_per_w)
    src_b = jnp.pad(src_w, ((0, 0), (0, e_pad - e_per_w)))
    dst_b = jnp.pad(dst_w, ((0, 0), (0, e_pad - e_per_w)), constant_values=n)
    src_c = src_b.reshape(NW, n_chunks, k)
    dst_c = dst_b.reshape(NW, n_chunks, k)

    bn = 2000

    m_g, h1l = pl.pallas_call(
        _d1_body,
        grid=(n // bn,),
        in_specs=[
            pl.BlockSpec((bn, d), lambda i: (i, 0)),
            pl.BlockSpec(Wg1.shape, lambda i: (0, 0)),
            pl.BlockSpec((1, Wg1.shape[1]), lambda i: (0, 0)),
            pl.BlockSpec(Wg2.shape, lambda i: (0, 0)),
            pl.BlockSpec((1, dg_o), lambda i: (0, 0)),
            pl.BlockSpec((d, dl_h), lambda i: (0, 0)),
        ],
        out_specs=[
            pl.BlockSpec((bn, dg_o), lambda i: (i, 0)),
            pl.BlockSpec((bn, dl_h), lambda i: (i, 0)),
        ],
        out_shape=[
            jax.ShapeDtypeStruct((n, dg_o), jnp.float32),
            jax.ShapeDtypeStruct((n, dl_h), jnp.float32),
        ],
    )(x, Wg1, bg1.reshape(1, -1), Wg2, bg2.reshape(1, -1), Wl1a)

    c_part = _make_sc_c(n, e_per_w)(src_w, dst_w, evals)

    m_l = pl.pallas_call(
        _d2_body,
        grid=(n // bn,),
        in_specs=[
            pl.BlockSpec((NW, n), lambda i: (0, 0)),
            pl.BlockSpec((n, dg_o), lambda i: (0, 0)),
            pl.BlockSpec((dg_o, dl_h), lambda i: (0, 0)),
            pl.BlockSpec((1, dl_h), lambda i: (0, 0)),
            pl.BlockSpec((bn, dl_h), lambda i: (i, 0)),
            pl.BlockSpec((dl_h, dl_o), lambda i: (0, 0)),
            pl.BlockSpec((1, dl_o), lambda i: (0, 0)),
        ],
        out_specs=pl.BlockSpec((bn, dl_o), lambda i: (i, 0)),
        out_shape=jax.ShapeDtypeStruct((n, dl_o), jnp.float32),
        scratch_shapes=[pltpu.VMEM((1, dl_h), jnp.float32)],
    )(c_part, m_g, Wl1b, bl1.reshape(1, -1), h1l, Wl2, bl2.reshape(1, -1))

    w_part = _make_sc_w(n, dl_o, n_chunks, k)(src_c, dst_c, m_l)

    w = pl.pallas_call(
        _sum_body,
        grid=(n // bn,),
        in_specs=[
            pl.BlockSpec((1, bn, dl_o), lambda i: (0, i, 0)),
            pl.BlockSpec((1, bn, dl_o), lambda i: (1, i, 0)),
        ],
        out_specs=pl.BlockSpec((bn, dl_o), lambda i: (i, 0)),
        out_shape=jax.ShapeDtypeStruct((n, dl_o), jnp.float32),
    )(w_part, w_part)

    return w

# --- scband reference (transcript-rebuilt; emitter-appended) ---
"""Pipeline reference for scband-efnhybrid-76441827934550 (READ-ONLY COPY).

The authoritative reference and input builder live on the scoring server;
editing this copy changes nothing except your own understanding.
"""

import jax, jax.numpy as jnp
import numpy as np

N = 10000
E = 320000
D = 128
DG_H, DG_O = 128, 64
DL_I, DL_H, DL_O = D + DG_O, 256, 128


def setup_inputs(seed: int = 0) -> dict:
    key = jax.random.key(seed)
    ks = jax.random.split(key, 12)
    x = jax.random.normal(ks[0], (N, D), dtype=jnp.float32)
    p = jax.random.normal(ks[1], (N, 4), dtype=jnp.float32)
    edge_index = jax.random.randint(ks[2], (2, E), 0, N, dtype=jnp.int32)
    Wg1 = jax.random.normal(ks[3], (D, DG_H), dtype=jnp.float32) / np.sqrt(D)
    bg1 = jnp.zeros((DG_H,), dtype=jnp.float32)
    Wg2 = jax.random.normal(ks[4], (DG_H, DG_O), dtype=jnp.float32) / np.sqrt(DG_H)
    bg2 = jnp.zeros((DG_O,), dtype=jnp.float32)
    Wl1 = jax.random.normal(ks[5], (DL_I, DL_H), dtype=jnp.float32) / np.sqrt(DL_I)
    bl1 = jnp.zeros((DL_H,), dtype=jnp.float32)
    Wl2 = jax.random.normal(ks[6], (DL_H, DL_O), dtype=jnp.float32) / np.sqrt(DL_H)
    bl2 = jnp.zeros((DL_O,), dtype=jnp.float32)
    return {"x": x, "p": p, "edge_index": edge_index, "Wg1": Wg1, "bg1": bg1, "Wg2": Wg2, "bg2": bg2, "Wl1": Wl1, "bl1": bl1, "Wl2": Wl2, "bl2": bl2}


def _mlp(h, W1, b1, W2, b2):
    return jax.nn.relu(h @ W1 + b1) @ W2 + b2


def _ptconv(x, edge_index, W1, b1, W2, b2, n_nodes):
    # PTConv(nn=mlp, aggr='add'): message = nn(x_j) gathered from source nodes,
    # scatter-added at destination nodes.
    src = edge_index[0]
    dst = edge_index[1]
    msg = _mlp(x[src], W1, b1, W2, b2)
    return jax.ops.segment_sum(msg, dst, num_segments=n_nodes)


def reference(x, p, edge_index, Wg1, bg1, Wg2, bg2, Wl1, bl1, Wl2, bl2):
    n_nodes = x.shape[0]
    # --- EFNGlobal (use_scalars=False, phi=None) ---
    hg = _ptconv(x, edge_index, Wg1, bg1, Wg2, bg2, n_nodes)
    e = p[:, 0:1]
    hg = e * hg
    # global_add_pool with batch = zeros (single graph)
    scalars = jnp.sum(hg, axis=0, keepdims=True)  # [1, DG_O]
    # --- EFNLocal (use_scalars=False, extra_scalars=scalars) ---
    # _reshape_scalars: len(scalars) == 1 -> expand across all nodes
    sc = jnp.broadcast_to(scalars, (n_nodes, scalars.shape[1]))
    xl = jnp.concatenate([x, sc], axis=-1)  # [N, D + DG_O]
    w_i = _ptconv(xl, edge_index, Wl1, bl1, Wl2, bl2, n_nodes)
    return w_i

if __name__ == "__main__":
    import jax
    _d = setup_inputs()
    print(jax.jit(kernel)(*tuple(_d.values())))

</pallas_src>

<mosaic_0001>
#map = affine_map<(d0, d1) -> (0, 0, 0)>
#map1 = affine_map<(d0, d1) -> (0, 0)>
module attributes {stable_mosaic.version = 14 : i64} {
  func.func @sc_w(%arg0: i32, %arg1: i32, %arg2: memref<32x80x128xi32, #tpu.memory_space<hbm>>, %arg3: memref<32x80x128xi32, #tpu.memory_space<hbm>>, %arg4: memref<10000x128xf32, #tpu.memory_space<hbm>>, %arg5: memref<2x10000x128xf32, #tpu.memory_space<hbm>>, %arg6: memref<4x128xi32, #tpu.memory_space<vmem>>, %arg7: memref<4x128xi32, #tpu.memory_space<vmem>>, %arg8: memref<128x128xf32, #tpu.memory_space<vmem>>, %arg9: memref<128x128xf32, #tpu.memory_space<vmem>>, %arg10: memref<10008x128xf32, #tpu.memory_space<vmem_shared>>, %arg11: memref<!tpu.dma_semaphore, #tpu.memory_space<semaphore_mem>>, %arg12: memref<!tpu.dma_semaphore, #tpu.memory_space<semaphore_mem>>, %arg13: memref<!tpu.dma_semaphore, #tpu.memory_space<semaphore_mem>>, %arg14: memref<!tpu.dma_semaphore, #tpu.memory_space<semaphore_mem>>, %arg15: memref<!tpu.dma_semaphore, #tpu.memory_space<semaphore_mem>>, %arg16: memref<!tpu.dma_semaphore, #tpu.memory_space<semaphore_mem>>) attributes {dimension_semantics = [#tpu.dimension_semantics<core_parallel>, #tpu.dimension_semantics<subcore_parallel>], iteration_bounds = array<i64: 2, 16>, scalar_prefetch = 0 : i64, scratch_operands = 11 : i64, tpu.core_type = #tpu.core_type<sc_vector_subcore>, window_params = [{transform_indices = #map}, {transform_indices = #map}, {transform_indices = #map1}, {transform_indices = #map}]} {
    %mul3A = arith.constant 2 : i32
    %mul3A_0 = arith.muli %arg1, %mul3A : i32
    %add3A = arith.addi %mul3A_0, %arg0 : i32
    %dma_start3A = arith.constant 0 : i32
    %dma_start3A_1 = arith.constant 0 : i32
    %dma_start3A_2 = arith.constant 0 : i32
    %dma_start3A_3 = tpu.memref_slice %arg6[%dma_start3A_1, %dma_start3A_2] : memref<4x128xi32, #tpu.memory_space<vmem>> -> memref<1x128xi32, #tpu.memory_space<vmem>>
    %dma_start3A_4 = tpu.memref_squeeze %dma_start3A_3 : memref<1x128xi32, #tpu.memory_space<vmem>> -> memref<128xi32, #tpu.memory_space<vmem>>
    %dma_start3A_5 = arith.constant 0 : i32
    %dma_start3A_6 = tpu.memref_slice %arg2[%add3A, %dma_start3A, %dma_start3A_5] : memref<32x80x128xi32, #tpu.memory_space<hbm>> -> memref<1x1x128xi32, #tpu.memory_space<hbm>>
    %dma_start3A_7 = tpu.memref_squeeze %dma_start3A_6 : memref<1x1x128xi32, #tpu.memory_space<hbm>> -> memref<128xi32, #tpu.memory_space<hbm>>
    %dma_start3A_8 = arith.constant 0 : i32
    %dma_start3A_9 = tpu.memref_slice %arg6[%dma_start3A_1, %dma_start3A_8] : memref<4x128xi32, #tpu.memory_space<vmem>> -> memref<1x128xi32, #tpu.memory_space<vmem>>
    %dma_start3A_10 = tpu.memref_squeeze %dma_start3A_9 : memref<1x128xi32, #tpu.memory_space<vmem>> -> memref<128xi32, #tpu.memory_space<vmem>>
    %dma_start3A_11 = arith.constant 0 : i32
    %dma_start3A_12 = tpu.memref_slice %arg2[%add3A, %dma_start3A, %dma_start3A_11] : memref<32x80x128xi32, #tpu.memory_space<hbm>> -> memref<1x1x128xi32, #tpu.memory_space<hbm>>
    %dma_start3A_13 = tpu.memref_squeeze %dma_start3A_12 : memref<1x1x128xi32, #tpu.memory_space<hbm>> -> memref<128xi32, #tpu.memory_space<hbm>>
    tpu.enqueue_dma source(%dma_start3A_13 : memref<128xi32, #tpu.memory_space<hbm>>) target(%dma_start3A_10 : memref<128xi32, #tpu.memory_space<vmem>>) target_semaphore(%arg11 : memref<!tpu.dma_semaphore, #tpu.memory_space<semaphore_mem>>)
    %dma_start3A_14 = arith.constant 0 : i32
    %dma_start3A_15 = arith.constant 0 : i32
    %dma_start3A_16 = arith.constant 0 : i32
    %dma_start3A_17 = tpu.memref_slice %arg7[%dma_start3A_15, %dma_start3A_16] : memref<4x128xi32, #tpu.memory_space<vmem>> -> memref<1x128xi32, #tpu.memory_space<vmem>>
    %dma_start3A_18 = tpu.memref_squeeze %dma_start3A_17 : memref<1x128xi32, #tpu.memory_space<vmem>> -> memref<128xi32, #tpu.memory_space<vmem>>
    %dma_start3A_19 = arith.constant 0 : i32
    %dma_start3A_20 = tpu.memref_slice %arg3[%add3A, %dma_start3A_14, %dma_start3A_19] : memref<32x80x128xi32, #tpu.memory_space<hbm>> -> memref<1x1x128xi32, #tpu.memory_space<hbm>>
    %dma_start3A_21 = tpu.memref_squeeze %dma_start3A_20 : memref<1x1x128xi32, #tpu.memory_space<hbm>> -> memref<128xi32, #tpu.memory_space<hbm>>
    %dma_start3A_22 = arith.constant 0 : i32
    %dma_start3A_23 = tpu.memref_slice %arg7[%dma_start3A_15, %dma_start3A_22] : memref<4x128xi32, #tpu.memory_space<vmem>> -> memref<1x128xi32, #tpu.memory_space<vmem>>
    %dma_start3A_24 = tpu.memref_squeeze %dma_start3A_23 : memref<1x128xi32, #tpu.memory_space<vmem>> -> memref<128xi32, #tpu.memory_space<vmem>>
    %dma_start3A_25 = arith.constant 0 : i32
    %dma_start3A_26 = tpu.memref_slice %arg3[%add3A, %dma_start3A_14, %dma_start3A_25] : memref<32x80x128xi32, #tpu.memory_space<hbm>> -> memref<1x1x128xi32, #tpu.memory_space<hbm>>
    %dma_start3A_27 = tpu.memref_squeeze %dma_start3A_26 : memref<1x1x128xi32, #tpu.memory_space<hbm>> -> memref<128xi32, #tpu.memory_space<hbm>>
    tpu.enqueue_dma source(%dma_start3A_27 : memref<128xi32, #tpu.memory_space<hbm>>) target(%dma_start3A_24 : memref<128xi32, #tpu.memory_space<vmem>>) target_semaphore(%arg11 : memref<!tpu.dma_semaphore, #tpu.memory_space<semaphore_mem>>)
    %dma_start3A_28 = arith.constant 1 : i32
    %dma_start3A_29 = arith.constant 1 : i32
    %dma_start3A_30 = arith.constant 0 : i32
    %dma_start3A_31 = tpu.memref_slice %arg6[%dma_start3A_29, %dma_start3A_30] : memref<4x128xi32, #tpu.memory_space<vmem>> -> memref<1x128xi32, #tpu.memory_space<vmem>>
    %dma_start3A_32 = tpu.memref_squeeze %dma_start3A_31 : memref<1x128xi32, #tpu.memory_space<vmem>> -> memref<128xi32, #tpu.memory_space<vmem>>
    %dma_start3A_33 = arith.constant 0 : i32
    %dma_start3A_34 = tpu.memref_slice %arg2[%add3A, %dma_start3A_28, %dma_start3A_33] : memref<32x80x128xi32, #tpu.memory_space<hbm>> -> memref<1x1x128xi32, #tpu.memory_space<hbm>>
    %dma_start3A_35 = tpu.memref_squeeze %dma_start3A_34 : memref<1x1x128xi32, #tpu.memory_space<hbm>> -> memref<128xi32, #tpu.memory_space<hbm>>
    %dma_start3A_36 = arith.constant 0 : i32
    %dma_start3A_37 = tpu.memref_slice %arg6[%dma_start3A_29, %dma_start3A_36] : memref<4x128xi32, #tpu.memory_space<vmem>> -> memref<1x128xi32, #tpu.memory_space<vmem>>
    %dma_start3A_38 = tpu.memref_squeeze %dma_start3A_37 : memref<1x128xi32, #tpu.memory_space<vmem>> -> memref<128xi32, #tpu.memory_space<vmem>>
    %dma_start3A_39 = arith.constant 0 : i32
    %dma_start3A_40 = tpu.memref_slice %arg2[%add3A, %dma_start3A_28, %dma_start3A_39] : memref<32x80x128xi32, #tpu.memory_space<hbm>> -> memref<1x1x128xi32, #tpu.memory_space<hbm>>
    %dma_start3A_41 = tpu.memref_squeeze %dma_start3A_40 : memref<1x1x128xi32, #tpu.memory_space<hbm>> -> memref<128xi32, #tpu.memory_space<hbm>>
    tpu.enqueue_dma source(%dma_start3A_41 : memref<128xi32, #tpu.memory_space<hbm>>) target(%dma_start3A_38 : memref<128xi32, #tpu.memory_space<vmem>>) target_semaphore(%arg12 : memref<!tpu.dma_semaphore, #tpu.memory_space<semaphore_mem>>)
    %dma_start3A_42 = arith.constant 1 : i32
    %dma_start3A_43 = arith.constant 1 : i32
    %dma_start3A_44 = arith.constant 0 : i32
    %dma_start3A_45 = tpu.memref_slice %arg7[%dma_start3A_43, %dma_start3A_44] : memref<4x128xi32, #tpu.memory_space<vmem>> -> memref<1x128xi32, #tpu.memory_space<vmem>>
    %dma_start3A_46 = tpu.memref_squeeze %dma_start3A_45 : memref<1x128xi32, #tpu.memory_space<vmem>> -> memref<128xi32, #tpu.memory_space<vmem>>
    %dma_start3A_47 = arith.constant 0 : i32
    %dma_start3A_48 = tpu.memref_slice %arg3[%add3A, %dma_start3A_42, %dma_start3A_47] : memref<32x80x128xi32, #tpu.memory_space<hbm>> -> memref<1x1x128xi32, #tpu.memory_space<hbm>>
    %dma_start3A_49 = tpu.memref_squeeze %dma_start3A_48 : memref<1x1x128xi32, #tpu.memory_space<hbm>> -> memref<128xi32, #tpu.memory_space<hbm>>
    %dma_start3A_50 = arith.constant 0 : i32
    %dma_start3A_51 = tpu.memref_slice %arg7[%dma_start3A_43, %dma_start3A_50] : memref<4x128xi32, #tpu.memory_space<vmem>> -> memref<1x128xi32, #tpu.memory_space<vmem>>
    %dma_start3A_52 = tpu.memref_squeeze %dma_start3A_51 : memref<1x128xi32, #tpu.memory_space<vmem>> -> memref<128xi32, #tpu.memory_space<vmem>>
    %dma_start3A_53 = arith.constant 0 : i32
    %dma_start3A_54 = tpu.memref_slice %arg3[%add3A, %dma_start3A_42, %dma_start3A_53] : memref<32x80x128xi32, #tpu.memory_space<hbm>> -> memref<1x1x128xi32, #tpu.memory_space<hbm>>
    %dma_start3A_55 = tpu.memref_squeeze %dma_start3A_54 : memref<1x1x128xi32, #tpu.memory_space<hbm>> -> memref<128xi32, #tpu.memory_space<hbm>>
    tpu.enqueue_dma source(%dma_start3A_55 : memref<128xi32, #tpu.memory_space<hbm>>) target(%dma_start3A_52 : memref<128xi32, #tpu.memory_space<vmem>>) target_semaphore(%arg12 : memref<!tpu.dma_semaphore, #tpu.memory_space<semaphore_mem>>)
    %dma_start3A_56 = arith.constant 2 : i32
    %dma_start3A_57 = arith.constant 2 : i32
    %dma_start3A_58 = arith.constant 0 : i32
    %dma_start3A_59 = tpu.memref_slice %arg6[%dma_start3A_57, %dma_start3A_58] : memref<4x128xi32, #tpu.memory_space<vmem>> -> memref<1x128xi32, #tpu.memory_space<vmem>>
    %dma_start3A_60 = tpu.memref_squeeze %dma_start3A_59 : memref<1x128xi32, #tpu.memory_space<vmem>> -> memref<128xi32, #tpu.memory_space<vmem>>
    %dma_start3A_61 = arith.constant 0 : i32
    %dma_start3A_62 = tpu.memref_slice %arg2[%add3A, %dma_start3A_56, %dma_start3A_61] : memref<32x80x128xi32, #tpu.memory_space<hbm>> -> memref<1x1x128xi32, #tpu.memory_space<hbm>>
    %dma_start3A_63 = tpu.memref_squeeze %dma_start3A_62 : memref<1x1x128xi32, #tpu.memory_space<hbm>> -> memref<128xi32, #tpu.memory_space<hbm>>
    %dma_start3A_64 = arith.constant 0 : i32
    %dma_start3A_65 = tpu.memref_slice %arg6[%dma_start3A_57, %dma_start3A_64] : memref<4x128xi32, #tpu.memory_space<vmem>> -> memref<1x128xi32, #tpu.memory_space<vmem>>
    %dma_start3A_66 = tpu.memref_squeeze %dma_start3A_65 : memref<1x128xi32, #tpu.memory_space<vmem>> -> memref<128xi32, #tpu.memory_space<vmem>>
    %dma_start3A_67 = arith.constant 0 : i32
    %dma_start3A_68 = tpu.memref_slice %arg2[%add3A, %dma_start3A_56, %dma_start3A_67] : memref<32x80x128xi32, #tpu.memory_space<hbm>> -> memref<1x1x128xi32, #tpu.memory_space<hbm>>
    %dma_start3A_69 = tpu.memref_squeeze %dma_start3A_68 : memref<1x1x128xi32, #tpu.memory_space<hbm>> -> memref<128xi32, #tpu.memory_space<hbm>>
    tpu.enqueue_dma source(%dma_start3A_69 : memref<128xi32, #tpu.memory_space<hbm>>) target(%dma_start3A_66 : memref<128xi32, #tpu.memory_space<vmem>>) target_semaphore(%arg13 : memref<!tpu.dma_semaphore, #tpu.memory_space<semaphore_mem>>)
    %dma_start3A_70 = arith.constant 2 : i32
    %dma_start3A_71 = arith.constant 2 : i32
    %dma_start3A_72 = arith.constant 0 : i32
    %dma_start3A_73 = tpu.memref_slice %arg7[%dma_start3A_71, %dma_start3A_72] : memref<4x128xi32, #tpu.memory_space<vmem>> -> memref<1x128xi32, #tpu.memory_space<vmem>>
    %dma_start3A_74 = tpu.memref_squeeze %dma_start3A_73 : memref<1x128xi32, #tpu.memory_space<vmem>> -> memref<128xi32, #tpu.memory_space<vmem>>
    %dma_start3A_75 = arith.constant 0 : i32
    %dma_start3A_76 = tpu.memref_slice %arg3[%add3A, %dma_start3A_70, %dma_start3A_75] : memref<32x80x128xi32, #tpu.memory_space<hbm>> -> memref<1x1x128xi32, #tpu.memory_space<hbm>>
    %dma_start3A_77 = tpu.memref_squeeze %dma_start3A_76 : memref<1x1x128xi32, #tpu.memory_space<hbm>> -> memref<128xi32, #tpu.memory_space<hbm>>
    %dma_start3A_78 = arith.constant 0 : i32
    %dma_start3A_79 = tpu.memref_slice %arg7[%dma_start3A_71, %dma_start3A_78] : memref<4x128xi32, #tpu.memory_space<vmem>> -> memref<1x128xi32, #tpu.memory_space<vmem>>
    %dma_start3A_80 = tpu.memref_squeeze %dma_start3A_79 : memref<1x128xi32, #tpu.memory_space<vmem>> -> memref<128xi32, #tpu.memory_space<vmem>>
    %dma_start3A_81 = arith.constant 0 : i32
    %dma_start3A_82 = tpu.memref_slice %arg3[%add3A, %dma_start3A_70, %dma_start3A_81] : memref<32x80x128xi32, #tpu.memory_space<hbm>> -> memref<1x1x128xi32, #tpu.memory_space<hbm>>
    %dma_start3A_83 = tpu.memref_squeeze %dma_start3A_82 : memref<1x1x128xi32, #tpu.memory_space<hbm>> -> memref<128xi32, #tpu.memory_space<hbm>>
    tpu.enqueue_dma source(%dma_start3A_83 : memref<128xi32, #tpu.memory_space<hbm>>) target(%dma_start3A_80 : memref<128xi32, #tpu.memory_space<vmem>>) target_semaphore(%arg13 : memref<!tpu.dma_semaphore, #tpu.memory_space<semaphore_mem>>)
    %dma_start3A_84 = arith.constant 3 : i32
    %dma_start3A_85 = arith.constant 3 : i32
    %dma_start3A_86 = arith.constant 0 : i32
    %dma_start3A_87 = tpu.memref_slice %arg6[%dma_start3A_85, %dma_start3A_86] : memref<4x128xi32, #tpu.memory_space<vmem>> -> memref<1x128xi32, #tpu.memory_space<vmem>>
    %dma_start3A_88 = tpu.memref_squeeze %dma_start3A_87 : memref<1x128xi32, #tpu.memory_space<vmem>> -> memref<128xi32, #tpu.memory_space<vmem>>
    %dma_start3A_89 = arith.constant 0 : i32
    %dma_start3A_90 = tpu.memref_slice %arg2[%add3A, %dma_start3A_84, %dma_start3A_89] : memref<32x80x128xi32, #tpu.memory_space<hbm>> -> memref<1x1x128xi32, #tpu.memory_space<hbm>>
    %dma_start3A_91 = tpu.memref_squeeze %dma_start3A_90 : memref<1x1x128xi32, #tpu.memory_space<hbm>> -> memref<128xi32, #tpu.memory_space<hbm>>
    %dma_start3A_92 = arith.constant 0 : i32
    %dma_start3A_93 = tpu.memref_slice %arg6[%dma_start3A_85, %dma_start3A_92] : memref<4x128xi32, #tpu.memory_space<vmem>> -> memref<1x128xi32, #tpu.memory_space<vmem>>
    %dma_start3A_94 = tpu.memref_squeeze %dma_start3A_93 : memref<1x128xi32, #tpu.memory_space<vmem>> -> memref<128xi32, #tpu.memory_space<vmem>>
    %dma_start3A_95 = arith.constant 0 : i32
    %dma_start3A_96 = tpu.memref_slice %arg2[%add3A, %dma_start3A_84, %dma_start3A_95] : memref<32x80x128xi32, #tpu.memory_space<hbm>> -> memref<1x1x128xi32, #tpu.memory_space<hbm>>
    %dma_start3A_97 = tpu.memref_squeeze %dma_start3A_96 : memref<1x1x128xi32, #tpu.memory_space<hbm>> -> memref<128xi32, #tpu.memory_space<hbm>>
    tpu.enqueue_dma source(%dma_start3A_97 : memref<128xi32, #tpu.memory_space<hbm>>) target(%dma_start3A_94 : memref<128xi32, #tpu.memory_space<vmem>>) target_semaphore(%arg14 : memref<!tpu.dma_semaphore, #tpu.memory_space<semaphore_mem>>)
    %dma_start3A_98 = arith.constant 3 : i32
    %dma_start3A_99 = arith.constant 3 : i32
    %dma_start3A_100 = arith.constant 0 : i32
    %dma_start3A_101 = tpu.memref_slice %arg7[%dma_start3A_99, %dma_start3A_100] : memref<4x128xi32, #tpu.memory_space<vmem>> -> memref<1x128xi32, #tpu.memory_space<vmem>>
    %dma_start3A_102 = tpu.memref_squeeze %dma_start3A_101 : memref<1x128xi32, #tpu.memory_space<vmem>> -> memref<128xi32, #tpu.memory_space<vmem>>
    %dma_start3A_103 = arith.constant 0 : i32
    %dma_start3A_104 = tpu.memref_slice %arg3[%add3A, %dma_start3A_98, %dma_start3A_103] : memref<32x80x128xi32, #tpu.memory_space<hbm>> -> memref<1x1x128xi32, #tpu.memory_space<hbm>>
    %dma_start3A_105 = tpu.memref_squeeze %dma_start3A_104 : memref<1x1x128xi32, #tpu.memory_space<hbm>> -> memref<128xi32, #tpu.memory_space<hbm>>
    %dma_start3A_106 = arith.constant 0 : i32
    %dma_start3A_107 = tpu.memref_slice %arg7[%dma_start3A_99, %dma_start3A_106] : memref<4x128xi32, #tpu.memory_space<vmem>> -> memref<1x128xi32, #tpu.memory_space<vmem>>
    %dma_start3A_108 = tpu.memref_squeeze %dma_start3A_107 : memref<1x128xi32, #tpu.memory_space<vmem>> -> memref<128xi32, #tpu.memory_space<vmem>>
    %dma_start3A_109 = arith.constant 0 : i32
    %dma_start3A_110 = tpu.memref_slice %arg3[%add3A, %dma_start3A_98, %dma_start3A_109] : memref<32x80x128xi32, #tpu.memory_space<hbm>> -> memref<1x1x128xi32, #tpu.memory_space<hbm>>
    %dma_start3A_111 = tpu.memref_squeeze %dma_start3A_110 : memref<1x1x128xi32, #tpu.memory_space<hbm>> -> memref<128xi32, #tpu.memory_space<hbm>>
    tpu.enqueue_dma source(%dma_start3A_111 : memref<128xi32, #tpu.memory_space<hbm>>) target(%dma_start3A_108 : memref<128xi32, #tpu.memory_space<vmem>>) target_semaphore(%arg14 : memref<!tpu.dma_semaphore, #tpu.memory_space<semaphore_mem>>)
    %scan3A = arith.constant 0 : i32
    %scan3A_112 = arith.constant 0 : i32
    %scan3A_113 = arith.constant 1024 : i32
    %scan3A_114 = arith.addi %scan3A_112, %scan3A_113 : i32
    %scan3A_115 = arith.constant 1 : i32
    scf.for %scan3A_358 = %scan3A_112 to %scan3A_114 step %scan3A_115  : i32 {
      %broadcast_in_dim3A = arith.constant 0.000000e+00 : f32
      %broadcast_in_dim3A_359 = vector.broadcast %broadcast_in_dim3A : f32 to vector<16xf32>
      %jit3A = arith.constant 8 : i32
      %div3A = arith.divsi %scan3A_358, %jit3A : i32
      %sign3A = arith.constant 0 : i32
      %sign3A_360 = arith.cmpi sgt, %scan3A_358, %sign3A : i32
      %sign3A_361 = arith.extui %sign3A_360 : i1 to i32
      %sign3A_362 = arith.constant 0 : i32
      %sign3A_363 = arith.cmpi slt, %scan3A_358, %sign3A_362 : i32
      %sign3A_364 = arith.extui %sign3A_363 : i1 to i32
      %sign3A_365 = arith.subi %sign3A_361, %sign3A_364 : i32
      %sign3A_366 = arith.constant 0 : i32
      %sign3A_367 = arith.cmpi sgt, %jit3A, %sign3A_366 : i32
      %sign3A_368 = arith.extui %sign3A_367 : i1 to i32
      %sign3A_369 = arith.constant 0 : i32
      %sign3A_370 = arith.cmpi slt, %jit3A, %sign3A_369 : i32
      %sign3A_371 = arith.extui %sign3A_370 : i1 to i32
      %sign3A_372 = arith.subi %sign3A_368, %sign3A_371 : i32
      %ne3A = arith.cmpi ne, %sign3A_365, %sign3A_372 : i32
      %rem3A = arith.remsi %scan3A_358, %jit3A : i32
      %ne3A_373 = arith.constant 0 : i32
      %ne3A_374 = arith.cmpi ne, %rem3A, %ne3A_373 : i32
      %and3A = arith.andi %ne3A, %ne3A_374 : i1
      %sub3A = arith.constant 1 : i32
      %sub3A_375 = arith.subi %div3A, %sub3A : i32
      %select_n3A = arith.select %and3A, %sub3A_375, %div3A : i32
      %jit3A_376 = arith.constant 8 : i32
      %eq3A = arith.constant 0 : i32
      %eq3A_377 = arith.cmpi eq, %jit3A_376, %eq3A : i32
      %jit3A_378 = arith.constant 1 : i32
      %select_n3A_379 = arith.select %eq3A_377, %jit3A_378, %jit3A_376 : i32
      %rem3A_380 = arith.remsi %scan3A_358, %select_n3A_379 : i32
      %ne3A_381 = arith.constant 0 : i32
      %ne3A_382 = arith.cmpi ne, %rem3A_380, %ne3A_381 : i32
      %lt3A_383 = arith.constant 0 : i32
      %lt3A_384 = arith.cmpi slt, %rem3A_380, %lt3A_383 : i32
      %lt3A_385 = arith.constant 0 : i32
      %lt3A_386 = arith.cmpi slt, %select_n3A_379, %lt3A_385 : i32
      %ne3A_387 = arith.xori %lt3A_384, %lt3A_386 : i1
      %and3A_388 = arith.andi %ne3A_387, %ne3A_382 : i1
      %add3A_389 = arith.addi %rem3A_380, %select_n3A_379 : i32
      %select_n3A_390 = arith.select %and3A_388, %add3A_389, %rem3A_380 : i32
      %mul3A_391 = arith.constant 16 : i32
      %mul3A_392 = arith.muli %select_n3A_390, %mul3A_391 : i32
      %swap3A = arith.index_cast %select_n3A : i32 to index
      %swap3A_393 = arith.index_cast %mul3A_392 : i32 to index
      %swap3A_394 = tpu.vector_load %arg8[%swap3A, %swap3A_393] {strides = array<i32>} : memref<128x128xf32, #tpu.memory_space<vmem>>, vector<16xf32>,
      tpu.vector_store %arg8[%swap3A, %swap3A_393], %broadcast_in_dim3A_359 {strides = array<i32>} : memref<128x128xf32, #tpu.memory_space<vmem>>, vector<16xf32>,
    }
    %scan3A_116 = arith.constant 1024 : i32
    %add3A_117 = arith.constant 0 : i32
    %add3A_118 = arith.addi %arg1, %add3A_117 : i32
    %lt3A = arith.constant 125 : i32
    %lt3A_119 = arith.cmpi slt, %add3A_118, %lt3A : i32
    %convert_element_type3A = arith.extui %lt3A_119 : i1 to i32
    %cond3A = arith.constant 0 : i32
    %cond3A_120 = arith.cmpi ne, %convert_element_type3A, %cond3A : i32
    scf.if %cond3A_120 {
      %mul3A_358 = arith.constant 80 : i32
      %mul3A_359 = arith.muli %add3A_118, %mul3A_358 : i32
      "tpu.region"() ({
        %run_scoped3A = tpu.sem_alloc : memref<!tpu.dma_semaphore, #tpu.memory_space<semaphore_mem>>
        %dma_start3A_360 = arith.constant 0 : i32
        %dma_start3A_361 = arith.constant 0 : i32
        %dma_start3A_362 = tpu.memref_slice %arg8[%dma_start3A_360, %dma_start3A_361] : memref<128x128xf32, #tpu.memory_space<vmem>> -> memref<80x128xf32, #tpu.memory_space<vmem>>
        %dma_start3A_363 = arith.constant 0 : i32
        %dma_start3A_364 = tpu.memref_slice %arg10[%mul3A_359, %dma_start3A_363] : memref<10008x128xf32, #tpu.memory_space<vmem_shared>> -> memref<80x128xf32, #tpu.memory_space<vmem_shared>>
        %dma_start3A_365 = arith.constant 0 : i32
        %dma_start3A_366 = tpu.memref_slice %arg10[%mul3A_359, %dma_start3A_365] : memref<10008x128xf32, #tpu.memory_space<vmem_shared>> -> memref<80x128xf32, #tpu.memory_space<vmem_shared>>
        %dma_start3A_367 = arith.constant 0 : i32
        %dma_start3A_368 = arith.constant 0 : i32
        %dma_start3A_369 = tpu.memref_slice %arg8[%dma_start3A_367, %dma_start3A_368] : memref<128x128xf32, #tpu.memory_space<vmem>> -> memref<80x128xf32, #tpu.memory_space<vmem>>
        tpu.enqueue_dma source(%dma_start3A_369 : memref<80x128xf32, #tpu.memory_space<vmem>>) target(%dma_start3A_366 : memref<80x128xf32, #tpu.memory_space<vmem_shared>>) target_semaphore(%run_scoped3A : memref<!tpu.dma_semaphore, #tpu.memory_space<semaphore_mem>>)
        %dma_wait3A_370 = arith.constant 0 : i32
        %dma_wait3A_371 = arith.constant 0 : i32
        %dma_wait3A_372 = tpu.memref_slice %arg8[%dma_wait3A_370, %dma_wait3A_371] : memref<128x128xf32, #tpu.memory_space<vmem>> -> memref<80x128xf32, #tpu.memory_space<vmem>>
        %dma_wait3A_373 = arith.constant 0 : i32
        %dma_wait3A_374 = tpu.memref_slice %arg10[%mul3A_359, %dma_wait3A_373] : memref<10008x128xf32, #tpu.memory_space<vmem_shared>> -> memref<80x128xf32, #tpu.memory_space<vmem_shared>>
        %dma_wait3A_375 = arith.constant 0 : i32
        %dma_wait3A_376 = tpu.memref_slice %arg10[%mul3A_359, %dma_wait3A_375] : memref<10008x128xf32, #tpu.memory_space<vmem_shared>> -> memref<80x128xf32, #tpu.memory_space<vmem_shared>>
        %dma_wait3A_377 = arith.constant 0 : i32
        %dma_wait3A_378 = arith.constant 0 : i32
        %dma_wait3A_379 = tpu.memref_slice %arg8[%dma_wait3A_377, %dma_wait3A_378] : memref<128x128xf32, #tpu.memory_space<vmem>> -> memref<80x128xf32, #tpu.memory_space<vmem>>
        tpu.wait_dma2 semaphore(%run_scoped3A : memref<!tpu.dma_semaphore, #tpu.memory_space<semaphore_mem>>) src(%dma_wait3A_379 : memref<80x128xf32, #tpu.memory_space<vmem>>) dst(%dma_wait3A_376 : memref<80x128xf32, #tpu.memory_space<vmem_shared>>)
        tpu.yield
      }) : () -> ()
    } else {
    }
    %add3A_121 = arith.constant 16 : i32
    %add3A_122 = arith.addi %arg1, %add3A_121 : i32
    %lt3A_123 = arith.constant 125 : i32
    %lt3A_124 = arith.cmpi slt, %add3A_122, %lt3A_123 : i32
    %convert_element_type3A_125 = arith.extui %lt3A_124 : i1 to i32
    %cond3A_126 = arith.constant 0 : i32
    %cond3A_127 = arith.cmpi ne, %convert_element_type3A_125, %cond3A_126 : i32
    scf.if %cond3A_127 {
      %mul3A_358 = arith.constant 80 : i32
      %mul3A_359 = arith.muli %add3A_122, %mul3A_358 : i32
      "tpu.region"() ({
        %run_scoped3A = tpu.sem_alloc : memref<!tpu.dma_semaphore, #tpu.memory_space<semaphore_mem>>
        %dma_start3A_360 = arith.constant 0 : i32
        %dma_start3A_361 = arith.constant 0 : i32
        %dma_start3A_362 = tpu.memref_slice %arg8[%dma_start3A_360, %dma_start3A_361] : memref<128x128xf32, #tpu.memory_space<vmem>> -> memref<80x128xf32, #tpu.memory_space<vmem>>
        %dma_start3A_363 = arith.constant 0 : i32
        %dma_start3A_364 = tpu.memref_slice %arg10[%mul3A_359, %dma_start3A_363] : memref<10008x128xf32, #tpu.memory_space<vmem_shared>> -> memref<80x128xf32, #tpu.memory_space<vmem_shared>>
        %dma_start3A_365 = arith.constant 0 : i32
        %dma_start3A_366 = tpu.memref_slice %arg10[%mul3A_359, %dma_start3A_365] : memref<10008x128xf32, #tpu.memory_space<vmem_shared>> -> memref<80x128xf32, #tpu.memory_space<vmem_shared>>
        %dma_start3A_367 = arith.constant 0 : i32
        %dma_start3A_368 = arith.constant 0 : i32
        %dma_start3A_369 = tpu.memref_slice %arg8[%dma_start3A_367, %dma_start3A_368] : memref<128x128xf32, #tpu.memory_space<vmem>> -> memref<80x128xf32, #tpu.memory_space<vmem>>
        tpu.enqueue_dma source(%dma_start3A_369 : memref<80x128xf32, #tpu.memory_space<vmem>>) target(%dma_start3A_366 : memref<80x128xf32, #tpu.memory_space<vmem_shared>>) target_semaphore(%run_scoped3A : memref<!tpu.dma_semaphore, #tpu.memory_space<semaphore_mem>>)
        %dma_wait3A_370 = arith.constant 0 : i32
        %dma_wait3A_371 = arith.constant 0 : i32
        %dma_wait3A_372 = tpu.memref_slice %arg8[%dma_wait3A_370, %dma_wait3A_371] : memref<128x128xf32, #tpu.memory_space<vmem>> -> memref<80x128xf32, #tpu.memory_space<vmem>>
        %dma_wait3A_373 = arith.constant 0 : i32
        %dma_wait3A_374 = tpu.memref_slice %arg10[%mul3A_359, %dma_wait3A_373] : memref<10008x128xf32, #tpu.memory_space<vmem_shared>> -> memref<80x128xf32, #tpu.memory_space<vmem_shared>>
        %dma_wait3A_375 = arith.constant 0 : i32
        %dma_wait3A_376 = tpu.memref_slice %arg10[%mul3A_359, %dma_wait3A_375] : memref<10008x128xf32, #tpu.memory_space<vmem_shared>> -> memref<80x128xf32, #tpu.memory_space<vmem_shared>>
        %dma_wait3A_377 = arith.constant 0 : i32
        %dma_wait3A_378 = arith.constant 0 : i32
        %dma_wait3A_379 = tpu.memref_slice %arg8[%dma_wait3A_377, %dma_wait3A_378] : memref<128x128xf32, #tpu.memory_space<vmem>> -> memref<80x128xf32, #tpu.memory_space<vmem>>
        tpu.wait_dma2 semaphore(%run_scoped3A : memref<!tpu.dma_semaphore, #tpu.memory_space<semaphore_mem>>) src(%dma_wait3A_379 : memref<80x128xf32, #tpu.memory_space<vmem>>) dst(%dma_wait3A_376 : memref<80x128xf32, #tpu.memory_space<vmem_shared>>)
        tpu.yield
      }) : () -> ()
    } else {
    }
    %add3A_128 = arith.constant 32 : i32
    %add3A_129 = arith.addi %arg1, %add3A_128 : i32
    %lt3A_130 = arith.constant 125 : i32
    %lt3A_131 = arith.cmpi slt, %add3A_129, %lt3A_130 : i32
    %convert_element_type3A_132 = arith.extui %lt3A_131 : i1 to i32
    %cond3A_133 = arith.constant 0 : i32
    %cond3A_134 = arith.cmpi ne, %convert_element_type3A_132, %cond3A_133 : i32
    scf.if %cond3A_134 {
      %mul3A_358 = arith.constant 80 : i32
      %mul3A_359 = arith.muli %add3A_129, %mul3A_358 : i32
      "tpu.region"() ({
        %run_scoped3A = tpu.sem_alloc : memref<!tpu.dma_semaphore, #tpu.memory_space<semaphore_mem>>
        %dma_start3A_360 = arith.constant 0 : i32
        %dma_start3A_361 = arith.constant 0 : i32
        %dma_start3A_362 = tpu.memref_slice %arg8[%dma_start3A_360, %dma_start3A_361] : memref<128x128xf32, #tpu.memory_space<vmem>> -> memref<80x128xf32, #tpu.memory_space<vmem>>
        %dma_start3A_363 = arith.constant 0 : i32
        %dma_start3A_364 = tpu.memref_slice %arg10[%mul3A_359, %dma_start3A_363] : memref<10008x128xf32, #tpu.memory_space<vmem_shared>> -> memref<80x128xf32, #tpu.memory_space<vmem_shared>>
        %dma_start3A_365 = arith.constant 0 : i32
        %dma_start3A_366 = tpu.memref_slice %arg10[%mul3A_359, %dma_start3A_365] : memref<10008x128xf32, #tpu.memory_space<vmem_shared>> -> memref<80x128xf32, #tpu.memory_space<vmem_shared>>
        %dma_start3A_367 = arith.constant 0 : i32
        %dma_start3A_368 = arith.constant 0 : i32
        %dma_start3A_369 = tpu.memref_slice %arg8[%dma_start3A_367, %dma_start3A_368] : memref<128x128xf32, #tpu.memory_space<vmem>> -> memref<80x128xf32, #tpu.memory_space<vmem>>
        tpu.enqueue_dma source(%dma_start3A_369 : memref<80x128xf32, #tpu.memory_space<vmem>>) target(%dma_start3A_366 : memref<80x128xf32, #tpu.memory_space<vmem_shared>>) target_semaphore(%run_scoped3A : memref<!tpu.dma_semaphore, #tpu.memory_space<semaphore_mem>>)
        %dma_wait3A_370 = arith.constant 0 : i32
        %dma_wait3A_371 = arith.constant 0 : i32
        %dma_wait3A_372 = tpu.memref_slice %arg8[%dma_wait3A_370, %dma_wait3A_371] : memref<128x128xf32, #tpu.memory_space<vmem>> -> memref<80x128xf32, #tpu.memory_space<vmem>>
        %dma_wait3A_373 = arith.constant 0 : i32
        %dma_wait3A_374 = tpu.memref_slice %arg10[%mul3A_359, %dma_wait3A_373] : memref<10008x128xf32, #tpu.memory_space<vmem_shared>> -> memref<80x128xf32, #tpu.memory_space<vmem_shared>>
        %dma_wait3A_375 = arith.constant 0 : i32
        %dma_wait3A_376 = tpu.memref_slice %arg10[%mul3A_359, %dma_wait3A_375] : memref<10008x128xf32, #tpu.memory_space<vmem_shared>> -> memref<80x128xf32, #tpu.memory_space<vmem_shared>>
        %dma_wait3A_377 = arith.constant 0 : i32
        %dma_wait3A_378 = arith.constant 0 : i32
        %dma_wait3A_379 = tpu.memref_slice %arg8[%dma_wait3A_377, %dma_wait3A_378] : memref<128x128xf32, #tpu.memory_space<vmem>> -> memref<80x128xf32, #tpu.memory_space<vmem>>
        tpu.wait_dma2 semaphore(%run_scoped3A : memref<!tpu.dma_semaphore, #tpu.memory_space<semaphore_mem>>) src(%dma_wait3A_379 : memref<80x128xf32, #tpu.memory_space<vmem>>) dst(%dma_wait3A_376 : memref<80x128xf32, #tpu.memory_space<vmem_shared>>)
        tpu.yield
      }) : () -> ()
    } else {
    }
    %add3A_135 = arith.constant 48 : i32
    %add3A_136 = arith.addi %arg1, %add3A_135 : i32
    %lt3A_137 = arith.constant 125 : i32
    %lt3A_138 = arith.cmpi slt, %add3A_136, %lt3A_137 : i32
    %convert_element_type3A_139 = arith.extui %lt3A_138 : i1 to i32
    %cond3A_140 = arith.constant 0 : i32
    %cond3A_141 = arith.cmpi ne, %convert_element_type3A_139, %cond3A_140 : i32
    scf.if %cond3A_141 {
      %mul3A_358 = arith.constant 80 : i32
      %mul3A_359 = arith.muli %add3A_136, %mul3A_358 : i32
      "tpu.region"() ({
        %run_scoped3A = tpu.sem_alloc : memref<!tpu.dma_semaphore, #tpu.memory_space<semaphore_mem>>
        %dma_start3A_360 = arith.constant 0 : i32
        %dma_start3A_361 = arith.constant 0 : i32
        %dma_start3A_362 = tpu.memref_slice %arg8[%dma_start3A_360, %dma_start3A_361] : memref<128x128xf32, #tpu.memory_space<vmem>> -> memref<80x128xf32, #tpu.memory_space<vmem>>
        %dma_start3A_363 = arith.constant 0 : i32
        %dma_start3A_364 = tpu.memref_slice %arg10[%mul3A_359, %dma_start3A_363] : memref<10008x128xf32, #tpu.memory_space<vmem_shared>> -> memref<80x128xf32, #tpu.memory_space<vmem_shared>>
        %dma_start3A_365 = arith.constant 0 : i32
        %dma_start3A_366 = tpu.memref_slice %arg10[%mul3A_359, %dma_start3A_365] : memref<10008x128xf32, #tpu.memory_space<vmem_shared>> -> memref<80x128xf32, #tpu.memory_space<vmem_shared>>
        %dma_start3A_367 = arith.constant 0 : i32
        %dma_start3A_368 = arith.constant 0 : i32
        %dma_start3A_369 = tpu.memref_slice %arg8[%dma_start3A_367, %dma_start3A_368] : memref<128x128xf32, #tpu.memory_space<vmem>> -> memref<80x128xf32, #tpu.memory_space<vmem>>
        tpu.enqueue_dma source(%dma_start3A_369 : memref<80x128xf32, #tpu.memory_space<vmem>>) target(%dma_start3A_366 : memref<80x128xf32, #tpu.memory_space<vmem_shared>>) target_semaphore(%run_scoped3A : memref<!tpu.dma_semaphore, #tpu.memory_space<semaphore_mem>>)
        %dma_wait3A_370 = arith.constant 0 : i32
        %dma_wait3A_371 = arith.constant 0 : i32
        %dma_wait3A_372 = tpu.memref_slice %arg8[%dma_wait3A_370, %dma_wait3A_371] : memref<128x128xf32, #tpu.memory_space<vmem>> -> memref<80x128xf32, #tpu.memory_space<vmem>>
        %dma_wait3A_373 = arith.constant 0 : i32
        %dma_wait3A_374 = tpu.memref_slice %arg10[%mul3A_359, %dma_wait3A_373] : memref<10008x128xf32, #tpu.memory_space<vmem_shared>> -> memref<80x128xf32, #tpu.memory_space<vmem_shared>>
        %dma_wait3A_375 = arith.constant 0 : i32
        %dma_wait3A_376 = tpu.memref_slice %arg10[%mul3A_359, %dma_wait3A_375] : memref<10008x128xf32, #tpu.memory_space<vmem_shared>> -> memref<80x128xf32, #tpu.memory_space<vmem_shared>>
        %dma_wait3A_377 = arith.constant 0 : i32
        %dma_wait3A_378 = arith.constant 0 : i32
        %dma_wait3A_379 = tpu.memref_slice %arg8[%dma_wait3A_377, %dma_wait3A_378] : memref<128x128xf32, #tpu.memory_space<vmem>> -> memref<80x128xf32, #tpu.memory_space<vmem>>
        tpu.wait_dma2 semaphore(%run_scoped3A : memref<!tpu.dma_semaphore, #tpu.memory_space<semaphore_mem>>) src(%dma_wait3A_379 : memref<80x128xf32, #tpu.memory_space<vmem>>) dst(%dma_wait3A_376 : memref<80x128xf32, #tpu.memory_space<vmem_shared>>)
        tpu.yield
      }) : () -> ()
    } else {
    }
    %add3A_142 = arith.constant 64 : i32
    %add3A_143 = arith.addi %arg1, %add3A_142 : i32
    %lt3A_144 = arith.constant 125 : i32
    %lt3A_145 = arith.cmpi slt, %add3A_143, %lt3A_144 : i32
    %convert_element_type3A_146 = arith.extui %lt3A_145 : i1 to i32
    %cond3A_147 = arith.constant 0 : i32
    %cond3A_148 = arith.cmpi ne, %convert_element_type3A_146, %cond3A_147 : i32
    scf.if %cond3A_148 {
      %mul3A_358 = arith.constant 80 : i32
      %mul3A_359 = arith.muli %add3A_143, %mul3A_358 : i32
      "tpu.region"() ({
        %run_scoped3A = tpu.sem_alloc : memref<!tpu.dma_semaphore, #tpu.memory_space<semaphore_mem>>
        %dma_start3A_360 = arith.constant 0 : i32
        %dma_start3A_361 = arith.constant 0 : i32
        %dma_start3A_362 = tpu.memref_slice %arg8[%dma_start3A_360, %dma_start3A_361] : memref<128x128xf32, #tpu.memory_space<vmem>> -> memref<80x128xf32, #tpu.memory_space<vmem>>
        %dma_start3A_363 = arith.constant 0 : i32
        %dma_start3A_364 = tpu.memref_slice %arg10[%mul3A_359, %dma_start3A_363] : memref<10008x128xf32, #tpu.memory_space<vmem_shared>> -> memref<80x128xf32, #tpu.memory_space<vmem_shared>>
        %dma_start3A_365 = arith.constant 0 : i32
        %dma_start3A_366 = tpu.memref_slice %arg10[%mul3A_359, %dma_start3A_365] : memref<10008x128xf32, #tpu.memory_space<vmem_shared>> -> memref<80x128xf32, #tpu.memory_space<vmem_shared>>
        %dma_start3A_367 = arith.constant 0 : i32
        %dma_start3A_368 = arith.constant 0 : i32
        %dma_start3A_369 = tpu.memref_slice %arg8[%dma_start3A_367, %dma_start3A_368] : memref<128x128xf32, #tpu.memory_space<vmem>> -> memref<80x128xf32, #tpu.memory_space<vmem>>
        tpu.enqueue_dma source(%dma_start3A_369 : memref<80x128xf32, #tpu.memory_space<vmem>>) target(%dma_start3A_366 : memref<80x128xf32, #tpu.memory_space<vmem_shared>>) target_semaphore(%run_scoped3A : memref<!tpu.dma_semaphore, #tpu.memory_space<semaphore_mem>>)
        %dma_wait3A_370 = arith.constant 0 : i32
        %dma_wait3A_371 = arith.constant 0 : i32
        %dma_wait3A_372 = tpu.memref_slice %arg8[%dma_wait3A_370, %dma_wait3A_371] : memref<128x128xf32, #tpu.memory_space<vmem>> -> memref<80x128xf32, #tpu.memory_space<vmem>>
        %dma_wait3A_373 = arith.constant 0 : i32
        %dma_wait3A_374 = tpu.memref_slice %arg10[%mul3A_359, %dma_wait3A_373] : memref<10008x128xf32, #tpu.memory_space<vmem_shared>> -> memref<80x128xf32, #tpu.memory_space<vmem_shared>>
        %dma_wait3A_375 = arith.constant 0 : i32
        %dma_wait3A_376 = tpu.memref_slice %arg10[%mul3A_359, %dma_wait3A_375] : memref<10008x128xf32, #tpu.memory_space<vmem_shared>> -> memref<80x128xf32, #tpu.memory_space<vmem_shared>>
        %dma_wait3A_377 = arith.constant 0 : i32
        %dma_wait3A_378 = arith.constant 0 : i32
        %dma_wait3A_379 = tpu.memref_slice %arg8[%dma_wait3A_377, %dma_wait3A_378] : memref<128x128xf32, #tpu.memory_space<vmem>> -> memref<80x128xf32, #tpu.memory_space<vmem>>
        tpu.wait_dma2 semaphore(%run_scoped3A : memref<!tpu.dma_semaphore, #tpu.memory_space<semaphore_mem>>) src(%dma_wait3A_379 : memref<80x128xf32, #tpu.memory_space<vmem>>) dst(%dma_wait3A_376 : memref<80x128xf32, #tpu.memory_space<vmem_shared>>)
        tpu.yield
      }) : () -> ()
    } else {
    }
    %add3A_149 = arith.constant 80 : i32
    %add3A_150 = arith.addi %arg1, %add3A_149 : i32
    %lt3A_151 = arith.constant 125 : i32
    %lt3A_152 = arith.cmpi slt, %add3A_150, %lt3A_151 : i32
    %convert_element_type3A_153 = arith.extui %lt3A_152 : i1 to i32
    %cond3A_154 = arith.constant 0 : i32
    %cond3A_155 = arith.cmpi ne, %convert_element_type3A_153, %cond3A_154 : i32
    scf.if %cond3A_155 {
      %mul3A_358 = arith.constant 80 : i32
      %mul3A_359 = arith.muli %add3A_150, %mul3A_358 : i32
      "tpu.region"() ({
        %run_scoped3A = tpu.sem_alloc : memref<!tpu.dma_semaphore, #tpu.memory_space<semaphore_mem>>
        %dma_start3A_360 = arith.constant 0 : i32
        %dma_start3A_361 = arith.constant 0 : i32
        %dma_start3A_362 = tpu.memref_slice %arg8[%dma_start3A_360, %dma_start3A_361] : memref<128x128xf32, #tpu.memory_space<vmem>> -> memref<80x128xf32, #tpu.memory_space<vmem>>
        %dma_start3A_363 = arith.constant 0 : i32
        %dma_start3A_364 = tpu.memref_slice %arg10[%mul3A_359, %dma_start3A_363] : memref<10008x128xf32, #tpu.memory_space<vmem_shared>> -> memref<80x128xf32, #tpu.memory_space<vmem_shared>>
        %dma_start3A_365 = arith.constant 0 : i32
        %dma_start3A_366 = tpu.memref_slice %arg10[%mul3A_359, %dma_start3A_365] : memref<10008x128xf32, #tpu.memory_space<vmem_shared>> -> memref<80x128xf32, #tpu.memory_space<vmem_shared>>
        %dma_start3A_367 = arith.constant 0 : i32
        %dma_start3A_368 = arith.constant 0 : i32
        %dma_start3A_369 = tpu.memref_slice %arg8[%dma_start3A_367, %dma_start3A_368] : memref<128x128xf32, #tpu.memory_space<vmem>> -> memref<80x128xf32, #tpu.memory_space<vmem>>
        tpu.enqueue_dma source(%dma_start3A_369 : memref<80x128xf32, #tpu.memory_space<vmem>>) target(%dma_start3A_366 : memref<80x128xf32, #tpu.memory_space<vmem_shared>>) target_semaphore(%run_scoped3A : memref<!tpu.dma_semaphore, #tpu.memory_space<semaphore_mem>>)
        %dma_wait3A_370 = arith.constant 0 : i32
        %dma_wait3A_371 = arith.constant 0 : i32
        %dma_wait3A_372 = tpu.memref_slice %arg8[%dma_wait3A_370, %dma_wait3A_371] : memref<128x128xf32, #tpu.memory_space<vmem>> -> memref<80x128xf32, #tpu.memory_space<vmem>>
        %dma_wait3A_373 = arith.constant 0 : i32
        %dma_wait3A_374 = tpu.memref_slice %arg10[%mul3A_359, %dma_wait3A_373] : memref<10008x128xf32, #tpu.memory_space<vmem_shared>> -> memref<80x128xf32, #tpu.memory_space<vmem_shared>>
        %dma_wait3A_375 = arith.constant 0 : i32
        %dma_wait3A_376 = tpu.memref_slice %arg10[%mul3A_359, %dma_wait3A_375] : memref<10008x128xf32, #tpu.memory_space<vmem_shared>> -> memref<80x128xf32, #tpu.memory_space<vmem_shared>>
        %dma_wait3A_377 = arith.constant 0 : i32
        %dma_wait3A_378 = arith.constant 0 : i32
        %dma_wait3A_379 = tpu.memref_slice %arg8[%dma_wait3A_377, %dma_wait3A_378] : memref<128x128xf32, #tpu.memory_space<vmem>> -> memref<80x128xf32, #tpu.memory_space<vmem>>
        tpu.wait_dma2 semaphore(%run_scoped3A : memref<!tpu.dma_semaphore, #tpu.memory_space<semaphore_mem>>) src(%dma_wait3A_379 : memref<80x128xf32, #tpu.memory_space<vmem>>) dst(%dma_wait3A_376 : memref<80x128xf32, #tpu.memory_space<vmem_shared>>)
        tpu.yield
      }) : () -> ()
    } else {
    }
    %add3A_156 = arith.constant 96 : i32
    %add3A_157 = arith.addi %arg1, %add3A_156 : i32
    %lt3A_158 = arith.constant 125 : i32
    %lt3A_159 = arith.cmpi slt, %add3A_157, %lt3A_158 : i32
    %convert_element_type3A_160 = arith.extui %lt3A_159 : i1 to i32
    %cond3A_161 = arith.constant 0 : i32
    %cond3A_162 = arith.cmpi ne, %convert_element_type3A_160, %cond3A_161 : i32
    scf.if %cond3A_162 {
      %mul3A_358 = arith.constant 80 : i32
      %mul3A_359 = arith.muli %add3A_157, %mul3A_358 : i32
      "tpu.region"() ({
        %run_scoped3A = tpu.sem_alloc : memref<!tpu.dma_semaphore, #tpu.memory_space<semaphore_mem>>
        %dma_start3A_360 = arith.constant 0 : i32
        %dma_start3A_361 = arith.constant 0 : i32
        %dma_start3A_362 = tpu.memref_slice %arg8[%dma_start3A_360, %dma_start3A_361] : memref<128x128xf32, #tpu.memory_space<vmem>> -> memref<80x128xf32, #tpu.memory_space<vmem>>
        %dma_start3A_363 = arith.constant 0 : i32
        %dma_start3A_364 = tpu.memref_slice %arg10[%mul3A_359, %dma_start3A_363] : memref<10008x128xf32, #tpu.memory_space<vmem_shared>> -> memref<80x128xf32, #tpu.memory_space<vmem_shared>>
        %dma_start3A_365 = arith.constant 0 : i32
        %dma_start3A_366 = tpu.memref_slice %arg10[%mul3A_359, %dma_start3A_365] : memref<10008x128xf32, #tpu.memory_space<vmem_shared>> -> memref<80x128xf32, #tpu.memory_space<vmem_shared>>
        %dma_start3A_367 = arith.constant 0 : i32
        %dma_start3A_368 = arith.constant 0 : i32
        %dma_start3A_369 = tpu.memref_slice %arg8[%dma_start3A_367, %dma_start3A_368] : memref<128x128xf32, #tpu.memory_space<vmem>> -> memref<80x128xf32, #tpu.memory_space<vmem>>
        tpu.enqueue_dma source(%dma_start3A_369 : memref<80x128xf32, #tpu.memory_space<vmem>>) target(%dma_start3A_366 : memref<80x128xf32, #tpu.memory_space<vmem_shared>>) target_semaphore(%run_scoped3A : memref<!tpu.dma_semaphore, #tpu.memory_space<semaphore_mem>>)
        %dma_wait3A_370 = arith.constant 0 : i32
        %dma_wait3A_371 = arith.constant 0 : i32
        %dma_wait3A_372 = tpu.memref_slice %arg8[%dma_wait3A_370, %dma_wait3A_371] : memref<128x128xf32, #tpu.memory_space<vmem>> -> memref<80x128xf32, #tpu.memory_space<vmem>>
        %dma_wait3A_373 = arith.constant 0 : i32
        %dma_wait3A_374 = tpu.memref_slice %arg10[%mul3A_359, %dma_wait3A_373] : memref<10008x128xf32, #tpu.memory_space<vmem_shared>> -> memref<80x128xf32, #tpu.memory_space<vmem_shared>>
        %dma_wait3A_375 = arith.constant 0 : i32
        %dma_wait3A_376 = tpu.memref_slice %arg10[%mul3A_359, %dma_wait3A_375] : memref<10008x128xf32, #tpu.memory_space<vmem_shared>> -> memref<80x128xf32, #tpu.memory_space<vmem_shared>>
        %dma_wait3A_377 = arith.constant 0 : i32
        %dma_wait3A_378 = arith.constant 0 : i32
        %dma_wait3A_379 = tpu.memref_slice %arg8[%dma_wait3A_377, %dma_wait3A_378] : memref<128x128xf32, #tpu.memory_space<vmem>> -> memref<80x128xf32, #tpu.memory_space<vmem>>
        tpu.wait_dma2 semaphore(%run_scoped3A : memref<!tpu.dma_semaphore, #tpu.memory_space<semaphore_mem>>) src(%dma_wait3A_379 : memref<80x128xf32, #tpu.memory_space<vmem>>) dst(%dma_wait3A_376 : memref<80x128xf32, #tpu.memory_space<vmem_shared>>)
        tpu.yield
      }) : () -> ()
    } else {
    }
    %add3A_163 = arith.constant 112 : i32
    %add3A_164 = arith.addi %arg1, %add3A_163 : i32
    %lt3A_165 = arith.constant 125 : i32
    %lt3A_166 = arith.cmpi slt, %add3A_164, %lt3A_165 : i32
    %convert_element_type3A_167 = arith.extui %lt3A_166 : i1 to i32
    %cond3A_168 = arith.constant 0 : i32
    %cond3A_169 = arith.cmpi ne, %convert_element_type3A_167, %cond3A_168 : i32
    scf.if %cond3A_169 {
      %mul3A_358 = arith.constant 80 : i32
      %mul3A_359 = arith.muli %add3A_164, %mul3A_358 : i32
      "tpu.region"() ({
        %run_scoped3A = tpu.sem_alloc : memref<!tpu.dma_semaphore, #tpu.memory_space<semaphore_mem>>
        %dma_start3A_360 = arith.constant 0 : i32
        %dma_start3A_361 = arith.constant 0 : i32
        %dma_start3A_362 = tpu.memref_slice %arg8[%dma_start3A_360, %dma_start3A_361] : memref<128x128xf32, #tpu.memory_space<vmem>> -> memref<80x128xf32, #tpu.memory_space<vmem>>
        %dma_start3A_363 = arith.constant 0 : i32
        %dma_start3A_364 = tpu.memref_slice %arg10[%mul3A_359, %dma_start3A_363] : memref<10008x128xf32, #tpu.memory_space<vmem_shared>> -> memref<80x128xf32, #tpu.memory_space<vmem_shared>>
        %dma_start3A_365 = arith.constant 0 : i32
        %dma_start3A_366 = tpu.memref_slice %arg10[%mul3A_359, %dma_start3A_365] : memref<10008x128xf32, #tpu.memory_space<vmem_shared>> -> memref<80x128xf32, #tpu.memory_space<vmem_shared>>
        %dma_start3A_367 = arith.constant 0 : i32
        %dma_start3A_368 = arith.constant 0 : i32
        %dma_start3A_369 = tpu.memref_slice %arg8[%dma_start3A_367, %dma_start3A_368] : memref<128x128xf32, #tpu.memory_space<vmem>> -> memref<80x128xf32, #tpu.memory_space<vmem>>
        tpu.enqueue_dma source(%dma_start3A_369 : memref<80x128xf32, #tpu.memory_space<vmem>>) target(%dma_start3A_366 : memref<80x128xf32, #tpu.memory_space<vmem_shared>>) target_semaphore(%run_scoped3A : memref<!tpu.dma_semaphore, #tpu.memory_space<semaphore_mem>>)
        %dma_wait3A_370 = arith.constant 0 : i32
        %dma_wait3A_371 = arith.constant 0 : i32
        %dma_wait3A_372 = tpu.memref_slice %arg8[%dma_wait3A_370, %dma_wait3A_371] : memref<128x128xf32, #tpu.memory_space<vmem>> -> memref<80x128xf32, #tpu.memory_space<vmem>>
        %dma_wait3A_373 = arith.constant 0 : i32
        %dma_wait3A_374 = tpu.memref_slice %arg10[%mul3A_359, %dma_wait3A_373] : memref<10008x128xf32, #tpu.memory_space<vmem_shared>> -> memref<80x128xf32, #tpu.memory_space<vmem_shared>>
        %dma_wait3A_375 = arith.constant 0 : i32
        %dma_wait3A_376 = tpu.memref_slice %arg10[%mul3A_359, %dma_wait3A_375] : memref<10008x128xf32, #tpu.memory_space<vmem_shared>> -> memref<80x128xf32, #tpu.memory_space<vmem_shared>>
        %dma_wait3A_377 = arith.constant 0 : i32
        %dma_wait3A_378 = arith.constant 0 : i32
        %dma_wait3A_379 = tpu.memref_slice %arg8[%dma_wait3A_377, %dma_wait3A_378] : memref<128x128xf32, #tpu.memory_space<vmem>> -> memref<80x128xf32, #tpu.memory_space<vmem>>
        tpu.wait_dma2 semaphore(%run_scoped3A : memref<!tpu.dma_semaphore, #tpu.memory_space<semaphore_mem>>) src(%dma_wait3A_379 : memref<80x128xf32, #tpu.memory_space<vmem>>) dst(%dma_wait3A_376 : memref<80x128xf32, #tpu.memory_space<vmem_shared>>)
        tpu.yield
      }) : () -> ()
    } else {
    }
    %dma_wait3A = arith.constant 0 : i32
    %dma_wait3A_170 = arith.constant 0 : i32
    %dma_wait3A_171 = arith.constant 0 : i32
    %dma_wait3A_172 = tpu.memref_slice %arg6[%dma_wait3A_170, %dma_wait3A_171] : memref<4x128xi32, #tpu.memory_space<vmem>> -> memref<1x128xi32, #tpu.memory_space<vmem>>
    %dma_wait3A_173 = tpu.memref_squeeze %dma_wait3A_172 : memref<1x128xi32, #tpu.memory_space<vmem>> -> memref<128xi32, #tpu.memory_space<vmem>>
    %dma_wait3A_174 = arith.constant 0 : i32
    %dma_wait3A_175 = tpu.memref_slice %arg2[%add3A, %dma_wait3A, %dma_wait3A_174] : memref<32x80x128xi32, #tpu.memory_space<hbm>> -> memref<1x1x128xi32, #tpu.memory_space<hbm>>
    %dma_wait3A_176 = tpu.memref_squeeze %dma_wait3A_175 : memref<1x1x128xi32, #tpu.memory_space<hbm>> -> memref<128xi32, #tpu.memory_space<hbm>>
    %dma_wait3A_177 = arith.constant 0 : i32
    %dma_wait3A_178 = tpu.memref_slice %arg6[%dma_wait3A_170, %dma_wait3A_177] : memref<4x128xi32, #tpu.memory_space<vmem>> -> memref<1x128xi32, #tpu.memory_space<vmem>>
    %dma_wait3A_179 = tpu.memref_squeeze %dma_wait3A_178 : memref<1x128xi32, #tpu.memory_space<vmem>> -> memref<128xi32, #tpu.memory_space<vmem>>
    %dma_wait3A_180 = arith.constant 0 : i32
    %dma_wait3A_181 = tpu.memref_slice %arg2[%add3A, %dma_wait3A, %dma_wait3A_180] : memref<32x80x128xi32, #tpu.memory_space<hbm>> -> memref<1x1x128xi32, #tpu.memory_space<hbm>>
    %dma_wait3A_182 = tpu.memref_squeeze %dma_wait3A_181 : memref<1x1x128xi32, #tpu.memory_space<hbm>> -> memref<128xi32, #tpu.memory_space<hbm>>
    tpu.wait_dma2 semaphore(%arg11 : memref<!tpu.dma_semaphore, #tpu.memory_space<semaphore_mem>>) src(%dma_wait3A_182 : memref<128xi32, #tpu.memory_space<hbm>>) dst(%dma_wait3A_179 : memref<128xi32, #tpu.memory_space<vmem>>)
    %dma_wait3A_183 = arith.constant 0 : i32
    %dma_wait3A_184 = arith.constant 0 : i32
    %dma_wait3A_185 = arith.constant 0 : i32
    %dma_wait3A_186 = tpu.memref_slice %arg7[%dma_wait3A_184, %dma_wait3A_185] : memref<4x128xi32, #tpu.memory_space<vmem>> -> memref<1x128xi32, #tpu.memory_space<vmem>>
    %dma_wait3A_187 = tpu.memref_squeeze %dma_wait3A_186 : memref<1x128xi32, #tpu.memory_space<vmem>> -> memref<128xi32, #tpu.memory_space<vmem>>
    %dma_wait3A_188 = arith.constant 0 : i32
    %dma_wait3A_189 = tpu.memref_slice %arg3[%add3A, %dma_wait3A_183, %dma_wait3A_188] : memref<32x80x128xi32, #tpu.memory_space<hbm>> -> memref<1x1x128xi32, #tpu.memory_space<hbm>>
    %dma_wait3A_190 = tpu.memref_squeeze %dma_wait3A_189 : memref<1x1x128xi32, #tpu.memory_space<hbm>> -> memref<128xi32, #tpu.memory_space<hbm>>
    %dma_wait3A_191 = arith.constant 0 : i32
    %dma_wait3A_192 = tpu.memref_slice %arg7[%dma_wait3A_184, %dma_wait3A_191] : memref<4x128xi32, #tpu.memory_space<vmem>> -> memref<1x128xi32, #tpu.memory_space<vmem>>
    %dma_wait3A_193 = tpu.memref_squeeze %dma_wait3A_192 : memref<1x128xi32, #tpu.memory_space<vmem>> -> memref<128xi32, #tpu.memory_space<vmem>>
    %dma_wait3A_194 = arith.constant 0 : i32
    %dma_wait3A_195 = tpu.memref_slice %arg3[%add3A, %dma_wait3A_183, %dma_wait3A_194] : memref<32x80x128xi32, #tpu.memory_space<hbm>> -> memref<1x1x128xi32, #tpu.memory_space<hbm>>
    %dma_wait3A_196 = tpu.memref_squeeze %dma_wait3A_195 : memref<1x1x128xi32, #tpu.memory_space<hbm>> -> memref<128xi32, #tpu.memory_space<hbm>>
    tpu.wait_dma2 semaphore(%arg11 : memref<!tpu.dma_semaphore, #tpu.memory_space<semaphore_mem>>) src(%dma_wait3A_196 : memref<128xi32, #tpu.memory_space<hbm>>) dst(%dma_wait3A_193 : memref<128xi32, #tpu.memory_space<vmem>>)
    %dma_start3A_197 = arith.constant 0 : i32
    %dma_start3A_198 = arith.constant 0 : i32
    %dma_start3A_199 = tpu.memref_slice %arg6[%dma_start3A_197, %dma_start3A_198] : memref<4x128xi32, #tpu.memory_space<vmem>> -> memref<1x128xi32, #tpu.memory_space<vmem>>
    %dma_start3A_200 = tpu.memref_squeeze %dma_start3A_199 : memref<1x128xi32, #tpu.memory_space<vmem>> -> memref<128xi32, #tpu.memory_space<vmem>>
    %dma_start3A_201 = arith.constant 0 : i32
    %dma_start3A_202 = arith.constant 0 : i32
    %dma_start3A_203 = tpu.memref_slice %arg4[%dma_start3A_201, %dma_start3A_202] : memref<10000x128xf32, #tpu.memory_space<hbm>> -> memref<10000x128xf32, #tpu.memory_space<hbm>>
    tpu.enqueue_indirect_dma source(%dma_start3A_203 : memref<10000x128xf32, #tpu.memory_space<hbm>>) target(%arg8 : memref<128x128xf32, #tpu.memory_space<vmem>>) offsets(%dma_start3A_200 : memref<128xi32, #tpu.memory_space<vmem>>) semaphore(%arg15 : memref<!tpu.dma_semaphore, #tpu.memory_space<semaphore_mem>>)
    %dma_wait3A_204 = arith.constant 1 : i32
    %dma_wait3A_205 = arith.constant 1 : i32
    %dma_wait3A_206 = arith.constant 0 : i32
    %dma_wait3A_207 = tpu.memref_slice %arg6[%dma_wait3A_205, %dma_wait3A_206] : memref<4x128xi32, #tpu.memory_space<vmem>> -> memref<1x128xi32, #tpu.memory_space<vmem>>
    %dma_wait3A_208 = tpu.memref_squeeze %dma_wait3A_207 : memref<1x128xi32, #tpu.memory_space<vmem>> -> memref<128xi32, #tpu.memory_space<vmem>>
    %dma_wait3A_209 = arith.constant 0 : i32
    %dma_wait3A_210 = tpu.memref_slice %arg2[%add3A, %dma_wait3A_204, %dma_wait3A_209] : memref<32x80x128xi32, #tpu.memory_space<hbm>> -> memref<1x1x128xi32, #tpu.memory_space<hbm>>
    %dma_wait3A_211 = tpu.memref_squeeze %dma_wait3A_210 : memref<1x1x128xi32, #tpu.memory_space<hbm>> -> memref<128xi32, #tpu.memory_space<hbm>>
    %dma_wait3A_212 = arith.constant 0 : i32
    %dma_wait3A_213 = tpu.memref_slice %arg6[%dma_wait3A_205, %dma_wait3A_212] : memref<4x128xi32, #tpu.memory_space<vmem>> -> memref<1x128xi32, #tpu.memory_space<vmem>>
    %dma_wait3A_214 = tpu.memref_squeeze %dma_wait3A_213 : memref<1x128xi32, #tpu.memory_space<vmem>> -> memref<128xi32, #tpu.memory_space<vmem>>
    %dma_wait3A_215 = arith.constant 0 : i32
    %dma_wait3A_216 = tpu.memref_slice %arg2[%add3A, %dma_wait3A_204, %dma_wait3A_215] : memref<32x80x128xi32, #tpu.memory_space<hbm>> -> memref<1x1x128xi32, #tpu.memory_space<hbm>>
    %dma_wait3A_217 = tpu.memref_squeeze %dma_wait3A_216 : memref<1x1x128xi32, #tpu.memory_space<hbm>> -> memref<128xi32, #tpu.memory_space<hbm>>
    tpu.wait_dma2 semaphore(%arg12 : memref<!tpu.dma_semaphore, #tpu.memory_space<semaphore_mem>>) src(%dma_wait3A_217 : memref<128xi32, #tpu.memory_space<hbm>>) dst(%dma_wait3A_214 : memref<128xi32, #tpu.memory_space<vmem>>)
    %dma_wait3A_218 = arith.constant 1 : i32
    %dma_wait3A_219 = arith.constant 1 : i32
    %dma_wait3A_220 = arith.constant 0 : i32
    %dma_wait3A_221 = tpu.memref_slice %arg7[%dma_wait3A_219, %dma_wait3A_220] : memref<4x128xi32, #tpu.memory_space<vmem>> -> memref<1x128xi32, #tpu.memory_space<vmem>>
    %dma_wait3A_222 = tpu.memref_squeeze %dma_wait3A_221 : memref<1x128xi32, #tpu.memory_space<vmem>> -> memref<128xi32, #tpu.memory_space<vmem>>
    %dma_wait3A_223 = arith.constant 0 : i32
    %dma_wait3A_224 = tpu.memref_slice %arg3[%add3A, %dma_wait3A_218, %dma_wait3A_223] : memref<32x80x128xi32, #tpu.memory_space<hbm>> -> memref<1x1x128xi32, #tpu.memory_space<hbm>>
    %dma_wait3A_225 = tpu.memref_squeeze %dma_wait3A_224 : memref<1x1x128xi32, #tpu.memory_space<hbm>> -> memref<128xi32, #tpu.memory_space<hbm>>
    %dma_wait3A_226 = arith.constant 0 : i32
    %dma_wait3A_227 = tpu.memref_slice %arg7[%dma_wait3A_219, %dma_wait3A_226] : memref<4x128xi32, #tpu.memory_space<vmem>> -> memref<1x128xi32, #tpu.memory_space<vmem>>
    %dma_wait3A_228 = tpu.memref_squeeze %dma_wait3A_227 : memref<1x128xi32, #tpu.memory_space<vmem>> -> memref<128xi32, #tpu.memory_space<vmem>>
    %dma_wait3A_229 = arith.constant 0 : i32
    %dma_wait3A_230 = tpu.memref_slice %arg3[%add3A, %dma_wait3A_218, %dma_wait3A_229] : memref<32x80x128xi32, #tpu.memory_space<hbm>> -> memref<1x1x128xi32, #tpu.memory_space<hbm>>
    %dma_wait3A_231 = tpu.memref_squeeze %dma_wait3A_230 : memref<1x1x128xi32, #tpu.memory_space<hbm>> -> memref<128xi32, #tpu.memory_space<hbm>>
    tpu.wait_dma2 semaphore(%arg12 : memref<!tpu.dma_semaphore, #tpu.memory_space<semaphore_mem>>) src(%dma_wait3A_231 : memref<128xi32, #tpu.memory_space<hbm>>) dst(%dma_wait3A_228 : memref<128xi32, #tpu.memory_space<vmem>>)
    %dma_start3A_232 = arith.constant 1 : i32
    %dma_start3A_233 = arith.constant 0 : i32
    %dma_start3A_234 = tpu.memref_slice %arg6[%dma_start3A_232, %dma_start3A_233] : memref<4x128xi32, #tpu.memory_space<vmem>> -> memref<1x128xi32, #tpu.memory_space<vmem>>
    %dma_start3A_235 = tpu.memref_squeeze %dma_start3A_234 : memref<1x128xi32, #tpu.memory_space<vmem>> -> memref<128xi32, #tpu.memory_space<vmem>>
    %dma_start3A_236 = arith.constant 0 : i32
    %dma_start3A_237 = arith.constant 0 : i32
    %dma_start3A_238 = tpu.memref_slice %arg4[%dma_start3A_236, %dma_start3A_237] : memref<10000x128xf32, #tpu.memory_space<hbm>> -> memref<10000x128xf32, #tpu.memory_space<hbm>>
    tpu.enqueue_indirect_dma source(%dma_start3A_238 : memref<10000x128xf32, #tpu.memory_space<hbm>>) target(%arg9 : memref<128x128xf32, #tpu.memory_space<vmem>>) offsets(%dma_start3A_235 : memref<128xi32, #tpu.memory_space<vmem>>) semaphore(%arg16 : memref<!tpu.dma_semaphore, #tpu.memory_space<semaphore_mem>>)
    %barrier3A = arith.constant 0 : index
    tpu.barrier barrier_id(%barrier3A)
    %scan3A_239 = arith.constant 0 : i32
    %scan3A_240 = arith.constant 0 : i32
    %scan3A_241 = arith.constant 20 : i32
    %scan3A_242 = arith.addi %scan3A_240, %scan3A_241 : i32
    %scan3A_243 = arith.constant 1 : i32
    scf.for %scan3A_358 = %scan3A_240 to %scan3A_242 step %scan3A_243  : i32 {
      %mul3A_359 = arith.constant 4 : i32
      %mul3A_360 = arith.muli %scan3A_358, %mul3A_359 : i32
      %add3A_361 = arith.constant 0 : i32
      %add3A_362 = arith.addi %mul3A_360, %add3A_361 : i32
      %dma_wait3A_363 = arith.constant 0 : i32
      %dma_wait3A_364 = arith.constant 0 : i32
      %dma_wait3A_365 = tpu.memref_slice %arg6[%dma_wait3A_363, %dma_wait3A_364] : memref<4x128xi32, #tpu.memory_space<vmem>> -> memref<1x128xi32, #tpu.memory_space<vmem>>
      %dma_wait3A_366 = tpu.memref_squeeze %dma_wait3A_365 : memref<1x128xi32, #tpu.memory_space<vmem>> -> memref<128xi32, #tpu.memory_space<vmem>>
      %dma_wait3A_367 = arith.constant 0 : i32
      %dma_wait3A_368 = arith.constant 0 : i32
      %dma_wait3A_369 = tpu.memref_slice %arg4[%dma_wait3A_367, %dma_wait3A_368] : memref<10000x128xf32, #tpu.memory_space<hbm>> -> memref<10000x128xf32, #tpu.memory_space<hbm>>
      tpu.wait_indirect_dma semaphore(%arg15 : memref<!tpu.dma_semaphore, #tpu.memory_space<semaphore_mem>>) src(%dma_wait3A_369 : memref<10000x128xf32, #tpu.memory_space<hbm>>) dst(%arg8 : memref<128x128xf32, #tpu.memory_space<vmem>>)
      %run_scoped3A = arith.constant 0 : i32
      "tpu.region"() ({
        %run_scoped3A_456 = tpu.sem_alloc : memref<!tpu.dma_semaphore, #tpu.memory_space<semaphore_mem>>
        %dma_start3A_457 = arith.constant 0 : i32
        %dma_start3A_458 = tpu.memref_slice %arg7[%run_scoped3A, %dma_start3A_457] : memref<4x128xi32, #tpu.memory_space<vmem>> -> memref<1x128xi32, #tpu.memory_space<vmem>>
        %dma_start3A_459 = tpu.memref_squeeze %dma_start3A_458 : memref<1x128xi32, #tpu.memory_space<vmem>> -> memref<128xi32, #tpu.memory_space<vmem>>
        %dma_start3A_460 = arith.constant 0 : i32
        %dma_start3A_461 = arith.constant 0 : i32
        %dma_start3A_462 = tpu.memref_slice %arg10[%dma_start3A_460, %dma_start3A_461] : memref<10008x128xf32, #tpu.memory_space<vmem_shared>> -> memref<10008x128xf32, #tpu.memory_space<vmem_shared>>
        tpu.enqueue_indirect_dma source(%arg8 : memref<128x128xf32, #tpu.memory_space<vmem>>) target(%dma_start3A_462 : memref<10008x128xf32, #tpu.memory_space<vmem_shared>>) offsets(%dma_start3A_459 : memref<128xi32, #tpu.memory_space<vmem>>) semaphore(%run_scoped3A_456 : memref<!tpu.dma_semaphore, #tpu.memory_space<semaphore_mem>>) {add = true}
        %dma_wait3A_463 = arith.constant 0 : i32
        %dma_wait3A_464 = tpu.memref_slice %arg7[%run_scoped3A, %dma_wait3A_463] : memref<4x128xi32, #tpu.memory_space<vmem>> -> memref<1x128xi32, #tpu.memory_space<vmem>>
        %dma_wait3A_465 = tpu.memref_squeeze %dma_wait3A_464 : memref<1x128xi32, #tpu.memory_space<vmem>> -> memref<128xi32, #tpu.memory_space<vmem>>
        %dma_wait3A_466 = arith.constant 0 : i32
        %dma_wait3A_467 = arith.constant 0 : i32
        %dma_wait3A_468 = tpu.memref_slice %arg10[%dma_wait3A_466, %dma_wait3A_467] : memref<10008x128xf32, #tpu.memory_space<vmem_shared>> -> memref<10008x128xf32, #tpu.memory_space<vmem_shared>>
        tpu.wait_indirect_dma semaphore(%run_scoped3A_456 : memref<!tpu.dma_semaphore, #tpu.memory_space<semaphore_mem>>) src(%arg8 : memref<128x128xf32, #tpu.memory_space<vmem>>) dst(%dma_wait3A_468 : memref<10008x128xf32, #tpu.memory_space<vmem_shared>>)
        tpu.yield
      }) : () -> ()
      %add3A_370 = arith.constant 4 : i32
      %add3A_371 = arith.addi %add3A_362, %add3A_370 : i32
      %lt3A_372 = arith.constant 80 : i32
      %lt3A_373 = arith.cmpi slt, %add3A_371, %lt3A_372 : i32
      %convert_element_type3A_374 = arith.extui %lt3A_373 : i1 to i32
      %cond3A_375 = arith.constant 0 : i32
      %cond3A_376 = arith.cmpi ne, %convert_element_type3A_374, %cond3A_375 : i32
      scf.if %cond3A_376 {
        %add3A_456 = arith.constant 4 : i32
        %add3A_457 = arith.addi %add3A_362, %add3A_456 : i32
        %dma_start3A_458 = arith.constant 0 : i32
        %dma_start3A_459 = arith.constant 0 : i32
        %dma_start3A_460 = tpu.memref_slice %arg6[%dma_start3A_458, %dma_start3A_459] : memref<4x128xi32, #tpu.memory_space<vmem>> -> memref<1x128xi32, #tpu.memory_space<vmem>>
        %dma_start3A_461 = tpu.memref_squeeze %dma_start3A_460 : memref<1x128xi32, #tpu.memory_space<vmem>> -> memref<128xi32, #tpu.memory_space<vmem>>
        %dma_start3A_462 = arith.constant 0 : i32
        %dma_start3A_463 = tpu.memref_slice %arg2[%add3A, %add3A_457, %dma_start3A_462] : memref<32x80x128xi32, #tpu.memory_space<hbm>> -> memref<1x1x128xi32, #tpu.memory_space<hbm>>
        %dma_start3A_464 = tpu.memref_squeeze %dma_start3A_463 : memref<1x1x128xi32, #tpu.memory_space<hbm>> -> memref<128xi32, #tpu.memory_space<hbm>>
        %dma_start3A_465 = arith.constant 0 : i32
        %dma_start3A_466 = tpu.memref_slice %arg6[%dma_start3A_458, %dma_start3A_465] : memref<4x128xi32, #tpu.memory_space<vmem>> -> memref<1x128xi32, #tpu.memory_space<vmem>>
        %dma_start3A_467 = tpu.memref_squeeze %dma_start3A_466 : memref<1x128xi32, #tpu.memory_space<vmem>> -> memref<128xi32, #tpu.memory_space<vmem>>
        %dma_start3A_468 = arith.constant 0 : i32
        %dma_start3A_469 = tpu.memref_slice %arg2[%add3A, %add3A_457, %dma_start3A_468] : memref<32x80x128xi32, #tpu.memory_space<hbm>> -> memref<1x1x128xi32, #tpu.memory_space<hbm>>
        %dma_start3A_470 = tpu.memref_squeeze %dma_start3A_469 : memref<1x1x128xi32, #tpu.memory_space<hbm>> -> memref<128xi32, #tpu.memory_space<hbm>>
        tpu.enqueue_dma source(%dma_start3A_470 : memref<128xi32, #tpu.memory_space<hbm>>) target(%dma_start3A_467 : memref<128xi32, #tpu.memory_space<vmem>>) target_semaphore(%arg11 : memref<!tpu.dma_semaphore, #tpu.memory_space<semaphore_mem>>)
        %dma_start3A_471 = arith.constant 0 : i32
        %dma_start3A_472 = arith.constant 0 : i32
        %dma_start3A_473 = tpu.memref_slice %arg7[%dma_start3A_471, %dma_start3A_472] : memref<4x128xi32, #tpu.memory_space<vmem>> -> memref<1x128xi32, #tpu.memory_space<vmem>>
        %dma_start3A_474 = tpu.memref_squeeze %dma_start3A_473 : memref<1x128xi32, #tpu.memory_space<vmem>> -> memref<128xi32, #tpu.memory_space<vmem>>
        %dma_start3A_475 = arith.constant 0 : i32
        %dma_start3A_476 = tpu.memref_slice %arg3[%add3A, %add3A_457, %dma_start3A_475] : memref<32x80x128xi32, #tpu.memory_space<hbm>> -> memref<1x1x128xi32, #tpu.memory_space<hbm>>
        %dma_start3A_477 = tpu.memref_squeeze %dma_start3A_476 : memref<1x1x128xi32, #tpu.memory_space<hbm>> -> memref<128xi32, #tpu.memory_space<hbm>>
        %dma_start3A_478 = arith.constant 0 : i32
        %dma_start3A_479 = tpu.memref_slice %arg7[%dma_start3A_471, %dma_start3A_478] : memref<4x128xi32, #tpu.memory_space<vmem>> -> memref<1x128xi32, #tpu.memory_space<vmem>>
        %dma_start3A_480 = tpu.memref_squeeze %dma_start3A_479 : memref<1x128xi32, #tpu.memory_space<vmem>> -> memref<128xi32, #tpu.memory_space<vmem>>
        %dma_start3A_481 = arith.constant 0 : i32
        %dma_start3A_482 = tpu.memref_slice %arg3[%add3A, %add3A_457, %dma_start3A_481] : memref<32x80x128xi32, #tpu.memory_space<hbm>> -> memref<1x1x128xi32, #tpu.memory_space<hbm>>
        %dma_start3A_483 = tpu.memref_squeeze %dma_start3A_482 : memref<1x1x128xi32, #tpu.memory_space<hbm>> -> memref<128xi32, #tpu.memory_space<hbm>>
        tpu.enqueue_dma source(%dma_start3A_483 : memref<128xi32, #tpu.memory_space<hbm>>) target(%dma_start3A_480 : memref<128xi32, #tpu.memory_space<vmem>>) target_semaphore(%arg11 : memref<!tpu.dma_semaphore, #tpu.memory_space<semaphore_mem>>)
      } else {
      }
      %add3A_377 = arith.constant 2 : i32
      %add3A_378 = arith.addi %add3A_362, %add3A_377 : i32
      %lt3A_379 = arith.constant 80 : i32
      %lt3A_380 = arith.cmpi slt, %add3A_378, %lt3A_379 : i32
      %convert_element_type3A_381 = arith.extui %lt3A_380 : i1 to i32
      %cond3A_382 = arith.constant 0 : i32
      %cond3A_383 = arith.cmpi ne, %convert_element_type3A_381, %cond3A_382 : i32
      scf.if %cond3A_383 {
        %add3A_456 = arith.constant 2 : i32
        %add3A_457 = arith.addi %add3A_362, %add3A_456 : i32
        %dma_wait3A_458 = arith.constant 2 : i32
        %dma_wait3A_459 = arith.constant 0 : i32
        %dma_wait3A_460 = tpu.memref_slice %arg6[%dma_wait3A_458, %dma_wait3A_459] : memref<4x128xi32, #tpu.memory_space<vmem>> -> memref<1x128xi32, #tpu.memory_space<vmem>>
        %dma_wait3A_461 = tpu.memref_squeeze %dma_wait3A_460 : memref<1x128xi32, #tpu.memory_space<vmem>> -> memref<128xi32, #tpu.memory_space<vmem>>
        %dma_wait3A_462 = arith.constant 0 : i32
        %dma_wait3A_463 = tpu.memref_slice %arg2[%add3A, %add3A_457, %dma_wait3A_462] : memref<32x80x128xi32, #tpu.memory_space<hbm>> -> memref<1x1x128xi32, #tpu.memory_space<hbm>>
        %dma_wait3A_464 = tpu.memref_squeeze %dma_wait3A_463 : memref<1x1x128xi32, #tpu.memory_space<hbm>> -> memref<128xi32, #tpu.memory_space<hbm>>
        %dma_wait3A_465 = arith.constant 0 : i32
        %dma_wait3A_466 = tpu.memref_slice %arg6[%dma_wait3A_458, %dma_wait3A_465] : memref<4x128xi32, #tpu.memory_space<vmem>> -> memref<1x128xi32, #tpu.memory_space<vmem>>
        %dma_wait3A_467 = tpu.memref_squeeze %dma_wait3A_466 : memref<1x128xi32, #tpu.memory_space<vmem>> -> memref<128xi32, #tpu.memory_space<vmem>>
        %dma_wait3A_468 = arith.constant 0 : i32
        %dma_wait3A_469 = tpu.memref_slice %arg2[%add3A, %add3A_457, %dma_wait3A_468] : memref<32x80x128xi32, #tpu.memory_space<hbm>> -> memref<1x1x128xi32, #tpu.memory_space<hbm>>
        %dma_wait3A_470 = tpu.memref_squeeze %dma_wait3A_469 : memref<1x1x128xi32, #tpu.memory_space<hbm>> -> memref<128xi32, #tpu.memory_space<hbm>>
        tpu.wait_dma2 semaphore(%arg13 : memref<!tpu.dma_semaphore, #tpu.memory_space<semaphore_mem>>) src(%dma_wait3A_470 : memref<128xi32, #tpu.memory_space<hbm>>) dst(%dma_wait3A_467 : memref<128xi32, #tpu.memory_space<vmem>>)
        %dma_wait3A_471 = arith.constant 2 : i32
        %dma_wait3A_472 = arith.constant 0 : i32
        %dma_wait3A_473 = tpu.memref_slice %arg7[%dma_wait3A_471, %dma_wait3A_472] : memref<4x128xi32, #tpu.memory_space<vmem>> -> memref<1x128xi32, #tpu.memory_space<vmem>>
        %dma_wait3A_474 = tpu.memref_squeeze %dma_wait3A_473 : memref<1x128xi32, #tpu.memory_space<vmem>> -> memref<128xi32, #tpu.memory_space<vmem>>
        %dma_wait3A_475 = arith.constant 0 : i32
        %dma_wait3A_476 = tpu.memref_slice %arg3[%add3A, %add3A_457, %dma_wait3A_475] : memref<32x80x128xi32, #tpu.memory_space<hbm>> -> memref<1x1x128xi32, #tpu.memory_space<hbm>>
        %dma_wait3A_477 = tpu.memref_squeeze %dma_wait3A_476 : memref<1x1x128xi32, #tpu.memory_space<hbm>> -> memref<128xi32, #tpu.memory_space<hbm>>
        %dma_wait3A_478 = arith.constant 0 : i32
        %dma_wait3A_479 = tpu.memref_slice %arg7[%dma_wait3A_471, %dma_wait3A_478] : memref<4x128xi32, #tpu.memory_space<vmem>> -> memref<1x128xi32, #tpu.memory_space<vmem>>
        %dma_wait3A_480 = tpu.memref_squeeze %dma_wait3A_479 : memref<1x128xi32, #tpu.memory_space<vmem>> -> memref<128xi32, #tpu.memory_space<vmem>>
        %dma_wait3A_481 = arith.constant 0 : i32
        %dma_wait3A_482 = tpu.memref_slice %arg3[%add3A, %add3A_457, %dma_wait3A_481] : memref<32x80x128xi32, #tpu.memory_space<hbm>> -> memref<1x1x128xi32, #tpu.memory_space<hbm>>
        %dma_wait3A_483 = tpu.memref_squeeze %dma_wait3A_482 : memref<1x1x128xi32, #tpu.memory_space<hbm>> -> memref<128xi32, #tpu.memory_space<hbm>>
        tpu.wait_dma2 semaphore(%arg13 : memref<!tpu.dma_semaphore, #tpu.memory_space<semaphore_mem>>) src(%dma_wait3A_483 : memref<128xi32, #tpu.memory_space<hbm>>) dst(%dma_wait3A_480 : memref<128xi32, #tpu.memory_space<vmem>>)
        %dma_start3A_484 = arith.constant 2 : i32
        %dma_start3A_485 = arith.constant 0 : i32
        %dma_start3A_486 = tpu.memref_slice %arg6[%dma_start3A_484, %dma_start3A_485] : memref<4x128xi32, #tpu.memory_space<vmem>> -> memref<1x128xi32, #tpu.memory_space<vmem>>
        %dma_start3A_487 = tpu.memref_squeeze %dma_start3A_486 : memref<1x128xi32, #tpu.memory_space<vmem>> -> memref<128xi32, #tpu.memory_space<vmem>>
        %dma_start3A_488 = arith.constant 0 : i32
        %dma_start3A_489 = arith.constant 0 : i32
        %dma_start3A_490 = tpu.memref_slice %arg4[%dma_start3A_488, %dma_start3A_489] : memref<10000x128xf32, #tpu.memory_space<hbm>> -> memref<10000x128xf32, #tpu.memory_space<hbm>>
        tpu.enqueue_indirect_dma source(%dma_start3A_490 : memref<10000x128xf32, #tpu.memory_space<hbm>>) target(%arg8 : memref<128x128xf32, #tpu.memory_space<vmem>>) offsets(%dma_start3A_487 : memref<128xi32, #tpu.memory_space<vmem>>) semaphore(%arg15 : memref<!tpu.dma_semaphore, #tpu.memory_space<semaphore_mem>>)
      } else {
      }
      %add3A_384 = arith.constant 1 : i32
      %add3A_385 = arith.addi %mul3A_360, %add3A_384 : i32
      %dma_wait3A_386 = arith.constant 1 : i32
      %dma_wait3A_387 = arith.constant 0 : i32
      %dma_wait3A_388 = tpu.memref_slice %arg6[%dma_wait3A_386, %dma_wait3A_387] : memref<4x128xi32, #tpu.memory_space<vmem>> -> memref<1x128xi32, #tpu.memory_space<vmem>>
      %dma_wait3A_389 = tpu.memref_squeeze %dma_wait3A_388 : memref<1x128xi32, #tpu.memory_space<vmem>> -> memref<128xi32, #tpu.memory_space<vmem>>
      %dma_wait3A_390 = arith.constant 0 : i32
      %dma_wait3A_391 = arith.constant 0 : i32
      %dma_wait3A_392 = tpu.memref_slice %arg4[%dma_wait3A_390, %dma_wait3A_391] : memref<10000x128xf32, #tpu.memory_space<hbm>> -> memref<10000x128xf32, #tpu.memory_space<hbm>>
      tpu.wait_indirect_dma semaphore(%arg16 : memref<!tpu.dma_semaphore, #tpu.memory_space<semaphore_mem>>) src(%dma_wait3A_392 : memref<10000x128xf32, #tpu.memory_space<hbm>>) dst(%arg9 : memref<128x128xf32, #tpu.memory_space<vmem>>)
      %run_scoped3A_393 = arith.constant 1 : i32
      "tpu.region"() ({
        %run_scoped3A_456 = tpu.sem_alloc : memref<!tpu.dma_semaphore, #tpu.memory_space<semaphore_mem>>
        %dma_start3A_457 = arith.constant 0 : i32
        %dma_start3A_458 = tpu.memref_slice %arg7[%run_scoped3A_393, %dma_start3A_457] : memref<4x128xi32, #tpu.memory_space<vmem>> -> memref<1x128xi32, #tpu.memory_space<vmem>>
        %dma_start3A_459 = tpu.memref_squeeze %dma_start3A_458 : memref<1x128xi32, #tpu.memory_space<vmem>> -> memref<128xi32, #tpu.memory_space<vmem>>
        %dma_start3A_460 = arith.constant 0 : i32
        %dma_start3A_461 = arith.constant 0 : i32
        %dma_start3A_462 = tpu.memref_slice %arg10[%dma_start3A_460, %dma_start3A_461] : memref<10008x128xf32, #tpu.memory_space<vmem_shared>> -> memref<10008x128xf32, #tpu.memory_space<vmem_shared>>
        tpu.enqueue_indirect_dma source(%arg9 : memref<128x128xf32, #tpu.memory_space<vmem>>) target(%dma_start3A_462 : memref<10008x128xf32, #tpu.memory_space<vmem_shared>>) offsets(%dma_start3A_459 : memref<128xi32, #tpu.memory_space<vmem>>) semaphore(%run_scoped3A_456 : memref<!tpu.dma_semaphore, #tpu.memory_space<semaphore_mem>>) {add = true}
        %dma_wait3A_463 = arith.constant 0 : i32
        %dma_wait3A_464 = tpu.memref_slice %arg7[%run_scoped3A_393, %dma_wait3A_463] : memref<4x128xi32, #tpu.memory_space<vmem>> -> memref<1x128xi32, #tpu.memory_space<vmem>>
        %dma_wait3A_465 = tpu.memref_squeeze %dma_wait3A_464 : memref<1x128xi32, #tpu.memory_space<vmem>> -> memref<128xi32, #tpu.memory_space<vmem>>
        %dma_wait3A_466 = arith.constant 0 : i32
        %dma_wait3A_467 = arith.constant 0 : i32
        %dma_wait3A_468 = tpu.memref_slice %arg10[%dma_wait3A_466, %dma_wait3A_467] : memref<10008x128xf32, #tpu.memory_space<vmem_shared>> -> memref<10008x128xf32, #tpu.memory_space<vmem_shared>>
        tpu.wait_indirect_dma semaphore(%run_scoped3A_456 : memref<!tpu.dma_semaphore, #tpu.memory_space<semaphore_mem>>) src(%arg9 : memref<128x128xf32, #tpu.memory_space<vmem>>) dst(%dma_wait3A_468 : memref<10008x128xf32, #tpu.memory_space<vmem_shared>>)
        tpu.yield
      }) : () -> ()
      %add3A_394 = arith.constant 4 : i32
      %add3A_395 = arith.addi %add3A_385, %add3A_394 : i32
      %lt3A_396 = arith.constant 80 : i32
      %lt3A_397 = arith.cmpi slt, %add3A_395, %lt3A_396 : i32
      %convert_element_type3A_398 = arith.extui %lt3A_397 : i1 to i32
      %cond3A_399 = arith.constant 0 : i32
      %cond3A_400 = arith.cmpi ne, %convert_element_type3A_398, %cond3A_399 : i32
      scf.if %cond3A_400 {
        %add3A_456 = arith.constant 4 : i32
        %add3A_457 = arith.addi %add3A_385, %add3A_456 : i32
        %dma_start3A_458 = arith.constant 1 : i32
        %dma_start3A_459 = arith.constant 0 : i32
        %dma_start3A_460 = tpu.memref_slice %arg6[%dma_start3A_458, %dma_start3A_459] : memref<4x128xi32, #tpu.memory_space<vmem>> -> memref<1x128xi32, #tpu.memory_space<vmem>>
        %dma_start3A_461 = tpu.memref_squeeze %dma_start3A_460 : memref<1x128xi32, #tpu.memory_space<vmem>> -> memref<128xi32, #tpu.memory_space<vmem>>
        %dma_start3A_462 = arith.constant 0 : i32
        %dma_start3A_463 = tpu.memref_slice %arg2[%add3A, %add3A_457, %dma_start3A_462] : memref<32x80x128xi32, #tpu.memory_space<hbm>> -> memref<1x1x128xi32, #tpu.memory_space<hbm>>
        %dma_start3A_464 = tpu.memref_squeeze %dma_start3A_463 : memref<1x1x128xi32, #tpu.memory_space<hbm>> -> memref<128xi32, #tpu.memory_space<hbm>>
        %dma_start3A_465 = arith.constant 0 : i32
        %dma_start3A_466 = tpu.memref_slice %arg6[%dma_start3A_458, %dma_start3A_465] : memref<4x128xi32, #tpu.memory_space<vmem>> -> memref<1x128xi32, #tpu.memory_space<vmem>>
        %dma_start3A_467 = tpu.memref_squeeze %dma_start3A_466 : memref<1x128xi32, #tpu.memory_space<vmem>> -> memref<128xi32, #tpu.memory_space<vmem>>
        %dma_start3A_468 = arith.constant 0 : i32
        %dma_start3A_469 = tpu.memref_slice %arg2[%add3A, %add3A_457, %dma_start3A_468] : memref<32x80x128xi32, #tpu.memory_space<hbm>> -> memref<1x1x128xi32, #tpu.memory_space<hbm>>
        %dma_start3A_470 = tpu.memref_squeeze %dma_start3A_469 : memref<1x1x128xi32, #tpu.memory_space<hbm>> -> memref<128xi32, #tpu.memory_space<hbm>>
        tpu.enqueue_dma source(%dma_start3A_470 : memref<128xi32, #tpu.memory_space<hbm>>) target(%dma_start3A_467 : memref<128xi32, #tpu.memory_space<vmem>>) target_semaphore(%arg12 : memref<!tpu.dma_semaphore, #tpu.memory_space<semaphore_mem>>)
        %dma_start3A_471 = arith.constant 1 : i32
        %dma_start3A_472 = arith.constant 0 : i32
        %dma_start3A_473 = tpu.memref_slice %arg7[%dma_start3A_471, %dma_start3A_472] : memref<4x128xi32, #tpu.memory_space<vmem>> -> memref<1x128xi32, #tpu.memory_space<vmem>>
        %dma_start3A_474 = tpu.memref_squeeze %dma_start3A_473 : memref<1x128xi32, #tpu.memory_space<vmem>> -> memref<128xi32, #tpu.memory_space<vmem>>
        %dma_start3A_475 = arith.constant 0 : i32
        %dma_start3A_476 = tpu.memref_slice %arg3[%add3A, %add3A_457, %dma_start3A_475] : memref<32x80x128xi32, #tpu.memory_space<hbm>> -> memref<1x1x128xi32, #tpu.memory_space<hbm>>
        %dma_start3A_477 = tpu.memref_squeeze %dma_start3A_476 : memref<1x1x128xi32, #tpu.memory_space<hbm>> -> memref<128xi32, #tpu.memory_space<hbm>>
        %dma_start3A_478 = arith.constant 0 : i32
        %dma_start3A_479 = tpu.memref_slice %arg7[%dma_start3A_471, %dma_start3A_478] : memref<4x128xi32, #tpu.memory_space<vmem>> -> memref<1x128xi32, #tpu.memory_space<vmem>>
        %dma_start3A_480 = tpu.memref_squeeze %dma_start3A_479 : memref<1x128xi32, #tpu.memory_space<vmem>> -> memref<128xi32, #tpu.memory_space<vmem>>
        %dma_start3A_481 = arith.constant 0 : i32
        %dma_start3A_482 = tpu.memref_slice %arg3[%add3A, %add3A_457, %dma_start3A_481] : memref<32x80x128xi32, #tpu.memory_space<hbm>> -> memref<1x1x128xi32, #tpu.memory_space<hbm>>
        %dma_start3A_483 = tpu.memref_squeeze %dma_start3A_482 : memref<1x1x128xi32, #tpu.memory_space<hbm>> -> memref<128xi32, #tpu.memory_space<hbm>>
        tpu.enqueue_dma source(%dma_start3A_483 : memref<128xi32, #tpu.memory_space<hbm>>) target(%dma_start3A_480 : memref<128xi32, #tpu.memory_space<vmem>>) target_semaphore(%arg12 : memref<!tpu.dma_semaphore, #tpu.memory_space<semaphore_mem>>)
      } else {
      }
      %add3A_401 = arith.constant 2 : i32
      %add3A_402 = arith.addi %add3A_385, %add3A_401 : i32
      %lt3A_403 = arith.constant 80 : i32
      %lt3A_404 = arith.cmpi slt, %add3A_402, %lt3A_403 : i32
      %convert_element_type3A_405 = arith.extui %lt3A_404 : i1 to i32
      %cond3A_406 = arith.constant 0 : i32
      %cond3A_407 = arith.cmpi ne, %convert_element_type3A_405, %cond3A_406 : i32
      scf.if %cond3A_407 {
        %add3A_456 = arith.constant 2 : i32
        %add3A_457 = arith.addi %add3A_385, %add3A_456 : i32
        %dma_wait3A_458 = arith.constant 3 : i32
        %dma_wait3A_459 = arith.constant 0 : i32
        %dma_wait3A_460 = tpu.memref_slice %arg6[%dma_wait3A_458, %dma_wait3A_459] : memref<4x128xi32, #tpu.memory_space<vmem>> -> memref<1x128xi32, #tpu.memory_space<vmem>>
        %dma_wait3A_461 = tpu.memref_squeeze %dma_wait3A_460 : memref<1x128xi32, #tpu.memory_space<vmem>> -> memref<128xi32, #tpu.memory_space<vmem>>
        %dma_wait3A_462 = arith.constant 0 : i32
        %dma_wait3A_463 = tpu.memref_slice %arg2[%add3A, %add3A_457, %dma_wait3A_462] : memref<32x80x128xi32, #tpu.memory_space<hbm>> -> memref<1x1x128xi32, #tpu.memory_space<hbm>>
        %dma_wait3A_464 = tpu.memref_squeeze %dma_wait3A_463 : memref<1x1x128xi32, #tpu.memory_space<hbm>> -> memref<128xi32, #tpu.memory_space<hbm>>
        %dma_wait3A_465 = arith.constant 0 : i32
        %dma_wait3A_466 = tpu.memref_slice %arg6[%dma_wait3A_458, %dma_wait3A_465] : memref<4x128xi32, #tpu.memory_space<vmem>> -> memref<1x128xi32, #tpu.memory_space<vmem>>
        %dma_wait3A_467 = tpu.memref_squeeze %dma_wait3A_466 : memref<1x128xi32, #tpu.memory_space<vmem>> -> memref<128xi32, #tpu.memory_space<vmem>>
        %dma_wait3A_468 = arith.constant 0 : i32
        %dma_wait3A_469 = tpu.memref_slice %arg2[%add3A, %add3A_457, %dma_wait3A_468] : memref<32x80x128xi32, #tpu.memory_space<hbm>> -> memref<1x1x128xi32, #tpu.memory_space<hbm>>
        %dma_wait3A_470 = tpu.memref_squeeze %dma_wait3A_469 : memref<1x1x128xi32, #tpu.memory_space<hbm>> -> memref<128xi32, #tpu.memory_space<hbm>>
        tpu.wait_dma2 semaphore(%arg14 : memref<!tpu.dma_semaphore, #tpu.memory_space<semaphore_mem>>) src(%dma_wait3A_470 : memref<128xi32, #tpu.memory_space<hbm>>) dst(%dma_wait3A_467 : memref<128xi32, #tpu.memory_space<vmem>>)
        %dma_wait3A_471 = arith.constant 3 : i32
        %dma_wait3A_472 = arith.constant 0 : i32
        %dma_wait3A_473 = tpu.memref_slice %arg7[%dma_wait3A_471, %dma_wait3A_472] : memref<4x128xi32, #tpu.memory_space<vmem>> -> memref<1x128xi32, #tpu.memory_space<vmem>>
        %dma_wait3A_474 = tpu.memref_squeeze %dma_wait3A_473 : memref<1x128xi32, #tpu.memory_space<vmem>> -> memref<128xi32, #tpu.memory_space<vmem>>
        %dma_wait3A_475 = arith.constant 0 : i32
        %dma_wait3A_476 = tpu.memref_slice %arg3[%add3A, %add3A_457, %dma_wait3A_475] : memref<32x80x128xi32, #tpu.memory_space<hbm>> -> memref<1x1x128xi32, #tpu.memory_space<hbm>>
        %dma_wait3A_477 = tpu.memref_squeeze %dma_wait3A_476 : memref<1x1x128xi32, #tpu.memory_space<hbm>> -> memref<128xi32, #tpu.memory_space<hbm>>
        %dma_wait3A_478 = arith.constant 0 : i32
        %dma_wait3A_479 = tpu.memref_slice %arg7[%dma_wait3A_471, %dma_wait3A_478] : memref<4x128xi32, #tpu.memory_space<vmem>> -> memref<1x128xi32, #tpu.memory_space<vmem>>
        %dma_wait3A_480 = tpu.memref_squeeze %dma_wait3A_479 : memref<1x128xi32, #tpu.memory_space<vmem>> -> memref<128xi32, #tpu.memory_space<vmem>>
        %dma_wait3A_481 = arith.constant 0 : i32
        %dma_wait3A_482 = tpu.memref_slice %arg3[%add3A, %add3A_457, %dma_wait3A_481] : memref<32x80x128xi32, #tpu.memory_space<hbm>> -> memref<1x1x128xi32, #tpu.memory_space<hbm>>
        %dma_wait3A_483 = tpu.memref_squeeze %dma_wait3A_482 : memref<1x1x128xi32, #tpu.memory_space<hbm>> -> memref<128xi32, #tpu.memory_space<hbm>>
        tpu.wait_dma2 semaphore(%arg14 : memref<!tpu.dma_semaphore, #tpu.memory_space<semaphore_mem>>) src(%dma_wait3A_483 : memref<128xi32, #tpu.memory_space<hbm>>) dst(%dma_wait3A_480 : memref<128xi32, #tpu.memory_space<vmem>>)
        %dma_start3A_484 = arith.constant 3 : i32
        %dma_start3A_485 = arith.constant 0 : i32
        %dma_start3A_486 = tpu.memref_slice %arg6[%dma_start3A_484, %dma_start3A_485] : memref<4x128xi32, #tpu.memory_space<vmem>> -> memref<1x128xi32, #tpu.memory_space<vmem>>
        %dma_start3A_487 = tpu.memref_squeeze %dma_start3A_486 : memref<1x128xi32, #tpu.memory_space<vmem>> -> memref<128xi32, #tpu.memory_space<vmem>>
        %dma_start3A_488 = arith.constant 0 : i32
        %dma_start3A_489 = arith.constant 0 : i32
        %dma_start3A_490 = tpu.memref_slice %arg4[%dma_start3A_488, %dma_start3A_489] : memref<10000x128xf32, #tpu.memory_space<hbm>> -> memref<10000x128xf32, #tpu.memory_space<hbm>>
        tpu.enqueue_indirect_dma source(%dma_start3A_490 : memref<10000x128xf32, #tpu.memory_space<hbm>>) target(%arg9 : memref<128x128xf32, #tpu.memory_space<vmem>>) offsets(%dma_start3A_487 : memref<128xi32, #tpu.memory_space<vmem>>) semaphore(%arg16 : memref<!tpu.dma_semaphore, #tpu.memory_space<semaphore_mem>>)
      } else {
      }
      %add3A_408 = arith.constant 2 : i32
      %add3A_409 = arith.addi %mul3A_360, %add3A_408 : i32
      %dma_wait3A_410 = arith.constant 2 : i32
      %dma_wait3A_411 = arith.constant 0 : i32
      %dma_wait3A_412 = tpu.memref_slice %arg6[%dma_wait3A_410, %dma_wait3A_411] : memref<4x128xi32, #tpu.memory_space<vmem>> -> memref<1x128xi32, #tpu.memory_space<vmem>>
      %dma_wait3A_413 = tpu.memref_squeeze %dma_wait3A_412 : memref<1x128xi32, #tpu.memory_space<vmem>> -> memref<128xi32, #tpu.memory_space<vmem>>
      %dma_wait3A_414 = arith.constant 0 : i32
      %dma_wait3A_415 = arith.constant 0 : i32
      %dma_wait3A_416 = tpu.memref_slice %arg4[%dma_wait3A_414, %dma_wait3A_415] : memref<10000x128xf32, #tpu.memory_space<hbm>> -> memref<10000x128xf32, #tpu.memory_space<hbm>>
      tpu.wait_indirect_dma semaphore(%arg15 : memref<!tpu.dma_semaphore, #tpu.memory_space<semaphore_mem>>) src(%dma_wait3A_416 : memref<10000x128xf32, #tpu.memory_space<hbm>>) dst(%arg8 : memref<128x128xf32, #tpu.memory_space<vmem>>)
      %run_scoped3A_417 = arith.constant 2 : i32
      "tpu.region"() ({
        %run_scoped3A_456 = tpu.sem_alloc : memref<!tpu.dma_semaphore, #tpu.memory_space<semaphore_mem>>
        %dma_start3A_457 = arith.constant 0 : i32
        %dma_start3A_458 = tpu.memref_slice %arg7[%run_scoped3A_417, %dma_start3A_457] : memref<4x128xi32, #tpu.memory_space<vmem>> -> memref<1x128xi32, #tpu.memory_space<vmem>>
        %dma_start3A_459 = tpu.memref_squeeze %dma_start3A_458 : memref<1x128xi32, #tpu.memory_space<vmem>> -> memref<128xi32, #tpu.memory_space<vmem>>
        %dma_start3A_460 = arith.constant 0 : i32
        %dma_start3A_461 = arith.constant 0 : i32
        %dma_start3A_462 = tpu.memref_slice %arg10[%dma_start3A_460, %dma_start3A_461] : memref<10008x128xf32, #tpu.memory_space<vmem_shared>> -> memref<10008x128xf32, #tpu.memory_space<vmem_shared>>
        tpu.enqueue_indirect_dma source(%arg8 : memref<128x128xf32, #tpu.memory_space<vmem>>) target(%dma_start3A_462 : memref<10008x128xf32, #tpu.memory_space<vmem_shared>>) offsets(%dma_start3A_459 : memref<128xi32, #tpu.memory_space<vmem>>) semaphore(%run_scoped3A_456 : memref<!tpu.dma_semaphore, #tpu.memory_space<semaphore_mem>>) {add = true}
        %dma_wait3A_463 = arith.constant 0 : i32
        %dma_wait3A_464 = tpu.memref_slice %arg7[%run_scoped3A_417, %dma_wait3A_463] : memref<4x128xi32, #tpu.memory_space<vmem>> -> memref<1x128xi32, #tpu.memory_space<vmem>>
        %dma_wait3A_465 = tpu.memref_squeeze %dma_wait3A_464 : memref<1x128xi32, #tpu.memory_space<vmem>> -> memref<128xi32, #tpu.memory_space<vmem>>
        %dma_wait3A_466 = arith.constant 0 : i32
        %dma_wait3A_467 = arith.constant 0 : i32
        %dma_wait3A_468 = tpu.memref_slice %arg10[%dma_wait3A_466, %dma_wait3A_467] : memref<10008x128xf32, #tpu.memory_space<vmem_shared>> -> memref<10008x128xf32, #tpu.memory_space<vmem_shared>>
        tpu.wait_indirect_dma semaphore(%run_scoped3A_456 : memref<!tpu.dma_semaphore, #tpu.memory_space<semaphore_mem>>) src(%arg8 : memref<128x128xf32, #tpu.memory_space<vmem>>) dst(%dma_wait3A_468 : memref<10008x128xf32, #tpu.memory_space<vmem_shared>>)
        tpu.yield
      }) : () -> ()
      %add3A_418 = arith.constant 4 : i32
      %add3A_419 = arith.addi %add3A_409, %add3A_418 : i32
      %lt3A_420 = arith.constant 80 : i32
      %lt3A_421 = arith.cmpi slt, %add3A_419, %lt3A_420 : i32
      %convert_element_type3A_422 = arith.extui %lt3A_421 : i1 to i32
      %cond3A_423 = arith.constant 0 : i32
      %cond3A_424 = arith.cmpi ne, %convert_element_type3A_422, %cond3A_423 : i32
      scf.if %cond3A_424 {
        %add3A_456 = arith.constant 4 : i32
        %add3A_457 = arith.addi %add3A_409, %add3A_456 : i32
        %dma_start3A_458 = arith.constant 2 : i32
        %dma_start3A_459 = arith.constant 0 : i32
        %dma_start3A_460 = tpu.memref_slice %arg6[%dma_start3A_458, %dma_start3A_459] : memref<4x128xi32, #tpu.memory_space<vmem>> -> memref<1x128xi32, #tpu.memory_space<vmem>>
        %dma_start3A_461 = tpu.memref_squeeze %dma_start3A_460 : memref<1x128xi32, #tpu.memory_space<vmem>> -> memref<128xi32, #tpu.memory_space<vmem>>
        %dma_start3A_462 = arith.constant 0 : i32
        %dma_start3A_463 = tpu.memref_slice %arg2[%add3A, %add3A_457, %dma_start3A_462] : memref<32x80x128xi32, #tpu.memory_space<hbm>> -> memref<1x1x128xi32, #tpu.memory_space<hbm>>
        %dma_start3A_464 = tpu.memref_squeeze %dma_start3A_463 : memref<1x1x128xi32, #tpu.memory_space<hbm>> -> memref<128xi32, #tpu.memory_space<hbm>>
        %dma_start3A_465 = arith.constant 0 : i32
        %dma_start3A_466 = tpu.memref_slice %arg6[%dma_start3A_458, %dma_start3A_465] : memref<4x128xi32, #tpu.memory_space<vmem>> -> memref<1x128xi32, #tpu.memory_space<vmem>>
        %dma_start3A_467 = tpu.memref_squeeze %dma_start3A_466 : memref<1x128xi32, #tpu.memory_space<vmem>> -> memref<128xi32, #tpu.memory_space<vmem>>
        %dma_start3A_468 = arith.constant 0 : i32
        %dma_start3A_469 = tpu.memref_slice %arg2[%add3A, %add3A_457, %dma_start3A_468] : memref<32x80x128xi32, #tpu.memory_space<hbm>> -> memref<1x1x128xi32, #tpu.memory_space<hbm>>
        %dma_start3A_470 = tpu.memref_squeeze %dma_start3A_469 : memref<1x1x128xi32, #tpu.memory_space<hbm>> -> memref<128xi32, #tpu.memory_space<hbm>>
        tpu.enqueue_dma source(%dma_start3A_470 : memref<128xi32, #tpu.memory_space<hbm>>) target(%dma_start3A_467 : memref<128xi32, #tpu.memory_space<vmem>>) target_semaphore(%arg13 : memref<!tpu.dma_semaphore, #tpu.memory_space<semaphore_mem>>)
        %dma_start3A_471 = arith.constant 2 : i32
        %dma_start3A_472 = arith.constant 0 : i32
        %dma_start3A_473 = tpu.memref_slice %arg7[%dma_start3A_471, %dma_start3A_472] : memref<4x128xi32, #tpu.memory_space<vmem>> -> memref<1x128xi32, #tpu.memory_space<vmem>>
        %dma_start3A_474 = tpu.memref_squeeze %dma_start3A_473 : memref<1x128xi32, #tpu.memory_space<vmem>> -> memref<128xi32, #tpu.memory_space<vmem>>
        %dma_start3A_475 = arith.constant 0 : i32
        %dma_start3A_476 = tpu.memref_slice %arg3[%add3A, %add3A_457, %dma_start3A_475] : memref<32x80x128xi32, #tpu.memory_space<hbm>> -> memref<1x1x128xi32, #tpu.memory_space<hbm>>
        %dma_start3A_477 = tpu.memref_squeeze %dma_start3A_476 : memref<1x1x128xi32, #tpu.memory_space<hbm>> -> memref<128xi32, #tpu.memory_space<hbm>>
        %dma_start3A_478 = arith.constant 0 : i32
        %dma_start3A_479 = tpu.memref_slice %arg7[%dma_start3A_471, %dma_start3A_478] : memref<4x128xi32, #tpu.memory_space<vmem>> -> memref<1x128xi32, #tpu.memory_space<vmem>>
        %dma_start3A_480 = tpu.memref_squeeze %dma_start3A_479 : memref<1x128xi32, #tpu.memory_space<vmem>> -> memref<128xi32, #tpu.memory_space<vmem>>
        %dma_start3A_481 = arith.constant 0 : i32
        %dma_start3A_482 = tpu.memref_slice %arg3[%add3A, %add3A_457, %dma_start3A_481] : memref<32x80x128xi32, #tpu.memory_space<hbm>> -> memref<1x1x128xi32, #tpu.memory_space<hbm>>
        %dma_start3A_483 = tpu.memref_squeeze %dma_start3A_482 : memref<1x1x128xi32, #tpu.memory_space<hbm>> -> memref<128xi32, #tpu.memory_space<hbm>>
        tpu.enqueue_dma source(%dma_start3A_483 : memref<128xi32, #tpu.memory_space<hbm>>) target(%dma_start3A_480 : memref<128xi32, #tpu.memory_space<vmem>>) target_semaphore(%arg13 : memref<!tpu.dma_semaphore, #tpu.memory_space<semaphore_mem>>)
      } else {
      }
      %add3A_425 = arith.constant 2 : i32
      %add3A_426 = arith.addi %add3A_409, %add3A_425 : i32
      %lt3A_427 = arith.constant 80 : i32
      %lt3A_428 = arith.cmpi slt, %add3A_426, %lt3A_427 : i32
      %convert_element_type3A_429 = arith.extui %lt3A_428 : i1 to i32
      %cond3A_430 = arith.constant 0 : i32
      %cond3A_431 = arith.cmpi ne, %convert_element_type3A_429, %cond3A_430 : i32
      scf.if %cond3A_431 {
        %add3A_456 = arith.constant 2 : i32
        %add3A_457 = arith.addi %add3A_409, %add3A_456 : i32
        %dma_wait3A_458 = arith.constant 0 : i32
        %dma_wait3A_459 = arith.constant 0 : i32
        %dma_wait3A_460 = tpu.memref_slice %arg6[%dma_wait3A_458, %dma_wait3A_459] : memref<4x128xi32, #tpu.memory_space<vmem>> -> memref<1x128xi32, #tpu.memory_space<vmem>>
        %dma_wait3A_461 = tpu.memref_squeeze %dma_wait3A_460 : memref<1x128xi32, #tpu.memory_space<vmem>> -> memref<128xi32, #tpu.memory_space<vmem>>
        %dma_wait3A_462 = arith.constant 0 : i32
        %dma_wait3A_463 = tpu.memref_slice %arg2[%add3A, %add3A_457, %dma_wait3A_462] : memref<32x80x128xi32, #tpu.memory_space<hbm>> -> memref<1x1x128xi32, #tpu.memory_space<hbm>>
        %dma_wait3A_464 = tpu.memref_squeeze %dma_wait3A_463 : memref<1x1x128xi32, #tpu.memory_space<hbm>> -> memref<128xi32, #tpu.memory_space<hbm>>
        %dma_wait3A_465 = arith.constant 0 : i32
        %dma_wait3A_466 = tpu.memref_slice %arg6[%dma_wait3A_458, %dma_wait3A_465] : memref<4x128xi32, #tpu.memory_space<vmem>> -> memref<1x128xi32, #tpu.memory_space<vmem>>
        %dma_wait3A_467 = tpu.memref_squeeze %dma_wait3A_466 : memref<1x128xi32, #tpu.memory_space<vmem>> -> memref<128xi32, #tpu.memory_space<vmem>>
        %dma_wait3A_468 = arith.constant 0 : i32
        %dma_wait3A_469 = tpu.memref_slice %arg2[%add3A, %add3A_457, %dma_wait3A_468] : memref<32x80x128xi32, #tpu.memory_space<hbm>> -> memref<1x1x128xi32, #tpu.memory_space<hbm>>
        %dma_wait3A_470 = tpu.memref_squeeze %dma_wait3A_469 : memref<1x1x128xi32, #tpu.memory_space<hbm>> -> memref<128xi32, #tpu.memory_space<hbm>>
        tpu.wait_dma2 semaphore(%arg11 : memref<!tpu.dma_semaphore, #tpu.memory_space<semaphore_mem>>) src(%dma_wait3A_470 : memref<128xi32, #tpu.memory_space<hbm>>) dst(%dma_wait3A_467 : memref<128xi32, #tpu.memory_space<vmem>>)
        %dma_wait3A_471 = arith.constant 0 : i32
        %dma_wait3A_472 = arith.constant 0 : i32
        %dma_wait3A_473 = tpu.memref_slice %arg7[%dma_wait3A_471, %dma_wait3A_472] : memref<4x128xi32, #tpu.memory_space<vmem>> -> memref<1x128xi32, #tpu.memory_space<vmem>>
        %dma_wait3A_474 = tpu.memref_squeeze %dma_wait3A_473 : memref<1x128xi32, #tpu.memory_space<vmem>> -> memref<128xi32, #tpu.memory_space<vmem>>
        %dma_wait3A_475 = arith.constant 0 : i32
        %dma_wait3A_476 = tpu.memref_slice %arg3[%add3A, %add3A_457, %dma_wait3A_475] : memref<32x80x128xi32, #tpu.memory_space<hbm>> -> memref<1x1x128xi32, #tpu.memory_space<hbm>>
        %dma_wait3A_477 = tpu.memref_squeeze %dma_wait3A_476 : memref<1x1x128xi32, #tpu.memory_space<hbm>> -> memref<128xi32, #tpu.memory_space<hbm>>
        %dma_wait3A_478 = arith.constant 0 : i32
        %dma_wait3A_479 = tpu.memref_slice %arg7[%dma_wait3A_471, %dma_wait3A_478] : memref<4x128xi32, #tpu.memory_space<vmem>> -> memref<1x128xi32, #tpu.memory_space<vmem>>
        %dma_wait3A_480 = tpu.memref_squeeze %dma_wait3A_479 : memref<1x128xi32, #tpu.memory_space<vmem>> -> memref<128xi32, #tpu.memory_space<vmem>>
        %dma_wait3A_481 = arith.constant 0 : i32
        %dma_wait3A_482 = tpu.memref_slice %arg3[%add3A, %add3A_457, %dma_wait3A_481] : memref<32x80x128xi32, #tpu.memory_space<hbm>> -> memref<1x1x128xi32, #tpu.memory_space<hbm>>
        %dma_wait3A_483 = tpu.memref_squeeze %dma_wait3A_482 : memref<1x1x128xi32, #tpu.memory_space<hbm>> -> memref<128xi32, #tpu.memory_space<hbm>>
        tpu.wait_dma2 semaphore(%arg11 : memref<!tpu.dma_semaphore, #tpu.memory_space<semaphore_mem>>) src(%dma_wait3A_483 : memref<128xi32, #tpu.memory_space<hbm>>) dst(%dma_wait3A_480 : memref<128xi32, #tpu.memory_space<vmem>>)
        %dma_start3A_484 = arith.constant 0 : i32
        %dma_start3A_485 = arith.constant 0 : i32
        %dma_start3A_486 = tpu.memref_slice %arg6[%dma_start3A_484, %dma_start3A_485] : memref<4x128xi32, #tpu.memory_space<vmem>> -> memref<1x128xi32, #tpu.memory_space<vmem>>
        %dma_start3A_487 = tpu.memref_squeeze %dma_start3A_486 : memref<1x128xi32, #tpu.memory_space<vmem>> -> memref<128xi32, #tpu.memory_space<vmem>>
        %dma_start3A_488 = arith.constant 0 : i32
        %dma_start3A_489 = arith.constant 0 : i32
        %dma_start3A_490 = tpu.memref_slice %arg4[%dma_start3A_488, %dma_start3A_489] : memref<10000x128xf32, #tpu.memory_space<hbm>> -> memref<10000x128xf32, #tpu.memory_space<hbm>>
        tpu.enqueue_indirect_dma source(%dma_start3A_490 : memref<10000x128xf32, #tpu.memory_space<hbm>>) target(%arg8 : memref<128x128xf32, #tpu.memory_space<vmem>>) offsets(%dma_start3A_487 : memref<128xi32, #tpu.memory_space<vmem>>) semaphore(%arg15 : memref<!tpu.dma_semaphore, #tpu.memory_space<semaphore_mem>>)
      } else {
      }
      %add3A_432 = arith.constant 3 : i32
      %add3A_433 = arith.addi %mul3A_360, %add3A_432 : i32
      %dma_wait3A_434 = arith.constant 3 : i32
      %dma_wait3A_435 = arith.constant 0 : i32
      %dma_wait3A_436 = tpu.memref_slice %arg6[%dma_wait3A_434, %dma_wait3A_435] : memref<4x128xi32, #tpu.memory_space<vmem>> -> memref<1x128xi32, #tpu.memory_space<vmem>>
      %dma_wait3A_437 = tpu.memref_squeeze %dma_wait3A_436 : memref<1x128xi32, #tpu.memory_space<vmem>> -> memref<128xi32, #tpu.memory_space<vmem>>
      %dma_wait3A_438 = arith.constant 0 : i32
      %dma_wait3A_439 = arith.constant 0 : i32
      %dma_wait3A_440 = tpu.memref_slice %arg4[%dma_wait3A_438, %dma_wait3A_439] : memref<10000x128xf32, #tpu.memory_space<hbm>> -> memref<10000x128xf32, #tpu.memory_space<hbm>>
      tpu.wait_indirect_dma semaphore(%arg16 : memref<!tpu.dma_semaphore, #tpu.memory_space<semaphore_mem>>) src(%dma_wait3A_440 : memref<10000x128xf32, #tpu.memory_space<hbm>>) dst(%arg9 : memref<128x128xf32, #tpu.memory_space<vmem>>)
      %run_scoped3A_441 = arith.constant 3 : i32
      "tpu.region"() ({
        %run_scoped3A_456 = tpu.sem_alloc : memref<!tpu.dma_semaphore, #tpu.memory_space<semaphore_mem>>
        %dma_start3A_457 = arith.constant 0 : i32
        %dma_start3A_458 = tpu.memref_slice %arg7[%run_scoped3A_441, %dma_start3A_457] : memref<4x128xi32, #tpu.memory_space<vmem>> -> memref<1x128xi32, #tpu.memory_space<vmem>>
        %dma_start3A_459 = tpu.memref_squeeze %dma_start3A_458 : memref<1x128xi32, #tpu.memory_space<vmem>> -> memref<128xi32, #tpu.memory_space<vmem>>
        %dma_start3A_460 = arith.constant 0 : i32
        %dma_start3A_461 = arith.constant 0 : i32
        %dma_start3A_462 = tpu.memref_slice %arg10[%dma_start3A_460, %dma_start3A_461] : memref<10008x128xf32, #tpu.memory_space<vmem_shared>> -> memref<10008x128xf32, #tpu.memory_space<vmem_shared>>
        tpu.enqueue_indirect_dma source(%arg9 : memref<128x128xf32, #tpu.memory_space<vmem>>) target(%dma_start3A_462 : memref<10008x128xf32, #tpu.memory_space<vmem_shared>>) offsets(%dma_start3A_459 : memref<128xi32, #tpu.memory_space<vmem>>) semaphore(%run_scoped3A_456 : memref<!tpu.dma_semaphore, #tpu.memory_space<semaphore_mem>>) {add = true}
        %dma_wait3A_463 = arith.constant 0 : i32
        %dma_wait3A_464 = tpu.memref_slice %arg7[%run_scoped3A_441, %dma_wait3A_463] : memref<4x128xi32, #tpu.memory_space<vmem>> -> memref<1x128xi32, #tpu.memory_space<vmem>>
        %dma_wait3A_465 = tpu.memref_squeeze %dma_wait3A_464 : memref<1x128xi32, #tpu.memory_space<vmem>> -> memref<128xi32, #tpu.memory_space<vmem>>
        %dma_wait3A_466 = arith.constant 0 : i32
        %dma_wait3A_467 = arith.constant 0 : i32
        %dma_wait3A_468 = tpu.memref_slice %arg10[%dma_wait3A_466, %dma_wait3A_467] : memref<10008x128xf32, #tpu.memory_space<vmem_shared>> -> memref<10008x128xf32, #tpu.memory_space<vmem_shared>>
        tpu.wait_indirect_dma semaphore(%run_scoped3A_456 : memref<!tpu.dma_semaphore, #tpu.memory_space<semaphore_mem>>) src(%arg9 : memref<128x128xf32, #tpu.memory_space<vmem>>) dst(%dma_wait3A_468 : memref<10008x128xf32, #tpu.memory_space<vmem_shared>>)
        tpu.yield
      }) : () -> ()
      %add3A_442 = arith.constant 4 : i32
      %add3A_443 = arith.addi %add3A_433, %add3A_442 : i32
      %lt3A_444 = arith.constant 80 : i32
      %lt3A_445 = arith.cmpi slt, %add3A_443, %lt3A_444 : i32
      %convert_element_type3A_446 = arith.extui %lt3A_445 : i1 to i32
      %cond3A_447 = arith.constant 0 : i32
      %cond3A_448 = arith.cmpi ne, %convert_element_type3A_446, %cond3A_447 : i32
      scf.if %cond3A_448 {
        %add3A_456 = arith.constant 4 : i32
        %add3A_457 = arith.addi %add3A_433, %add3A_456 : i32
        %dma_start3A_458 = arith.constant 3 : i32
        %dma_start3A_459 = arith.constant 0 : i32
        %dma_start3A_460 = tpu.memref_slice %arg6[%dma_start3A_458, %dma_start3A_459] : memref<4x128xi32, #tpu.memory_space<vmem>> -> memref<1x128xi32, #tpu.memory_space<vmem>>
        %dma_start3A_461 = tpu.memref_squeeze %dma_start3A_460 : memref<1x128xi32, #tpu.memory_space<vmem>> -> memref<128xi32, #tpu.memory_space<vmem>>
        %dma_start3A_462 = arith.constant 0 : i32
        %dma_start3A_463 = tpu.memref_slice %arg2[%add3A, %add3A_457, %dma_start3A_462] : memref<32x80x128xi32, #tpu.memory_space<hbm>> -> memref<1x1x128xi32, #tpu.memory_space<hbm>>
        %dma_start3A_464 = tpu.memref_squeeze %dma_start3A_463 : memref<1x1x128xi32, #tpu.memory_space<hbm>> -> memref<128xi32, #tpu.memory_space<hbm>>
        %dma_start3A_465 = arith.constant 0 : i32
        %dma_start3A_466 = tpu.memref_slice %arg6[%dma_start3A_458, %dma_start3A_465] : memref<4x128xi32, #tpu.memory_space<vmem>> -> memref<1x128xi32, #tpu.memory_space<vmem>>
        %dma_start3A_467 = tpu.memref_squeeze %dma_start3A_466 : memref<1x128xi32, #tpu.memory_space<vmem>> -> memref<128xi32, #tpu.memory_space<vmem>>
        %dma_start3A_468 = arith.constant 0 : i32
        %dma_start3A_469 = tpu.memref_slice %arg2[%add3A, %add3A_457, %dma_start3A_468] : memref<32x80x128xi32, #tpu.memory_space<hbm>> -> memref<1x1x128xi32, #tpu.memory_space<hbm>>
        %dma_start3A_470 = tpu.memref_squeeze %dma_start3A_469 : memref<1x1x128xi32, #tpu.memory_space<hbm>> -> memref<128xi32, #tpu.memory_space<hbm>>
        tpu.enqueue_dma source(%dma_start3A_470 : memref<128xi32, #tpu.memory_space<hbm>>) target(%dma_start3A_467 : memref<128xi32, #tpu.memory_space<vmem>>) target_semaphore(%arg14 : memref<!tpu.dma_semaphore, #tpu.memory_space<semaphore_mem>>)
        %dma_start3A_471 = arith.constant 3 : i32
        %dma_start3A_472 = arith.constant 0 : i32
        %dma_start3A_473 = tpu.memref_slice %arg7[%dma_start3A_471, %dma_start3A_472] : memref<4x128xi32, #tpu.memory_space<vmem>> -> memref<1x128xi32, #tpu.memory_space<vmem>>
        %dma_start3A_474 = tpu.memref_squeeze %dma_start3A_473 : memref<1x128xi32, #tpu.memory_space<vmem>> -> memref<128xi32, #tpu.memory_space<vmem>>
        %dma_start3A_475 = arith.constant 0 : i32
        %dma_start3A_476 = tpu.memref_slice %arg3[%add3A, %add3A_457, %dma_start3A_475] : memref<32x80x128xi32, #tpu.memory_space<hbm>> -> memref<1x1x128xi32, #tpu.memory_space<hbm>>
        %dma_start3A_477 = tpu.memref_squeeze %dma_start3A_476 : memref<1x1x128xi32, #tpu.memory_space<hbm>> -> memref<128xi32, #tpu.memory_space<hbm>>
        %dma_start3A_478 = arith.constant 0 : i32
        %dma_start3A_479 = tpu.memref_slice %arg7[%dma_start3A_471, %dma_start3A_478] : memref<4x128xi32, #tpu.memory_space<vmem>> -> memref<1x128xi32, #tpu.memory_space<vmem>>
        %dma_start3A_480 = tpu.memref_squeeze %dma_start3A_479 : memref<1x128xi32, #tpu.memory_space<vmem>> -> memref<128xi32, #tpu.memory_space<vmem>>
        %dma_start3A_481 = arith.constant 0 : i32
        %dma_start3A_482 = tpu.memref_slice %arg3[%add3A, %add3A_457, %dma_start3A_481] : memref<32x80x128xi32, #tpu.memory_space<hbm>> -> memref<1x1x128xi32, #tpu.memory_space<hbm>>
        %dma_start3A_483 = tpu.memref_squeeze %dma_start3A_482 : memref<1x1x128xi32, #tpu.memory_space<hbm>> -> memref<128xi32, #tpu.memory_space<hbm>>
        tpu.enqueue_dma source(%dma_start3A_483 : memref<128xi32, #tpu.memory_space<hbm>>) target(%dma_start3A_480 : memref<128xi32, #tpu.memory_space<vmem>>) target_semaphore(%arg14 : memref<!tpu.dma_semaphore, #tpu.memory_space<semaphore_mem>>)
      } else {
      }
      %add3A_449 = arith.constant 2 : i32
      %add3A_450 = arith.addi %add3A_433, %add3A_449 : i32
      %lt3A_451 = arith.constant 80 : i32
      %lt3A_452 = arith.cmpi slt, %add3A_450, %lt3A_451 : i32
      %convert_element_type3A_453 = arith.extui %lt3A_452 : i1 to i32
      %cond3A_454 = arith.constant 0 : i32
      %cond3A_455 = arith.cmpi ne, %convert_element_type3A_453, %cond3A_454 : i32
      scf.if %cond3A_455 {
        %add3A_456 = arith.constant 2 : i32
        %add3A_457 = arith.addi %add3A_433, %add3A_456 : i32
        %dma_wait3A_458 = arith.constant 1 : i32
        %dma_wait3A_459 = arith.constant 0 : i32
        %dma_wait3A_460 = tpu.memref_slice %arg6[%dma_wait3A_458, %dma_wait3A_459] : memref<4x128xi32, #tpu.memory_space<vmem>> -> memref<1x128xi32, #tpu.memory_space<vmem>>
        %dma_wait3A_461 = tpu.memref_squeeze %dma_wait3A_460 : memref<1x128xi32, #tpu.memory_space<vmem>> -> memref<128xi32, #tpu.memory_space<vmem>>
        %dma_wait3A_462 = arith.constant 0 : i32
        %dma_wait3A_463 = tpu.memref_slice %arg2[%add3A, %add3A_457, %dma_wait3A_462] : memref<32x80x128xi32, #tpu.memory_space<hbm>> -> memref<1x1x128xi32, #tpu.memory_space<hbm>>
        %dma_wait3A_464 = tpu.memref_squeeze %dma_wait3A_463 : memref<1x1x128xi32, #tpu.memory_space<hbm>> -> memref<128xi32, #tpu.memory_space<hbm>>
        %dma_wait3A_465 = arith.constant 0 : i32
        %dma_wait3A_466 = tpu.memref_slice %arg6[%dma_wait3A_458, %dma_wait3A_465] : memref<4x128xi32, #tpu.memory_space<vmem>> -> memref<1x128xi32, #tpu.memory_space<vmem>>
        %dma_wait3A_467 = tpu.memref_squeeze %dma_wait3A_466 : memref<1x128xi32, #tpu.memory_space<vmem>> -> memref<128xi32, #tpu.memory_space<vmem>>
        %dma_wait3A_468 = arith.constant 0 : i32
        %dma_wait3A_469 = tpu.memref_slice %arg2[%add3A, %add3A_457, %dma_wait3A_468] : memref<32x80x128xi32, #tpu.memory_space<hbm>> -> memref<1x1x128xi32, #tpu.memory_space<hbm>>
        %dma_wait3A_470 = tpu.memref_squeeze %dma_wait3A_469 : memref<1x1x128xi32, #tpu.memory_space<hbm>> -> memref<128xi32, #tpu.memory_space<hbm>>
        tpu.wait_dma2 semaphore(%arg12 : memref<!tpu.dma_semaphore, #tpu.memory_space<semaphore_mem>>) src(%dma_wait3A_470 : memref<128xi32, #tpu.memory_space<hbm>>) dst(%dma_wait3A_467 : memref<128xi32, #tpu.memory_space<vmem>>)
        %dma_wait3A_471 = arith.constant 1 : i32
        %dma_wait3A_472 = arith.constant 0 : i32
        %dma_wait3A_473 = tpu.memref_slice %arg7[%dma_wait3A_471, %dma_wait3A_472] : memref<4x128xi32, #tpu.memory_space<vmem>> -> memref<1x128xi32, #tpu.memory_space<vmem>>
        %dma_wait3A_474 = tpu.memref_squeeze %dma_wait3A_473 : memref<1x128xi32, #tpu.memory_space<vmem>> -> memref<128xi32, #tpu.memory_space<vmem>>
        %dma_wait3A_475 = arith.constant 0 : i32
        %dma_wait3A_476 = tpu.memref_slice %arg3[%add3A, %add3A_457, %dma_wait3A_475] : memref<32x80x128xi32, #tpu.memory_space<hbm>> -> memref<1x1x128xi32, #tpu.memory_space<hbm>>
        %dma_wait3A_477 = tpu.memref_squeeze %dma_wait3A_476 : memref<1x1x128xi32, #tpu.memory_space<hbm>> -> memref<128xi32, #tpu.memory_space<hbm>>
        %dma_wait3A_478 = arith.constant 0 : i32
        %dma_wait3A_479 = tpu.memref_slice %arg7[%dma_wait3A_471, %dma_wait3A_478] : memref<4x128xi32, #tpu.memory_space<vmem>> -> memref<1x128xi32, #tpu.memory_space<vmem>>
        %dma_wait3A_480 = tpu.memref_squeeze %dma_wait3A_479 : memref<1x128xi32, #tpu.memory_space<vmem>> -> memref<128xi32, #tpu.memory_space<vmem>>
        %dma_wait3A_481 = arith.constant 0 : i32
        %dma_wait3A_482 = tpu.memref_slice %arg3[%add3A, %add3A_457, %dma_wait3A_481] : memref<32x80x128xi32, #tpu.memory_space<hbm>> -> memref<1x1x128xi32, #tpu.memory_space<hbm>>
        %dma_wait3A_483 = tpu.memref_squeeze %dma_wait3A_482 : memref<1x1x128xi32, #tpu.memory_space<hbm>> -> memref<128xi32, #tpu.memory_space<hbm>>
        tpu.wait_dma2 semaphore(%arg12 : memref<!tpu.dma_semaphore, #tpu.memory_space<semaphore_mem>>) src(%dma_wait3A_483 : memref<128xi32, #tpu.memory_space<hbm>>) dst(%dma_wait3A_480 : memref<128xi32, #tpu.memory_space<vmem>>)
        %dma_start3A_484 = arith.constant 1 : i32
        %dma_start3A_485 = arith.constant 0 : i32
        %dma_start3A_486 = tpu.memref_slice %arg6[%dma_start3A_484, %dma_start3A_485] : memref<4x128xi32, #tpu.memory_space<vmem>> -> memref<1x128xi32, #tpu.memory_space<vmem>>
        %dma_start3A_487 = tpu.memref_squeeze %dma_start3A_486 : memref<1x128xi32, #tpu.memory_space<vmem>> -> memref<128xi32, #tpu.memory_space<vmem>>
        %dma_start3A_488 = arith.constant 0 : i32
        %dma_start3A_489 = arith.constant 0 : i32
        %dma_start3A_490 = tpu.memref_slice %arg4[%dma_start3A_488, %dma_start3A_489] : memref<10000x128xf32, #tpu.memory_space<hbm>> -> memref<10000x128xf32, #tpu.memory_space<hbm>>
        tpu.enqueue_indirect_dma source(%dma_start3A_490 : memref<10000x128xf32, #tpu.memory_space<hbm>>) target(%arg9 : memref<128x128xf32, #tpu.memory_space<vmem>>) offsets(%dma_start3A_487 : memref<128xi32, #tpu.memory_space<vmem>>) semaphore(%arg16 : memref<!tpu.dma_semaphore, #tpu.memory_space<semaphore_mem>>)
      } else {
      }
    }
    %scan3A_244 = arith.constant 20 : i32
    %barrier3A_245 = arith.constant 0 : index
    tpu.barrier barrier_id(%barrier3A_245)
    %add3A_246 = arith.constant 0 : i32
    %add3A_247 = arith.addi %arg1, %add3A_246 : i32
    %lt3A_248 = arith.constant 125 : i32
    %lt3A_249 = arith.cmpi slt, %add3A_247, %lt3A_248 : i32
    %convert_element_type3A_250 = arith.extui %lt3A_249 : i1 to i32
    %cond3A_251 = arith.constant 0 : i32
    %cond3A_252 = arith.cmpi ne, %convert_element_type3A_250, %cond3A_251 : i32
    scf.if %cond3A_252 {
      %mul3A_358 = arith.constant 80 : i32
      %mul3A_359 = arith.muli %add3A_247, %mul3A_358 : i32
      "tpu.region"() ({
        %run_scoped3A = tpu.sem_alloc : memref<!tpu.dma_semaphore, #tpu.memory_space<semaphore_mem>>
        %dma_start3A_374 = arith.constant 0 : i32
        %dma_start3A_375 = arith.constant 0 : i32
        %dma_start3A_376 = tpu.memref_slice %arg8[%dma_start3A_374, %dma_start3A_375] : memref<128x128xf32, #tpu.memory_space<vmem>> -> memref<80x128xf32, #tpu.memory_space<vmem>>
        %dma_start3A_377 = arith.constant 0 : i32
        %dma_start3A_378 = tpu.memref_slice %arg10[%mul3A_359, %dma_start3A_377] : memref<10008x128xf32, #tpu.memory_space<vmem_shared>> -> memref<80x128xf32, #tpu.memory_space<vmem_shared>>
        %dma_start3A_379 = arith.constant 0 : i32
        %dma_start3A_380 = arith.constant 0 : i32
        %dma_start3A_381 = tpu.memref_slice %arg8[%dma_start3A_379, %dma_start3A_380] : memref<128x128xf32, #tpu.memory_space<vmem>> -> memref<80x128xf32, #tpu.memory_space<vmem>>
        %dma_start3A_382 = arith.constant 0 : i32
        %dma_start3A_383 = tpu.memref_slice %arg10[%mul3A_359, %dma_start3A_382] : memref<10008x128xf32, #tpu.memory_space<vmem_shared>> -> memref<80x128xf32, #tpu.memory_space<vmem_shared>>
        tpu.enqueue_dma source(%dma_start3A_383 : memref<80x128xf32, #tpu.memory_space<vmem_shared>>) target(%dma_start3A_381 : memref<80x128xf32, #tpu.memory_space<vmem>>) target_semaphore(%run_scoped3A : memref<!tpu.dma_semaphore, #tpu.memory_space<semaphore_mem>>)
        %dma_wait3A_384 = arith.constant 0 : i32
        %dma_wait3A_385 = arith.constant 0 : i32
        %dma_wait3A_386 = tpu.memref_slice %arg8[%dma_wait3A_384, %dma_wait3A_385] : memref<128x128xf32, #tpu.memory_space<vmem>> -> memref<80x128xf32, #tpu.memory_space<vmem>>
        %dma_wait3A_387 = arith.constant 0 : i32
        %dma_wait3A_388 = tpu.memref_slice %arg10[%mul3A_359, %dma_wait3A_387] : memref<10008x128xf32, #tpu.memory_space<vmem_shared>> -> memref<80x128xf32, #tpu.memory_space<vmem_shared>>
        %dma_wait3A_389 = arith.constant 0 : i32
        %dma_wait3A_390 = arith.constant 0 : i32
        %dma_wait3A_391 = tpu.memref_slice %arg8[%dma_wait3A_389, %dma_wait3A_390] : memref<128x128xf32, #tpu.memory_space<vmem>> -> memref<80x128xf32, #tpu.memory_space<vmem>>
        %dma_wait3A_392 = arith.constant 0 : i32
        %dma_wait3A_393 = tpu.memref_slice %arg10[%mul3A_359, %dma_wait3A_392] : memref<10008x128xf32, #tpu.memory_space<vmem_shared>> -> memref<80x128xf32, #tpu.memory_space<vmem_shared>>
        tpu.wait_dma2 semaphore(%run_scoped3A : memref<!tpu.dma_semaphore, #tpu.memory_space<semaphore_mem>>) src(%dma_wait3A_393 : memref<80x128xf32, #tpu.memory_space<vmem_shared>>) dst(%dma_wait3A_391 : memref<80x128xf32, #tpu.memory_space<vmem>>)
        tpu.yield
      }) : () -> ()
      %mul3A_360 = arith.constant 80 : i32
      %mul3A_361 = arith.muli %add3A_247, %mul3A_360 : i32
      %dma_start3A_362 = arith.constant 0 : i32
      %dma_start3A_363 = arith.constant 0 : i32
      %dma_start3A_364 = tpu.memref_slice %arg8[%dma_start3A_362, %dma_start3A_363] : memref<128x128xf32, #tpu.memory_space<vmem>> -> memref<80x128xf32, #tpu.memory_space<vmem>>
      %dma_start3A_365 = arith.constant 0 : i32
      %dma_start3A_366 = tpu.memref_slice %arg5[%arg0, %mul3A_361, %dma_start3A_365] : memref<2x10000x128xf32, #tpu.memory_space<hbm>> -> memref<1x80x128xf32, #tpu.memory_space<hbm>>
      %dma_start3A_367 = tpu.memref_squeeze %dma_start3A_366 : memref<1x80x128xf32, #tpu.memory_space<hbm>> -> memref<80x128xf32, #tpu.memory_space<hbm>>
      %dma_start3A_368 = arith.constant 0 : i32
      %dma_start3A_369 = tpu.memref_slice %arg5[%arg0, %mul3A_361, %dma_start3A_368] : memref<2x10000x128xf32, #tpu.memory_space<hbm>> -> memref<1x80x128xf32, #tpu.memory_space<hbm>>
      %dma_start3A_370 = tpu.memref_squeeze %dma_start3A_369 : memref<1x80x128xf32, #tpu.memory_space<hbm>> -> memref<80x128xf32, #tpu.memory_space<hbm>>
      %dma_start3A_371 = arith.constant 0 : i32
      %dma_start3A_372 = arith.constant 0 : i32
      %dma_start3A_373 = tpu.memref_slice %arg8[%dma_start3A_371, %dma_start3A_372] : memref<128x128xf32, #tpu.memory_space<vmem>> -> memref<80x128xf32, #tpu.memory_space<vmem>>
      tpu.enqueue_dma source(%dma_start3A_373 : memref<80x128xf32, #tpu.memory_space<vmem>>) target(%dma_start3A_370 : memref<80x128xf32, #tpu.memory_space<hbm>>) target_semaphore(%arg15 : memref<!tpu.dma_semaphore, #tpu.memory_space<semaphore_mem>>)
    } else {
    }
    %add3A_253 = arith.constant 16 : i32
    %add3A_254 = arith.addi %arg1, %add3A_253 : i32
    %lt3A_255 = arith.constant 125 : i32
    %lt3A_256 = arith.cmpi slt, %add3A_254, %lt3A_255 : i32
    %convert_element_type3A_257 = arith.extui %lt3A_256 : i1 to i32
    %cond3A_258 = arith.constant 0 : i32
    %cond3A_259 = arith.cmpi ne, %convert_element_type3A_257, %cond3A_258 : i32
    scf.if %cond3A_259 {
      %mul3A_358 = arith.constant 80 : i32
      %mul3A_359 = arith.muli %add3A_254, %mul3A_358 : i32
      "tpu.region"() ({
        %run_scoped3A = tpu.sem_alloc : memref<!tpu.dma_semaphore, #tpu.memory_space<semaphore_mem>>
        %dma_start3A_374 = arith.constant 0 : i32
        %dma_start3A_375 = arith.constant 0 : i32
        %dma_start3A_376 = tpu.memref_slice %arg9[%dma_start3A_374, %dma_start3A_375] : memref<128x128xf32, #tpu.memory_space<vmem>> -> memref<80x128xf32, #tpu.memory_space<vmem>>
        %dma_start3A_377 = arith.constant 0 : i32
        %dma_start3A_378 = tpu.memref_slice %arg10[%mul3A_359, %dma_start3A_377] : memref<10008x128xf32, #tpu.memory_space<vmem_shared>> -> memref<80x128xf32, #tpu.memory_space<vmem_shared>>
        %dma_start3A_379 = arith.constant 0 : i32
        %dma_start3A_380 = arith.constant 0 : i32
        %dma_start3A_381 = tpu.memref_slice %arg9[%dma_start3A_379, %dma_start3A_380] : memref<128x128xf32, #tpu.memory_space<vmem>> -> memref<80x128xf32, #tpu.memory_space<vmem>>
        %dma_start3A_382 = arith.constant 0 : i32
        %dma_start3A_383 = tpu.memref_slice %arg10[%mul3A_359, %dma_start3A_382] : memref<10008x128xf32, #tpu.memory_space<vmem_shared>> -> memref<80x128xf32, #tpu.memory_space<vmem_shared>>
        tpu.enqueue_dma source(%dma_start3A_383 : memref<80x128xf32, #tpu.memory_space<vmem_shared>>) target(%dma_start3A_381 : memref<80x128xf32, #tpu.memory_space<vmem>>) target_semaphore(%run_scoped3A : memref<!tpu.dma_semaphore, #tpu.memory_space<semaphore_mem>>)
        %dma_wait3A_384 = arith.constant 0 : i32
        %dma_wait3A_385 = arith.constant 0 : i32
        %dma_wait3A_386 = tpu.memref_slice %arg9[%dma_wait3A_384, %dma_wait3A_385] : memref<128x128xf32, #tpu.memory_space<vmem>> -> memref<80x128xf32, #tpu.memory_space<vmem>>
        %dma_wait3A_387 = arith.constant 0 : i32
        %dma_wait3A_388 = tpu.memref_slice %arg10[%mul3A_359, %dma_wait3A_387] : memref<10008x128xf32, #tpu.memory_space<vmem_shared>> -> memref<80x128xf32, #tpu.memory_space<vmem_shared>>
        %dma_wait3A_389 = arith.constant 0 : i32
        %dma_wait3A_390 = arith.constant 0 : i32
        %dma_wait3A_391 = tpu.memref_slice %arg9[%dma_wait3A_389, %dma_wait3A_390] : memref<128x128xf32, #tpu.memory_space<vmem>> -> memref<80x128xf32, #tpu.memory_space<vmem>>
        %dma_wait3A_392 = arith.constant 0 : i32
        %dma_wait3A_393 = tpu.memref_slice %arg10[%mul3A_359, %dma_wait3A_392] : memref<10008x128xf32, #tpu.memory_space<vmem_shared>> -> memref<80x128xf32, #tpu.memory_space<vmem_shared>>
        tpu.wait_dma2 semaphore(%run_scoped3A : memref<!tpu.dma_semaphore, #tpu.memory_space<semaphore_mem>>) src(%dma_wait3A_393 : memref<80x128xf32, #tpu.memory_space<vmem_shared>>) dst(%dma_wait3A_391 : memref<80x128xf32, #tpu.memory_space<vmem>>)
        tpu.yield
      }) : () -> ()
      %mul3A_360 = arith.constant 80 : i32
      %mul3A_361 = arith.muli %add3A_254, %mul3A_360 : i32
      %dma_start3A_362 = arith.constant 0 : i32
      %dma_start3A_363 = arith.constant 0 : i32
      %dma_start3A_364 = tpu.memref_slice %arg9[%dma_start3A_362, %dma_start3A_363] : memref<128x128xf32, #tpu.memory_space<vmem>> -> memref<80x128xf32, #tpu.memory_space<vmem>>
      %dma_start3A_365 = arith.constant 0 : i32
      %dma_start3A_366 = tpu.memref_slice %arg5[%arg0, %mul3A_361, %dma_start3A_365] : memref<2x10000x128xf32, #tpu.memory_space<hbm>> -> memref<1x80x128xf32, #tpu.memory_space<hbm>>
      %dma_start3A_367 = tpu.memref_squeeze %dma_start3A_366 : memref<1x80x128xf32, #tpu.memory_space<hbm>> -> memref<80x128xf32, #tpu.memory_space<hbm>>
      %dma_start3A_368 = arith.constant 0 : i32
      %dma_start3A_369 = tpu.memref_slice %arg5[%arg0, %mul3A_361, %dma_start3A_368] : memref<2x10000x128xf32, #tpu.memory_space<hbm>> -> memref<1x80x128xf32, #tpu.memory_space<hbm>>
      %dma_start3A_370 = tpu.memref_squeeze %dma_start3A_369 : memref<1x80x128xf32, #tpu.memory_space<hbm>> -> memref<80x128xf32, #tpu.memory_space<hbm>>
      %dma_start3A_371 = arith.constant 0 : i32
      %dma_start3A_372 = arith.constant 0 : i32
      %dma_start3A_373 = tpu.memref_slice %arg9[%dma_start3A_371, %dma_start3A_372] : memref<128x128xf32, #tpu.memory_space<vmem>> -> memref<80x128xf32, #tpu.memory_space<vmem>>
      tpu.enqueue_dma source(%dma_start3A_373 : memref<80x128xf32, #tpu.memory_space<vmem>>) target(%dma_start3A_370 : memref<80x128xf32, #tpu.memory_space<hbm>>) target_semaphore(%arg16 : memref<!tpu.dma_semaphore, #tpu.memory_space<semaphore_mem>>)
    } else {
    }
    %add3A_260 = arith.constant 0 : i32
    %add3A_261 = arith.addi %arg1, %add3A_260 : i32
    %lt3A_262 = arith.constant 125 : i32
    %lt3A_263 = arith.cmpi slt, %add3A_261, %lt3A_262 : i32
    %convert_element_type3A_264 = arith.extui %lt3A_263 : i1 to i32
    %cond3A_265 = arith.constant 0 : i32
    %cond3A_266 = arith.cmpi ne, %convert_element_type3A_264, %cond3A_265 : i32
    scf.if %cond3A_266 {
      %mul3A_358 = arith.constant 80 : i32
      %mul3A_359 = arith.muli %add3A_261, %mul3A_358 : i32
      %dma_wait3A_360 = arith.constant 0 : i32
      %dma_wait3A_361 = arith.constant 0 : i32
      %dma_wait3A_362 = tpu.memref_slice %arg8[%dma_wait3A_360, %dma_wait3A_361] : memref<128x128xf32, #tpu.memory_space<vmem>> -> memref<80x128xf32, #tpu.memory_space<vmem>>
      %dma_wait3A_363 = arith.constant 0 : i32
      %dma_wait3A_364 = tpu.memref_slice %arg5[%arg0, %mul3A_359, %dma_wait3A_363] : memref<2x10000x128xf32, #tpu.memory_space<hbm>> -> memref<1x80x128xf32, #tpu.memory_space<hbm>>
      %dma_wait3A_365 = tpu.memref_squeeze %dma_wait3A_364 : memref<1x80x128xf32, #tpu.memory_space<hbm>> -> memref<80x128xf32, #tpu.memory_space<hbm>>
      %dma_wait3A_366 = arith.constant 0 : i32
      %dma_wait3A_367 = tpu.memref_slice %arg5[%arg0, %mul3A_359, %dma_wait3A_366] : memref<2x10000x128xf32, #tpu.memory_space<hbm>> -> memref<1x80x128xf32, #tpu.memory_space<hbm>>
      %dma_wait3A_368 = tpu.memref_squeeze %dma_wait3A_367 : memref<1x80x128xf32, #tpu.memory_space<hbm>> -> memref<80x128xf32, #tpu.memory_space<hbm>>
      %dma_wait3A_369 = arith.constant 0 : i32
      %dma_wait3A_370 = arith.constant 0 : i32
      %dma_wait3A_371 = tpu.memref_slice %arg8[%dma_wait3A_369, %dma_wait3A_370] : memref<128x128xf32, #tpu.memory_space<vmem>> -> memref<80x128xf32, #tpu.memory_space<vmem>>
      tpu.wait_dma2 semaphore(%arg15 : memref<!tpu.dma_semaphore, #tpu.memory_space<semaphore_mem>>) src(%dma_wait3A_371 : memref<80x128xf32, #tpu.memory_space<vmem>>) dst(%dma_wait3A_368 : memref<80x128xf32, #tpu.memory_space<hbm>>)
    } else {
    }
    %add3A_267 = arith.constant 32 : i32
    %add3A_268 = arith.addi %arg1, %add3A_267 : i32
    %lt3A_269 = arith.constant 125 : i32
    %lt3A_270 = arith.cmpi slt, %add3A_268, %lt3A_269 : i32
    %convert_element_type3A_271 = arith.extui %lt3A_270 : i1 to i32
    %cond3A_272 = arith.constant 0 : i32
    %cond3A_273 = arith.cmpi ne, %convert_element_type3A_271, %cond3A_272 : i32
    scf.if %cond3A_273 {
      %mul3A_358 = arith.constant 80 : i32
      %mul3A_359 = arith.muli %add3A_268, %mul3A_358 : i32
      "tpu.region"() ({
        %run_scoped3A = tpu.sem_alloc : memref<!tpu.dma_semaphore, #tpu.memory_space<semaphore_mem>>
        %dma_start3A_374 = arith.constant 0 : i32
        %dma_start3A_375 = arith.constant 0 : i32
        %dma_start3A_376 = tpu.memref_slice %arg8[%dma_start3A_374, %dma_start3A_375] : memref<128x128xf32, #tpu.memory_space<vmem>> -> memref<80x128xf32, #tpu.memory_space<vmem>>
        %dma_start3A_377 = arith.constant 0 : i32
        %dma_start3A_378 = tpu.memref_slice %arg10[%mul3A_359, %dma_start3A_377] : memref<10008x128xf32, #tpu.memory_space<vmem_shared>> -> memref<80x128xf32, #tpu.memory_space<vmem_shared>>
        %dma_start3A_379 = arith.constant 0 : i32
        %dma_start3A_380 = arith.constant 0 : i32
        %dma_start3A_381 = tpu.memref_slice %arg8[%dma_start3A_379, %dma_start3A_380] : memref<128x128xf32, #tpu.memory_space<vmem>> -> memref<80x128xf32, #tpu.memory_space<vmem>>
        %dma_start3A_382 = arith.constant 0 : i32
        %dma_start3A_383 = tpu.memref_slice %arg10[%mul3A_359, %dma_start3A_382] : memref<10008x128xf32, #tpu.memory_space<vmem_shared>> -> memref<80x128xf32, #tpu.memory_space<vmem_shared>>
        tpu.enqueue_dma source(%dma_start3A_383 : memref<80x128xf32, #tpu.memory_space<vmem_shared>>) target(%dma_start3A_381 : memref<80x128xf32, #tpu.memory_space<vmem>>) target_semaphore(%run_scoped3A : memref<!tpu.dma_semaphore, #tpu.memory_space<semaphore_mem>>)
        %dma_wait3A_384 = arith.constant 0 : i32
        %dma_wait3A_385 = arith.constant 0 : i32
        %dma_wait3A_386 = tpu.memref_slice %arg8[%dma_wait3A_384, %dma_wait3A_385] : memref<128x128xf32, #tpu.memory_space<vmem>> -> memref<80x128xf32, #tpu.memory_space<vmem>>
        %dma_wait3A_387 = arith.constant 0 : i32
        %dma_wait3A_388 = tpu.memref_slice %arg10[%mul3A_359, %dma_wait3A_387] : memref<10008x128xf32, #tpu.memory_space<vmem_shared>> -> memref<80x128xf32, #tpu.memory_space<vmem_shared>>
        %dma_wait3A_389 = arith.constant 0 : i32
        %dma_wait3A_390 = arith.constant 0 : i32
        %dma_wait3A_391 = tpu.memref_slice %arg8[%dma_wait3A_389, %dma_wait3A_390] : memref<128x128xf32, #tpu.memory_space<vmem>> -> memref<80x128xf32, #tpu.memory_space<vmem>>
        %dma_wait3A_392 = arith.constant 0 : i32
        %dma_wait3A_393 = tpu.memref_slice %arg10[%mul3A_359, %dma_wait3A_392] : memref<10008x128xf32, #tpu.memory_space<vmem_shared>> -> memref<80x128xf32, #tpu.memory_space<vmem_shared>>
        tpu.wait_dma2 semaphore(%run_scoped3A : memref<!tpu.dma_semaphore, #tpu.memory_space<semaphore_mem>>) src(%dma_wait3A_393 : memref<80x128xf32, #tpu.memory_space<vmem_shared>>) dst(%dma_wait3A_391 : memref<80x128xf32, #tpu.memory_space<vmem>>)
        tpu.yield
      }) : () -> ()
      %mul3A_360 = arith.constant 80 : i32
      %mul3A_361 = arith.muli %add3A_268, %mul3A_360 : i32
      %dma_start3A_362 = arith.constant 0 : i32
      %dma_start3A_363 = arith.constant 0 : i32
      %dma_start3A_364 = tpu.memref_slice %arg8[%dma_start3A_362, %dma_start3A_363] : memref<128x128xf32, #tpu.memory_space<vmem>> -> memref<80x128xf32, #tpu.memory_space<vmem>>
      %dma_start3A_365 = arith.constant 0 : i32
      %dma_start3A_366 = tpu.memref_slice %arg5[%arg0, %mul3A_361, %dma_start3A_365] : memref<2x10000x128xf32, #tpu.memory_space<hbm>> -> memref<1x80x128xf32, #tpu.memory_space<hbm>>
      %dma_start3A_367 = tpu.memref_squeeze %dma_start3A_366 : memref<1x80x128xf32, #tpu.memory_space<hbm>> -> memref<80x128xf32, #tpu.memory_space<hbm>>
      %dma_start3A_368 = arith.constant 0 : i32
      %dma_start3A_369 = tpu.memref_slice %arg5[%arg0, %mul3A_361, %dma_start3A_368] : memref<2x10000x128xf32, #tpu.memory_space<hbm>> -> memref<1x80x128xf32, #tpu.memory_space<hbm>>
      %dma_start3A_370 = tpu.memref_squeeze %dma_start3A_369 : memref<1x80x128xf32, #tpu.memory_space<hbm>> -> memref<80x128xf32, #tpu.memory_space<hbm>>
      %dma_start3A_371 = arith.constant 0 : i32
      %dma_start3A_372 = arith.constant 0 : i32
      %dma_start3A_373 = tpu.memref_slice %arg8[%dma_start3A_371, %dma_start3A_372] : memref<128x128xf32, #tpu.memory_space<vmem>> -> memref<80x128xf32, #tpu.memory_space<vmem>>
      tpu.enqueue_dma source(%dma_start3A_373 : memref<80x128xf32, #tpu.memory_space<vmem>>) target(%dma_start3A_370 : memref<80x128xf32, #tpu.memory_space<hbm>>) target_semaphore(%arg15 : memref<!tpu.dma_semaphore, #tpu.memory_space<semaphore_mem>>)
    } else {
    }
    %add3A_274 = arith.constant 16 : i32
    %add3A_275 = arith.addi %arg1, %add3A_274 : i32
    %lt3A_276 = arith.constant 125 : i32
    %lt3A_277 = arith.cmpi slt, %add3A_275, %lt3A_276 : i32
    %convert_element_type3A_278 = arith.extui %lt3A_277 : i1 to i32
    %cond3A_279 = arith.constant 0 : i32
    %cond3A_280 = arith.cmpi ne, %convert_element_type3A_278, %cond3A_279 : i32
    scf.if %cond3A_280 {
      %mul3A_358 = arith.constant 80 : i32
      %mul3A_359 = arith.muli %add3A_275, %mul3A_358 : i32
      %dma_wait3A_360 = arith.constant 0 : i32
      %dma_wait3A_361 = arith.constant 0 : i32
      %dma_wait3A_362 = tpu.memref_slice %arg9[%dma_wait3A_360, %dma_wait3A_361] : memref<128x128xf32, #tpu.memory_space<vmem>> -> memref<80x128xf32, #tpu.memory_space<vmem>>
      %dma_wait3A_363 = arith.constant 0 : i32
      %dma_wait3A_364 = tpu.memref_slice %arg5[%arg0, %mul3A_359, %dma_wait3A_363] : memref<2x10000x128xf32, #tpu.memory_space<hbm>> -> memref<1x80x128xf32, #tpu.memory_space<hbm>>
      %dma_wait3A_365 = tpu.memref_squeeze %dma_wait3A_364 : memref<1x80x128xf32, #tpu.memory_space<hbm>> -> memref<80x128xf32, #tpu.memory_space<hbm>>
      %dma_wait3A_366 = arith.constant 0 : i32
      %dma_wait3A_367 = tpu.memref_slice %arg5[%arg0, %mul3A_359, %dma_wait3A_366] : memref<2x10000x128xf32, #tpu.memory_space<hbm>> -> memref<1x80x128xf32, #tpu.memory_space<hbm>>
      %dma_wait3A_368 = tpu.memref_squeeze %dma_wait3A_367 : memref<1x80x128xf32, #tpu.memory_space<hbm>> -> memref<80x128xf32, #tpu.memory_space<hbm>>
      %dma_wait3A_369 = arith.constant 0 : i32
      %dma_wait3A_370 = arith.constant 0 : i32
      %dma_wait3A_371 = tpu.memref_slice %arg9[%dma_wait3A_369, %dma_wait3A_370] : memref<128x128xf32, #tpu.memory_space<vmem>> -> memref<80x128xf32, #tpu.memory_space<vmem>>
      tpu.wait_dma2 semaphore(%arg16 : memref<!tpu.dma_semaphore, #tpu.memory_space<semaphore_mem>>) src(%dma_wait3A_371 : memref<80x128xf32, #tpu.memory_space<vmem>>) dst(%dma_wait3A_368 : memref<80x128xf32, #tpu.memory_space<hbm>>)
    } else {
    }
    %add3A_281 = arith.constant 48 : i32
    %add3A_282 = arith.addi %arg1, %add3A_281 : i32
    %lt3A_283 = arith.constant 125 : i32
    %lt3A_284 = arith.cmpi slt, %add3A_282, %lt3A_283 : i32
    %convert_element_type3A_285 = arith.extui %lt3A_284 : i1 to i32
    %cond3A_286 = arith.constant 0 : i32
    %cond3A_287 = arith.cmpi ne, %convert_element_type3A_285, %cond3A_286 : i32
    scf.if %cond3A_287 {
      %mul3A_358 = arith.constant 80 : i32
      %mul3A_359 = arith.muli %add3A_282, %mul3A_358 : i32
      "tpu.region"() ({
        %run_scoped3A = tpu.sem_alloc : memref<!tpu.dma_semaphore, #tpu.memory_space<semaphore_mem>>
        %dma_start3A_374 = arith.constant 0 : i32
        %dma_start3A_375 = arith.constant 0 : i32
        %dma_start3A_376 = tpu.memref_slice %arg9[%dma_start3A_374, %dma_start3A_375] : memref<128x128xf32, #tpu.memory_space<vmem>> -> memref<80x128xf32, #tpu.memory_space<vmem>>
        %dma_start3A_377 = arith.constant 0 : i32
        %dma_start3A_378 = tpu.memref_slice %arg10[%mul3A_359, %dma_start3A_377] : memref<10008x128xf32, #tpu.memory_space<vmem_shared>> -> memref<80x128xf32, #tpu.memory_space<vmem_shared>>
        %dma_start3A_379 = arith.constant 0 : i32
        %dma_start3A_380 = arith.constant 0 : i32
        %dma_start3A_381 = tpu.memref_slice %arg9[%dma_start3A_379, %dma_start3A_380] : memref<128x128xf32, #tpu.memory_space<vmem>> -> memref<80x128xf32, #tpu.memory_space<vmem>>
        %dma_start3A_382 = arith.constant 0 : i32
        %dma_start3A_383 = tpu.memref_slice %arg10[%mul3A_359, %dma_start3A_382] : memref<10008x128xf32, #tpu.memory_space<vmem_shared>> -> memref<80x128xf32, #tpu.memory_space<vmem_shared>>
        tpu.enqueue_dma source(%dma_start3A_383 : memref<80x128xf32, #tpu.memory_space<vmem_shared>>) target(%dma_start3A_381 : memref<80x128xf32, #tpu.memory_space<vmem>>) target_semaphore(%run_scoped3A : memref<!tpu.dma_semaphore, #tpu.memory_space<semaphore_mem>>)
        %dma_wait3A_384 = arith.constant 0 : i32
        %dma_wait3A_385 = arith.constant 0 : i32
        %dma_wait3A_386 = tpu.memref_slice %arg9[%dma_wait3A_384, %dma_wait3A_385] : memref<128x128xf32, #tpu.memory_space<vmem>> -> memref<80x128xf32, #tpu.memory_space<vmem>>
        %dma_wait3A_387 = arith.constant 0 : i32
        %dma_wait3A_388 = tpu.memref_slice %arg10[%mul3A_359, %dma_wait3A_387] : memref<10008x128xf32, #tpu.memory_space<vmem_shared>> -> memref<80x128xf32, #tpu.memory_space<vmem_shared>>
        %dma_wait3A_389 = arith.constant 0 : i32
        %dma_wait3A_390 = arith.constant 0 : i32
        %dma_wait3A_391 = tpu.memref_slice %arg9[%dma_wait3A_389, %dma_wait3A_390] : memref<128x128xf32, #tpu.memory_space<vmem>> -> memref<80x128xf32, #tpu.memory_space<vmem>>
        %dma_wait3A_392 = arith.constant 0 : i32
        %dma_wait3A_393 = tpu.memref_slice %arg10[%mul3A_359, %dma_wait3A_392] : memref<10008x128xf32, #tpu.memory_space<vmem_shared>> -> memref<80x128xf32, #tpu.memory_space<vmem_shared>>
        tpu.wait_dma2 semaphore(%run_scoped3A : memref<!tpu.dma_semaphore, #tpu.memory_space<semaphore_mem>>) src(%dma_wait3A_393 : memref<80x128xf32, #tpu.memory_space<vmem_shared>>) dst(%dma_wait3A_391 : memref<80x128xf32, #tpu.memory_space<vmem>>)
        tpu.yield
      }) : () -> ()
      %mul3A_360 = arith.constant 80 : i32
      %mul3A_361 = arith.muli %add3A_282, %mul3A_360 : i32
      %dma_start3A_362 = arith.constant 0 : i32
      %dma_start3A_363 = arith.constant 0 : i32
      %dma_start3A_364 = tpu.memref_slice %arg9[%dma_start3A_362, %dma_start3A_363] : memref<128x128xf32, #tpu.memory_space<vmem>> -> memref<80x128xf32, #tpu.memory_space<vmem>>
      %dma_start3A_365 = arith.constant 0 : i32
      %dma_start3A_366 = tpu.memref_slice %arg5[%arg0, %mul3A_361, %dma_start3A_365] : memref<2x10000x128xf32, #tpu.memory_space<hbm>> -> memref<1x80x128xf32, #tpu.memory_space<hbm>>
      %dma_start3A_367 = tpu.memref_squeeze %dma_start3A_366 : memref<1x80x128xf32, #tpu.memory_space<hbm>> -> memref<80x128xf32, #tpu.memory_space<hbm>>
      %dma_start3A_368 = arith.constant 0 : i32
      %dma_start3A_369 = tpu.memref_slice %arg5[%arg0, %mul3A_361, %dma_start3A_368] : memref<2x10000x128xf32, #tpu.memory_space<hbm>> -> memref<1x80x128xf32, #tpu.memory_space<hbm>>
      %dma_start3A_370 = tpu.memref_squeeze %dma_start3A_369 : memref<1x80x128xf32, #tpu.memory_space<hbm>> -> memref<80x128xf32, #tpu.memory_space<hbm>>
      %dma_start3A_371 = arith.constant 0 : i32
      %dma_start3A_372 = arith.constant 0 : i32
      %dma_start3A_373 = tpu.memref_slice %arg9[%dma_start3A_371, %dma_start3A_372] : memref<128x128xf32, #tpu.memory_space<vmem>> -> memref<80x128xf32, #tpu.memory_space<vmem>>
      tpu.enqueue_dma source(%dma_start3A_373 : memref<80x128xf32, #tpu.memory_space<vmem>>) target(%dma_start3A_370 : memref<80x128xf32, #tpu.memory_space<hbm>>) target_semaphore(%arg16 : memref<!tpu.dma_semaphore, #tpu.memory_space<semaphore_mem>>)
    } else {
    }
    %add3A_288 = arith.constant 32 : i32
    %add3A_289 = arith.addi %arg1, %add3A_288 : i32
    %lt3A_290 = arith.constant 125 : i32
    %lt3A_291 = arith.cmpi slt, %add3A_289, %lt3A_290 : i32
    %convert_element_type3A_292 = arith.extui %lt3A_291 : i1 to i32
    %cond3A_293 = arith.constant 0 : i32
    %cond3A_294 = arith.cmpi ne, %convert_element_type3A_292, %cond3A_293 : i32
    scf.if %cond3A_294 {
      %mul3A_358 = arith.constant 80 : i32
      %mul3A_359 = arith.muli %add3A_289, %mul3A_358 : i32
      %dma_wait3A_360 = arith.constant 0 : i32
      %dma_wait3A_361 = arith.constant 0 : i32
      %dma_wait3A_362 = tpu.memref_slice %arg8[%dma_wait3A_360, %dma_wait3A_361] : memref<128x128xf32, #tpu.memory_space<vmem>> -> memref<80x128xf32, #tpu.memory_space<vmem>>
      %dma_wait3A_363 = arith.constant 0 : i32
      %dma_wait3A_364 = tpu.memref_slice %arg5[%arg0, %mul3A_359, %dma_wait3A_363] : memref<2x10000x128xf32, #tpu.memory_space<hbm>> -> memref<1x80x128xf32, #tpu.memory_space<hbm>>
      %dma_wait3A_365 = tpu.memref_squeeze %dma_wait3A_364 : memref<1x80x128xf32, #tpu.memory_space<hbm>> -> memref<80x128xf32, #tpu.memory_space<hbm>>
      %dma_wait3A_366 = arith.constant 0 : i32
      %dma_wait3A_367 = tpu.memref_slice %arg5[%arg0, %mul3A_359, %dma_wait3A_366] : memref<2x10000x128xf32, #tpu.memory_space<hbm>> -> memref<1x80x128xf32, #tpu.memory_space<hbm>>
      %dma_wait3A_368 = tpu.memref_squeeze %dma_wait3A_367 : memref<1x80x128xf32, #tpu.memory_space<hbm>> -> memref<80x128xf32, #tpu.memory_space<hbm>>
      %dma_wait3A_369 = arith.constant 0 : i32
      %dma_wait3A_370 = arith.constant 0 : i32
      %dma_wait3A_371 = tpu.memref_slice %arg8[%dma_wait3A_369, %dma_wait3A_370] : memref<128x128xf32, #tpu.memory_space<vmem>> -> memref<80x128xf32, #tpu.memory_space<vmem>>
      tpu.wait_dma2 semaphore(%arg15 : memref<!tpu.dma_semaphore, #tpu.memory_space<semaphore_mem>>) src(%dma_wait3A_371 : memref<80x128xf32, #tpu.memory_space<vmem>>) dst(%dma_wait3A_368 : memref<80x128xf32, #tpu.memory_space<hbm>>)
    } else {
    }
    %add3A_295 = arith.constant 64 : i32
    %add3A_296 = arith.addi %arg1, %add3A_295 : i32
    %lt3A_297 = arith.constant 125 : i32
    %lt3A_298 = arith.cmpi slt, %add3A_296, %lt3A_297 : i32
    %convert_element_type3A_299 = arith.extui %lt3A_298 : i1 to i32
    %cond3A_300 = arith.constant 0 : i32
    %cond3A_301 = arith.cmpi ne, %convert_element_type3A_299, %cond3A_300 : i32
    scf.if %cond3A_301 {
      %mul3A_358 = arith.constant 80 : i32
      %mul3A_359 = arith.muli %add3A_296, %mul3A_358 : i32
      "tpu.region"() ({
        %run_scoped3A = tpu.sem_alloc : memref<!tpu.dma_semaphore, #tpu.memory_space<semaphore_mem>>
        %dma_start3A_374 = arith.constant 0 : i32
        %dma_start3A_375 = arith.constant 0 : i32
        %dma_start3A_376 = tpu.memref_slice %arg8[%dma_start3A_374, %dma_start3A_375] : memref<128x128xf32, #tpu.memory_space<vmem>> -> memref<80x128xf32, #tpu.memory_space<vmem>>
        %dma_start3A_377 = arith.constant 0 : i32
        %dma_start3A_378 = tpu.memref_slice %arg10[%mul3A_359, %dma_start3A_377] : memref<10008x128xf32, #tpu.memory_space<vmem_shared>> -> memref<80x128xf32, #tpu.memory_space<vmem_shared>>
        %dma_start3A_379 = arith.constant 0 : i32
        %dma_start3A_380 = arith.constant 0 : i32
        %dma_start3A_381 = tpu.memref_slice %arg8[%dma_start3A_379, %dma_start3A_380] : memref<128x128xf32, #tpu.memory_space<vmem>> -> memref<80x128xf32, #tpu.memory_space<vmem>>
        %dma_start3A_382 = arith.constant 0 : i32
        %dma_start3A_383 = tpu.memref_slice %arg10[%mul3A_359, %dma_start3A_382] : memref<10008x128xf32, #tpu.memory_space<vmem_shared>> -> memref<80x128xf32, #tpu.memory_space<vmem_shared>>
        tpu.enqueue_dma source(%dma_start3A_383 : memref<80x128xf32, #tpu.memory_space<vmem_shared>>) target(%dma_start3A_381 : memref<80x128xf32, #tpu.memory_space<vmem>>) target_semaphore(%run_scoped3A : memref<!tpu.dma_semaphore, #tpu.memory_space<semaphore_mem>>)
        %dma_wait3A_384 = arith.constant 0 : i32
        %dma_wait3A_385 = arith.constant 0 : i32
        %dma_wait3A_386 = tpu.memref_slice %arg8[%dma_wait3A_384, %dma_wait3A_385] : memref<128x128xf32, #tpu.memory_space<vmem>> -> memref<80x128xf32, #tpu.memory_space<vmem>>
        %dma_wait3A_387 = arith.constant 0 : i32
        %dma_wait3A_388 = tpu.memref_slice %arg10[%mul3A_359, %dma_wait3A_387] : memref<10008x128xf32, #tpu.memory_space<vmem_shared>> -> memref<80x128xf32, #tpu.memory_space<vmem_shared>>
        %dma_wait3A_389 = arith.constant 0 : i32
        %dma_wait3A_390 = arith.constant 0 : i32
        %dma_wait3A_391 = tpu.memref_slice %arg8[%dma_wait3A_389, %dma_wait3A_390] : memref<128x128xf32, #tpu.memory_space<vmem>> -> memref<80x128xf32, #tpu.memory_space<vmem>>
        %dma_wait3A_392 = arith.constant 0 : i32
        %dma_wait3A_393 = tpu.memref_slice %arg10[%mul3A_359, %dma_wait3A_392] : memref<10008x128xf32, #tpu.memory_space<vmem_shared>> -> memref<80x128xf32, #tpu.memory_space<vmem_shared>>
        tpu.wait_dma2 semaphore(%run_scoped3A : memref<!tpu.dma_semaphore, #tpu.memory_space<semaphore_mem>>) src(%dma_wait3A_393 : memref<80x128xf32, #tpu.memory_space<vmem_shared>>) dst(%dma_wait3A_391 : memref<80x128xf32, #tpu.memory_space<vmem>>)
        tpu.yield
      }) : () -> ()
      %mul3A_360 = arith.constant 80 : i32
      %mul3A_361 = arith.muli %add3A_296, %mul3A_360 : i32
      %dma_start3A_362 = arith.constant 0 : i32
      %dma_start3A_363 = arith.constant 0 : i32
      %dma_start3A_364 = tpu.memref_slice %arg8[%dma_start3A_362, %dma_start3A_363] : memref<128x128xf32, #tpu.memory_space<vmem>> -> memref<80x128xf32, #tpu.memory_space<vmem>>
      %dma_start3A_365 = arith.constant 0 : i32
      %dma_start3A_366 = tpu.memref_slice %arg5[%arg0, %mul3A_361, %dma_start3A_365] : memref<2x10000x128xf32, #tpu.memory_space<hbm>> -> memref<1x80x128xf32, #tpu.memory_space<hbm>>
      %dma_start3A_367 = tpu.memref_squeeze %dma_start3A_366 : memref<1x80x128xf32, #tpu.memory_space<hbm>> -> memref<80x128xf32, #tpu.memory_space<hbm>>
      %dma_start3A_368 = arith.constant 0 : i32
      %dma_start3A_369 = tpu.memref_slice %arg5[%arg0, %mul3A_361, %dma_start3A_368] : memref<2x10000x128xf32, #tpu.memory_space<hbm>> -> memref<1x80x128xf32, #tpu.memory_space<hbm>>
      %dma_start3A_370 = tpu.memref_squeeze %dma_start3A_369 : memref<1x80x128xf32, #tpu.memory_space<hbm>> -> memref<80x128xf32, #tpu.memory_space<hbm>>
      %dma_start3A_371 = arith.constant 0 : i32
      %dma_start3A_372 = arith.constant 0 : i32
      %dma_start3A_373 = tpu.memref_slice %arg8[%dma_start3A_371, %dma_start3A_372] : memref<128x128xf32, #tpu.memory_space<vmem>> -> memref<80x128xf32, #tpu.memory_space<vmem>>
      tpu.enqueue_dma source(%dma_start3A_373 : memref<80x128xf32, #tpu.memory_space<vmem>>) target(%dma_start3A_370 : memref<80x128xf32, #tpu.memory_space<hbm>>) target_semaphore(%arg15 : memref<!tpu.dma_semaphore, #tpu.memory_space<semaphore_mem>>)
    } else {
    }
    %add3A_302 = arith.constant 48 : i32
    %add3A_303 = arith.addi %arg1, %add3A_302 : i32
    %lt3A_304 = arith.constant 125 : i32
    %lt3A_305 = arith.cmpi slt, %add3A_303, %lt3A_304 : i32
    %convert_element_type3A_306 = arith.extui %lt3A_305 : i1 to i32
    %cond3A_307 = arith.constant 0 : i32
    %cond3A_308 = arith.cmpi ne, %convert_element_type3A_306, %cond3A_307 : i32
    scf.if %cond3A_308 {
      %mul3A_358 = arith.constant 80 : i32
      %mul3A_359 = arith.muli %add3A_303, %mul3A_358 : i32
      %dma_wait3A_360 = arith.constant 0 : i32
      %dma_wait3A_361 = arith.constant 0 : i32
      %dma_wait3A_362 = tpu.memref_slice %arg9[%dma_wait3A_360, %dma_wait3A_361] : memref<128x128xf32, #tpu.memory_space<vmem>> -> memref<80x128xf32, #tpu.memory_space<vmem>>
      %dma_wait3A_363 = arith.constant 0 : i32
      %dma_wait3A_364 = tpu.memref_slice %arg5[%arg0, %mul3A_359, %dma_wait3A_363] : memref<2x10000x128xf32, #tpu.memory_space<hbm>> -> memref<1x80x128xf32, #tpu.memory_space<hbm>>
      %dma_wait3A_365 = tpu.memref_squeeze %dma_wait3A_364 : memref<1x80x128xf32, #tpu.memory_space<hbm>> -> memref<80x128xf32, #tpu.memory_space<hbm>>
      %dma_wait3A_366 = arith.constant 0 : i32
      %dma_wait3A_367 = tpu.memref_slice %arg5[%arg0, %mul3A_359, %dma_wait3A_366] : memref<2x10000x128xf32, #tpu.memory_space<hbm>> -> memref<1x80x128xf32, #tpu.memory_space<hbm>>
      %dma_wait3A_368 = tpu.memref_squeeze %dma_wait3A_367 : memref<1x80x128xf32, #tpu.memory_space<hbm>> -> memref<80x128xf32, #tpu.memory_space<hbm>>
      %dma_wait3A_369 = arith.constant 0 : i32
      %dma_wait3A_370 = arith.constant 0 : i32
      %dma_wait3A_371 = tpu.memref_slice %arg9[%dma_wait3A_369, %dma_wait3A_370] : memref<128x128xf32, #tpu.memory_space<vmem>> -> memref<80x128xf32, #tpu.memory_space<vmem>>
      tpu.wait_dma2 semaphore(%arg16 : memref<!tpu.dma_semaphore, #tpu.memory_space<semaphore_mem>>) src(%dma_wait3A_371 : memref<80x128xf32, #tpu.memory_space<vmem>>) dst(%dma_wait3A_368 : memref<80x128xf32, #tpu.memory_space<hbm>>)
    } else {
    }
    %add3A_309 = arith.constant 80 : i32
    %add3A_310 = arith.addi %arg1, %add3A_309 : i32
    %lt3A_311 = arith.constant 125 : i32
    %lt3A_312 = arith.cmpi slt, %add3A_310, %lt3A_311 : i32
    %convert_element_type3A_313 = arith.extui %lt3A_312 : i1 to i32
    %cond3A_314 = arith.constant 0 : i32
    %cond3A_315 = arith.cmpi ne, %convert_element_type3A_313, %cond3A_314 : i32
    scf.if %cond3A_315 {
      %mul3A_358 = arith.constant 80 : i32
      %mul3A_359 = arith.muli %add3A_310, %mul3A_358 : i32
      "tpu.region"() ({
        %run_scoped3A = tpu.sem_alloc : memref<!tpu.dma_semaphore, #tpu.memory_space<semaphore_mem>>
        %dma_start3A_374 = arith.constant 0 : i32
        %dma_start3A_375 = arith.constant 0 : i32
        %dma_start3A_376 = tpu.memref_slice %arg9[%dma_start3A_374, %dma_start3A_375] : memref<128x128xf32, #tpu.memory_space<vmem>> -> memref<80x128xf32, #tpu.memory_space<vmem>>
        %dma_start3A_377 = arith.constant 0 : i32
        %dma_start3A_378 = tpu.memref_slice %arg10[%mul3A_359, %dma_start3A_377] : memref<10008x128xf32, #tpu.memory_space<vmem_shared>> -> memref<80x128xf32, #tpu.memory_space<vmem_shared>>
        %dma_start3A_379 = arith.constant 0 : i32
        %dma_start3A_380 = arith.constant 0 : i32
        %dma_start3A_381 = tpu.memref_slice %arg9[%dma_start3A_379, %dma_start3A_380] : memref<128x128xf32, #tpu.memory_space<vmem>> -> memref<80x128xf32, #tpu.memory_space<vmem>>
        %dma_start3A_382 = arith.constant 0 : i32
        %dma_start3A_383 = tpu.memref_slice %arg10[%mul3A_359, %dma_start3A_382] : memref<10008x128xf32, #tpu.memory_space<vmem_shared>> -> memref<80x128xf32, #tpu.memory_space<vmem_shared>>
        tpu.enqueue_dma source(%dma_start3A_383 : memref<80x128xf32, #tpu.memory_space<vmem_shared>>) target(%dma_start3A_381 : memref<80x128xf32, #tpu.memory_space<vmem>>) target_semaphore(%run_scoped3A : memref<!tpu.dma_semaphore, #tpu.memory_space<semaphore_mem>>)
        %dma_wait3A_384 = arith.constant 0 : i32
        %dma_wait3A_385 = arith.constant 0 : i32
        %dma_wait3A_386 = tpu.memref_slice %arg9[%dma_wait3A_384, %dma_wait3A_385] : memref<128x128xf32, #tpu.memory_space<vmem>> -> memref<80x128xf32, #tpu.memory_space<vmem>>
        %dma_wait3A_387 = arith.constant 0 : i32
        %dma_wait3A_388 = tpu.memref_slice %arg10[%mul3A_359, %dma_wait3A_387] : memref<10008x128xf32, #tpu.memory_space<vmem_shared>> -> memref<80x128xf32, #tpu.memory_space<vmem_shared>>
        %dma_wait3A_389 = arith.constant 0 : i32
        %dma_wait3A_390 = arith.constant 0 : i32
        %dma_wait3A_391 = tpu.memref_slice %arg9[%dma_wait3A_389, %dma_wait3A_390] : memref<128x128xf32, #tpu.memory_space<vmem>> -> memref<80x128xf32, #tpu.memory_space<vmem>>
        %dma_wait3A_392 = arith.constant 0 : i32
        %dma_wait3A_393 = tpu.memref_slice %arg10[%mul3A_359, %dma_wait3A_392] : memref<10008x128xf32, #tpu.memory_space<vmem_shared>> -> memref<80x128xf32, #tpu.memory_space<vmem_shared>>
        tpu.wait_dma2 semaphore(%run_scoped3A : memref<!tpu.dma_semaphore, #tpu.memory_space<semaphore_mem>>) src(%dma_wait3A_393 : memref<80x128xf32, #tpu.memory_space<vmem_shared>>) dst(%dma_wait3A_391 : memref<80x128xf32, #tpu.memory_space<vmem>>)
        tpu.yield
      }) : () -> ()
      %mul3A_360 = arith.constant 80 : i32
      %mul3A_361 = arith.muli %add3A_310, %mul3A_360 : i32
      %dma_start3A_362 = arith.constant 0 : i32
      %dma_start3A_363 = arith.constant 0 : i32
      %dma_start3A_364 = tpu.memref_slice %arg9[%dma_start3A_362, %dma_start3A_363] : memref<128x128xf32, #tpu.memory_space<vmem>> -> memref<80x128xf32, #tpu.memory_space<vmem>>
      %dma_start3A_365 = arith.constant 0 : i32
      %dma_start3A_366 = tpu.memref_slice %arg5[%arg0, %mul3A_361, %dma_start3A_365] : memref<2x10000x128xf32, #tpu.memory_space<hbm>> -> memref<1x80x128xf32, #tpu.memory_space<hbm>>
      %dma_start3A_367 = tpu.memref_squeeze %dma_start3A_366 : memref<1x80x128xf32, #tpu.memory_space<hbm>> -> memref<80x128xf32, #tpu.memory_space<hbm>>
      %dma_start3A_368 = arith.constant 0 : i32
      %dma_start3A_369 = tpu.memref_slice %arg5[%arg0, %mul3A_361, %dma_start3A_368] : memref<2x10000x128xf32, #tpu.memory_space<hbm>> -> memref<1x80x128xf32, #tpu.memory_space<hbm>>
      %dma_start3A_370 = tpu.memref_squeeze %dma_start3A_369 : memref<1x80x128xf32, #tpu.memory_space<hbm>> -> memref<80x128xf32, #tpu.memory_space<hbm>>
      %dma_start3A_371 = arith.constant 0 : i32
      %dma_start3A_372 = arith.constant 0 : i32
      %dma_start3A_373 = tpu.memref_slice %arg9[%dma_start3A_371, %dma_start3A_372] : memref<128x128xf32, #tpu.memory_space<vmem>> -> memref<80x128xf32, #tpu.memory_space<vmem>>
      tpu.enqueue_dma source(%dma_start3A_373 : memref<80x128xf32, #tpu.memory_space<vmem>>) target(%dma_start3A_370 : memref<80x128xf32, #tpu.memory_space<hbm>>) target_semaphore(%arg16 : memref<!tpu.dma_semaphore, #tpu.memory_space<semaphore_mem>>)
    } else {
    }
    %add3A_316 = arith.constant 64 : i32
    %add3A_317 = arith.addi %arg1, %add3A_316 : i32
    %lt3A_318 = arith.constant 125 : i32
    %lt3A_319 = arith.cmpi slt, %add3A_317, %lt3A_318 : i32
    %convert_element_type3A_320 = arith.extui %lt3A_319 : i1 to i32
    %cond3A_321 = arith.constant 0 : i32
    %cond3A_322 = arith.cmpi ne, %convert_element_type3A_320, %cond3A_321 : i32
    scf.if %cond3A_322 {
      %mul3A_358 = arith.constant 80 : i32
      %mul3A_359 = arith.muli %add3A_317, %mul3A_358 : i32
      %dma_wait3A_360 = arith.constant 0 : i32
      %dma_wait3A_361 = arith.constant 0 : i32
      %dma_wait3A_362 = tpu.memref_slice %arg8[%dma_wait3A_360, %dma_wait3A_361] : memref<128x128xf32, #tpu.memory_space<vmem>> -> memref<80x128xf32, #tpu.memory_space<vmem>>
      %dma_wait3A_363 = arith.constant 0 : i32
      %dma_wait3A_364 = tpu.memref_slice %arg5[%arg0, %mul3A_359, %dma_wait3A_363] : memref<2x10000x128xf32, #tpu.memory_space<hbm>> -> memref<1x80x128xf32, #tpu.memory_space<hbm>>
      %dma_wait3A_365 = tpu.memref_squeeze %dma_wait3A_364 : memref<1x80x128xf32, #tpu.memory_space<hbm>> -> memref<80x128xf32, #tpu.memory_space<hbm>>
      %dma_wait3A_366 = arith.constant 0 : i32
      %dma_wait3A_367 = tpu.memref_slice %arg5[%arg0, %mul3A_359, %dma_wait3A_366] : memref<2x10000x128xf32, #tpu.memory_space<hbm>> -> memref<1x80x128xf32, #tpu.memory_space<hbm>>
      %dma_wait3A_368 = tpu.memref_squeeze %dma_wait3A_367 : memref<1x80x128xf32, #tpu.memory_space<hbm>> -> memref<80x128xf32, #tpu.memory_space<hbm>>
      %dma_wait3A_369 = arith.constant 0 : i32
      %dma_wait3A_370 = arith.constant 0 : i32
      %dma_wait3A_371 = tpu.memref_slice %arg8[%dma_wait3A_369, %dma_wait3A_370] : memref<128x128xf32, #tpu.memory_space<vmem>> -> memref<80x128xf32, #tpu.memory_space<vmem>>
      tpu.wait_dma2 semaphore(%arg15 : memref<!tpu.dma_semaphore, #tpu.memory_space<semaphore_mem>>) src(%dma_wait3A_371 : memref<80x128xf32, #tpu.memory_space<vmem>>) dst(%dma_wait3A_368 : memref<80x128xf32, #tpu.memory_space<hbm>>)
    } else {
    }
    %add3A_323 = arith.constant 96 : i32
    %add3A_324 = arith.addi %arg1, %add3A_323 : i32
    %lt3A_325 = arith.constant 125 : i32
    %lt3A_326 = arith.cmpi slt, %add3A_324, %lt3A_325 : i32
    %convert_element_type3A_327 = arith.extui %lt3A_326 : i1 to i32
    %cond3A_328 = arith.constant 0 : i32
    %cond3A_329 = arith.cmpi ne, %convert_element_type3A_327, %cond3A_328 : i32
    scf.if %cond3A_329 {
      %mul3A_358 = arith.constant 80 : i32
      %mul3A_359 = arith.muli %add3A_324, %mul3A_358 : i32
      "tpu.region"() ({
        %run_scoped3A = tpu.sem_alloc : memref<!tpu.dma_semaphore, #tpu.memory_space<semaphore_mem>>
        %dma_start3A_374 = arith.constant 0 : i32
        %dma_start3A_375 = arith.constant 0 : i32
        %dma_start3A_376 = tpu.memref_slice %arg8[%dma_start3A_374, %dma_start3A_375] : memref<128x128xf32, #tpu.memory_space<vmem>> -> memref<80x128xf32, #tpu.memory_space<vmem>>
        %dma_start3A_377 = arith.constant 0 : i32
        %dma_start3A_378 = tpu.memref_slice %arg10[%mul3A_359, %dma_start3A_377] : memref<10008x128xf32, #tpu.memory_space<vmem_shared>> -> memref<80x128xf32, #tpu.memory_space<vmem_shared>>
        %dma_start3A_379 = arith.constant 0 : i32
        %dma_start3A_380 = arith.constant 0 : i32
        %dma_start3A_381 = tpu.memref_slice %arg8[%dma_start3A_379, %dma_start3A_380] : memref<128x128xf32, #tpu.memory_space<vmem>> -> memref<80x128xf32, #tpu.memory_space<vmem>>
        %dma_start3A_382 = arith.constant 0 : i32
        %dma_start3A_383 = tpu.memref_slice %arg10[%mul3A_359, %dma_start3A_382] : memref<10008x128xf32, #tpu.memory_space<vmem_shared>> -> memref<80x128xf32, #tpu.memory_space<vmem_shared>>
        tpu.enqueue_dma source(%dma_start3A_383 : memref<80x128xf32, #tpu.memory_space<vmem_shared>>) target(%dma_start3A_381 : memref<80x128xf32, #tpu.memory_space<vmem>>) target_semaphore(%run_scoped3A : memref<!tpu.dma_semaphore, #tpu.memory_space<semaphore_mem>>)
        %dma_wait3A_384 = arith.constant 0 : i32
        %dma_wait3A_385 = arith.constant 0 : i32
        %dma_wait3A_386 = tpu.memref_slice %arg8[%dma_wait3A_384, %dma_wait3A_385] : memref<128x128xf32, #tpu.memory_space<vmem>> -> memref<80x128xf32, #tpu.memory_space<vmem>>
        %dma_wait3A_387 = arith.constant 0 : i32
        %dma_wait3A_388 = tpu.memref_slice %arg10[%mul3A_359, %dma_wait3A_387] : memref<10008x128xf32, #tpu.memory_space<vmem_shared>> -> memref<80x128xf32, #tpu.memory_space<vmem_shared>>
        %dma_wait3A_389 = arith.constant 0 : i32
        %dma_wait3A_390 = arith.constant 0 : i32
        %dma_wait3A_391 = tpu.memref_slice %arg8[%dma_wait3A_389, %dma_wait3A_390] : memref<128x128xf32, #tpu.memory_space<vmem>> -> memref<80x128xf32, #tpu.memory_space<vmem>>
        %dma_wait3A_392 = arith.constant 0 : i32
        %dma_wait3A_393 = tpu.memref_slice %arg10[%mul3A_359, %dma_wait3A_392] : memref<10008x128xf32, #tpu.memory_space<vmem_shared>> -> memref<80x128xf32, #tpu.memory_space<vmem_shared>>
        tpu.wait_dma2 semaphore(%run_scoped3A : memref<!tpu.dma_semaphore, #tpu.memory_space<semaphore_mem>>) src(%dma_wait3A_393 : memref<80x128xf32, #tpu.memory_space<vmem_shared>>) dst(%dma_wait3A_391 : memref<80x128xf32, #tpu.memory_space<vmem>>)
        tpu.yield
      }) : () -> ()
      %mul3A_360 = arith.constant 80 : i32
      %mul3A_361 = arith.muli %add3A_324, %mul3A_360 : i32
      %dma_start3A_362 = arith.constant 0 : i32
      %dma_start3A_363 = arith.constant 0 : i32
      %dma_start3A_364 = tpu.memref_slice %arg8[%dma_start3A_362, %dma_start3A_363] : memref<128x128xf32, #tpu.memory_space<vmem>> -> memref<80x128xf32, #tpu.memory_space<vmem>>
      %dma_start3A_365 = arith.constant 0 : i32
      %dma_start3A_366 = tpu.memref_slice %arg5[%arg0, %mul3A_361, %dma_start3A_365] : memref<2x10000x128xf32, #tpu.memory_space<hbm>> -> memref<1x80x128xf32, #tpu.memory_space<hbm>>
      %dma_start3A_367 = tpu.memref_squeeze %dma_start3A_366 : memref<1x80x128xf32, #tpu.memory_space<hbm>> -> memref<80x128xf32, #tpu.memory_space<hbm>>
      %dma_start3A_368 = arith.constant 0 : i32
      %dma_start3A_369 = tpu.memref_slice %arg5[%arg0, %mul3A_361, %dma_start3A_368] : memref<2x10000x128xf32, #tpu.memory_space<hbm>> -> memref<1x80x128xf32, #tpu.memory_space<hbm>>
      %dma_start3A_370 = tpu.memref_squeeze %dma_start3A_369 : memref<1x80x128xf32, #tpu.memory_space<hbm>> -> memref<80x128xf32, #tpu.memory_space<hbm>>
      %dma_start3A_371 = arith.constant 0 : i32
      %dma_start3A_372 = arith.constant 0 : i32
      %dma_start3A_373 = tpu.memref_slice %arg8[%dma_start3A_371, %dma_start3A_372] : memref<128x128xf32, #tpu.memory_space<vmem>> -> memref<80x128xf32, #tpu.memory_space<vmem>>
      tpu.enqueue_dma source(%dma_start3A_373 : memref<80x128xf32, #tpu.memory_space<vmem>>) target(%dma_start3A_370 : memref<80x128xf32, #tpu.memory_space<hbm>>) target_semaphore(%arg15 : memref<!tpu.dma_semaphore, #tpu.memory_space<semaphore_mem>>)
    } else {
    }
    %add3A_330 = arith.constant 80 : i32
    %add3A_331 = arith.addi %arg1, %add3A_330 : i32
    %lt3A_332 = arith.constant 125 : i32
    %lt3A_333 = arith.cmpi slt, %add3A_331, %lt3A_332 : i32
    %convert_element_type3A_334 = arith.extui %lt3A_333 : i1 to i32
    %cond3A_335 = arith.constant 0 : i32
    %cond3A_336 = arith.cmpi ne, %convert_element_type3A_334, %cond3A_335 : i32
    scf.if %cond3A_336 {
      %mul3A_358 = arith.constant 80 : i32
      %mul3A_359 = arith.muli %add3A_331, %mul3A_358 : i32
      %dma_wait3A_360 = arith.constant 0 : i32
      %dma_wait3A_361 = arith.constant 0 : i32
      %dma_wait3A_362 = tpu.memref_slice %arg9[%dma_wait3A_360, %dma_wait3A_361] : memref<128x128xf32, #tpu.memory_space<vmem>> -> memref<80x128xf32, #tpu.memory_space<vmem>>
      %dma_wait3A_363 = arith.constant 0 : i32
      %dma_wait3A_364 = tpu.memref_slice %arg5[%arg0, %mul3A_359, %dma_wait3A_363] : memref<2x10000x128xf32, #tpu.memory_space<hbm>> -> memref<1x80x128xf32, #tpu.memory_space<hbm>>
      %dma_wait3A_365 = tpu.memref_squeeze %dma_wait3A_364 : memref<1x80x128xf32, #tpu.memory_space<hbm>> -> memref<80x128xf32, #tpu.memory_space<hbm>>
      %dma_wait3A_366 = arith.constant 0 : i32
      %dma_wait3A_367 = tpu.memref_slice %arg5[%arg0, %mul3A_359, %dma_wait3A_366] : memref<2x10000x128xf32, #tpu.memory_space<hbm>> -> memref<1x80x128xf32, #tpu.memory_space<hbm>>
      %dma_wait3A_368 = tpu.memref_squeeze %dma_wait3A_367 : memref<1x80x128xf32, #tpu.memory_space<hbm>> -> memref<80x128xf32, #tpu.memory_space<hbm>>
      %dma_wait3A_369 = arith.constant 0 : i32
      %dma_wait3A_370 = arith.constant 0 : i32
      %dma_wait3A_371 = tpu.memref_slice %arg9[%dma_wait3A_369, %dma_wait3A_370] : memref<128x128xf32, #tpu.memory_space<vmem>> -> memref<80x128xf32, #tpu.memory_space<vmem>>
      tpu.wait_dma2 semaphore(%arg16 : memref<!tpu.dma_semaphore, #tpu.memory_space<semaphore_mem>>) src(%dma_wait3A_371 : memref<80x128xf32, #tpu.memory_space<vmem>>) dst(%dma_wait3A_368 : memref<80x128xf32, #tpu.memory_space<hbm>>)
    } else {
    }
    %add3A_337 = arith.constant 112 : i32
    %add3A_338 = arith.addi %arg1, %add3A_337 : i32
    %lt3A_339 = arith.constant 125 : i32
    %lt3A_340 = arith.cmpi slt, %add3A_338, %lt3A_339 : i32
    %convert_element_type3A_341 = arith.extui %lt3A_340 : i1 to i32
    %cond3A_342 = arith.constant 0 : i32
    %cond3A_343 = arith.cmpi ne, %convert_element_type3A_341, %cond3A_342 : i32
    scf.if %cond3A_343 {
      %mul3A_358 = arith.constant 80 : i32
      %mul3A_359 = arith.muli %add3A_338, %mul3A_358 : i32
      "tpu.region"() ({
        %run_scoped3A = tpu.sem_alloc : memref<!tpu.dma_semaphore, #tpu.memory_space<semaphore_mem>>
        %dma_start3A_374 = arith.constant 0 : i32
        %dma_start3A_375 = arith.constant 0 : i32
        %dma_start3A_376 = tpu.memref_slice %arg9[%dma_start3A_374, %dma_start3A_375] : memref<128x128xf32, #tpu.memory_space<vmem>> -> memref<80x128xf32, #tpu.memory_space<vmem>>
        %dma_start3A_377 = arith.constant 0 : i32
        %dma_start3A_378 = tpu.memref_slice %arg10[%mul3A_359, %dma_start3A_377] : memref<10008x128xf32, #tpu.memory_space<vmem_shared>> -> memref<80x128xf32, #tpu.memory_space<vmem_shared>>
        %dma_start3A_379 = arith.constant 0 : i32
        %dma_start3A_380 = arith.constant 0 : i32
        %dma_start3A_381 = tpu.memref_slice %arg9[%dma_start3A_379, %dma_start3A_380] : memref<128x128xf32, #tpu.memory_space<vmem>> -> memref<80x128xf32, #tpu.memory_space<vmem>>
        %dma_start3A_382 = arith.constant 0 : i32
        %dma_start3A_383 = tpu.memref_slice %arg10[%mul3A_359, %dma_start3A_382] : memref<10008x128xf32, #tpu.memory_space<vmem_shared>> -> memref<80x128xf32, #tpu.memory_space<vmem_shared>>
        tpu.enqueue_dma source(%dma_start3A_383 : memref<80x128xf32, #tpu.memory_space<vmem_shared>>) target(%dma_start3A_381 : memref<80x128xf32, #tpu.memory_space<vmem>>) target_semaphore(%run_scoped3A : memref<!tpu.dma_semaphore, #tpu.memory_space<semaphore_mem>>)
        %dma_wait3A_384 = arith.constant 0 : i32
        %dma_wait3A_385 = arith.constant 0 : i32
        %dma_wait3A_386 = tpu.memref_slice %arg9[%dma_wait3A_384, %dma_wait3A_385] : memref<128x128xf32, #tpu.memory_space<vmem>> -> memref<80x128xf32, #tpu.memory_space<vmem>>
        %dma_wait3A_387 = arith.constant 0 : i32
        %dma_wait3A_388 = tpu.memref_slice %arg10[%mul3A_359, %dma_wait3A_387] : memref<10008x128xf32, #tpu.memory_space<vmem_shared>> -> memref<80x128xf32, #tpu.memory_space<vmem_shared>>
        %dma_wait3A_389 = arith.constant 0 : i32
        %dma_wait3A_390 = arith.constant 0 : i32
        %dma_wait3A_391 = tpu.memref_slice %arg9[%dma_wait3A_389, %dma_wait3A_390] : memref<128x128xf32, #tpu.memory_space<vmem>> -> memref<80x128xf32, #tpu.memory_space<vmem>>
        %dma_wait3A_392 = arith.constant 0 : i32
        %dma_wait3A_393 = tpu.memref_slice %arg10[%mul3A_359, %dma_wait3A_392] : memref<10008x128xf32, #tpu.memory_space<vmem_shared>> -> memref<80x128xf32, #tpu.memory_space<vmem_shared>>
        tpu.wait_dma2 semaphore(%run_scoped3A : memref<!tpu.dma_semaphore, #tpu.memory_space<semaphore_mem>>) src(%dma_wait3A_393 : memref<80x128xf32, #tpu.memory_space<vmem_shared>>) dst(%dma_wait3A_391 : memref<80x128xf32, #tpu.memory_space<vmem>>)
        tpu.yield
      }) : () -> ()
      %mul3A_360 = arith.constant 80 : i32
      %mul3A_361 = arith.muli %add3A_338, %mul3A_360 : i32
      %dma_start3A_362 = arith.constant 0 : i32
      %dma_start3A_363 = arith.constant 0 : i32
      %dma_start3A_364 = tpu.memref_slice %arg9[%dma_start3A_362, %dma_start3A_363] : memref<128x128xf32, #tpu.memory_space<vmem>> -> memref<80x128xf32, #tpu.memory_space<vmem>>
      %dma_start3A_365 = arith.constant 0 : i32
      %dma_start3A_366 = tpu.memref_slice %arg5[%arg0, %mul3A_361, %dma_start3A_365] : memref<2x10000x128xf32, #tpu.memory_space<hbm>> -> memref<1x80x128xf32, #tpu.memory_space<hbm>>
      %dma_start3A_367 = tpu.memref_squeeze %dma_start3A_366 : memref<1x80x128xf32, #tpu.memory_space<hbm>> -> memref<80x128xf32, #tpu.memory_space<hbm>>
      %dma_start3A_368 = arith.constant 0 : i32
      %dma_start3A_369 = tpu.memref_slice %arg5[%arg0, %mul3A_361, %dma_start3A_368] : memref<2x10000x128xf32, #tpu.memory_space<hbm>> -> memref<1x80x128xf32, #tpu.memory_space<hbm>>
      %dma_start3A_370 = tpu.memref_squeeze %dma_start3A_369 : memref<1x80x128xf32, #tpu.memory_space<hbm>> -> memref<80x128xf32, #tpu.memory_space<hbm>>
      %dma_start3A_371 = arith.constant 0 : i32
      %dma_start3A_372 = arith.constant 0 : i32
      %dma_start3A_373 = tpu.memref_slice %arg9[%dma_start3A_371, %dma_start3A_372] : memref<128x128xf32, #tpu.memory_space<vmem>> -> memref<80x128xf32, #tpu.memory_space<vmem>>
      tpu.enqueue_dma source(%dma_start3A_373 : memref<80x128xf32, #tpu.memory_space<vmem>>) target(%dma_start3A_370 : memref<80x128xf32, #tpu.memory_space<hbm>>) target_semaphore(%arg16 : memref<!tpu.dma_semaphore, #tpu.memory_space<semaphore_mem>>)
    } else {
    }
    %add3A_344 = arith.constant 96 : i32
    %add3A_345 = arith.addi %arg1, %add3A_344 : i32
    %lt3A_346 = arith.constant 125 : i32
    %lt3A_347 = arith.cmpi slt, %add3A_345, %lt3A_346 : i32
    %convert_element_type3A_348 = arith.extui %lt3A_347 : i1 to i32
    %cond3A_349 = arith.constant 0 : i32
    %cond3A_350 = arith.cmpi ne, %convert_element_type3A_348, %cond3A_349 : i32
    scf.if %cond3A_350 {
      %mul3A_358 = arith.constant 80 : i32
      %mul3A_359 = arith.muli %add3A_345, %mul3A_358 : i32
      %dma_wait3A_360 = arith.constant 0 : i32
      %dma_wait3A_361 = arith.constant 0 : i32
      %dma_wait3A_362 = tpu.memref_slice %arg8[%dma_wait3A_360, %dma_wait3A_361] : memref<128x128xf32, #tpu.memory_space<vmem>> -> memref<80x128xf32, #tpu.memory_space<vmem>>
      %dma_wait3A_363 = arith.constant 0 : i32
      %dma_wait3A_364 = tpu.memref_slice %arg5[%arg0, %mul3A_359, %dma_wait3A_363] : memref<2x10000x128xf32, #tpu.memory_space<hbm>> -> memref<1x80x128xf32, #tpu.memory_space<hbm>>
      %dma_wait3A_365 = tpu.memref_squeeze %dma_wait3A_364 : memref<1x80x128xf32, #tpu.memory_space<hbm>> -> memref<80x128xf32, #tpu.memory_space<hbm>>
      %dma_wait3A_366 = arith.constant 0 : i32
      %dma_wait3A_367 = tpu.memref_slice %arg5[%arg0, %mul3A_359, %dma_wait3A_366] : memref<2x10000x128xf32, #tpu.memory_space<hbm>> -> memref<1x80x128xf32, #tpu.memory_space<hbm>>
      %dma_wait3A_368 = tpu.memref_squeeze %dma_wait3A_367 : memref<1x80x128xf32, #tpu.memory_space<hbm>> -> memref<80x128xf32, #tpu.memory_space<hbm>>
      %dma_wait3A_369 = arith.constant 0 : i32
      %dma_wait3A_370 = arith.constant 0 : i32
      %dma_wait3A_371 = tpu.memref_slice %arg8[%dma_wait3A_369, %dma_wait3A_370] : memref<128x128xf32, #tpu.memory_space<vmem>> -> memref<80x128xf32, #tpu.memory_space<vmem>>
      tpu.wait_dma2 semaphore(%arg15 : memref<!tpu.dma_semaphore, #tpu.memory_space<semaphore_mem>>) src(%dma_wait3A_371 : memref<80x128xf32, #tpu.memory_space<vmem>>) dst(%dma_wait3A_368 : memref<80x128xf32, #tpu.memory_space<hbm>>)
    } else {
    }
    %add3A_351 = arith.constant 112 : i32
    %add3A_352 = arith.addi %arg1, %add3A_351 : i32
    %lt3A_353 = arith.constant 125 : i32
    %lt3A_354 = arith.cmpi slt, %add3A_352, %lt3A_353 : i32
    %convert_element_type3A_355 = arith.extui %lt3A_354 : i1 to i32
    %cond3A_356 = arith.constant 0 : i32
    %cond3A_357 = arith.cmpi ne, %convert_element_type3A_355, %cond3A_356 : i32
    scf.if %cond3A_357 {
      %mul3A_358 = arith.constant 80 : i32
      %mul3A_359 = arith.muli %add3A_352, %mul3A_358 : i32
      %dma_wait3A_360 = arith.constant 0 : i32
      %dma_wait3A_361 = arith.constant 0 : i32
      %dma_wait3A_362 = tpu.memref_slice %arg9[%dma_wait3A_360, %dma_wait3A_361] : memref<128x128xf32, #tpu.memory_space<vmem>> -> memref<80x128xf32, #tpu.memory_space<vmem>>
      %dma_wait3A_363 = arith.constant 0 : i32
      %dma_wait3A_364 = tpu.memref_slice %arg5[%arg0, %mul3A_359, %dma_wait3A_363] : memref<2x10000x128xf32, #tpu.memory_space<hbm>> -> memref<1x80x128xf32, #tpu.memory_space<hbm>>
      %dma_wait3A_365 = tpu.memref_squeeze %dma_wait3A_364 : memref<1x80x128xf32, #tpu.memory_space<hbm>> -> memref<80x128xf32, #tpu.memory_space<hbm>>
      %dma_wait3A_366 = arith.constant 0 : i32
      %dma_wait3A_367 = tpu.memref_slice %arg5[%arg0, %mul3A_359, %dma_wait3A_366] : memref<2x10000x128xf32, #tpu.memory_space<hbm>> -> memref<1x80x128xf32, #tpu.memory_space<hbm>>
      %dma_wait3A_368 = tpu.memref_squeeze %dma_wait3A_367 : memref<1x80x128xf32, #tpu.memory_space<hbm>> -> memref<80x128xf32, #tpu.memory_space<hbm>>
      %dma_wait3A_369 = arith.constant 0 : i32
      %dma_wait3A_370 = arith.constant 0 : i32
      %dma_wait3A_371 = tpu.memref_slice %arg9[%dma_wait3A_369, %dma_wait3A_370] : memref<128x128xf32, #tpu.memory_space<vmem>> -> memref<80x128xf32, #tpu.memory_space<vmem>>
      tpu.wait_dma2 semaphore(%arg16 : memref<!tpu.dma_semaphore, #tpu.memory_space<semaphore_mem>>) src(%dma_wait3A_371 : memref<80x128xf32, #tpu.memory_space<vmem>>) dst(%dma_wait3A_368 : memref<80x128xf32, #tpu.memory_space<hbm>>)
    } else {
    }
    return
  }
}

#map = affine_map<(d0, d1) -> (0, 0)>
#map1 = affine_map<(d0, d1) -> (0)>
module attributes {stable_mosaic.version = 14 : i64} {
  func.func @sc_c(%arg0: i32, %arg1: i32, %arg2: memref<32x10000xi32, #tpu.memory_space<hbm>>, %arg3: memref<32x10000xi32, #tpu.memory_space<hbm>>, %arg4: memref<10000xf32, #tpu.memory_space<hbm>>, %arg5: memref<32x10000xf32, #tpu.memory_space<hbm>>, %arg6: memref<10000xf32, #tpu.memory_space<vmem>>, %arg7: memref<10000xi32, #tpu.memory_space<vmem>>, %arg8: memref<10000xi32, #tpu.memory_space<vmem>>, %arg9: memref<10000xf32, #tpu.memory_space<vmem>>) attributes {dimension_semantics = [#tpu.dimension_semantics<core_parallel>, #tpu.dimension_semantics<subcore_parallel>], iteration_bounds = array<i64: 2, 16>, scalar_prefetch = 0 : i64, scratch_operands = 4 : i64, tpu.core_type = #tpu.core_type<sc_vector_subcore>, window_params = [{transform_indices = #map}, {transform_indices = #map}, {transform_indices = #map1}, {transform_indices = #map}]} {
    %mul3A = arith.constant 2 : i32
    %mul3A_0 = arith.muli %arg1, %mul3A : i32
    %add3A = arith.addi %mul3A_0, %arg0 : i32
    "tpu.region"() ({
      %run_scoped3A = tpu.sem_alloc : memref<!tpu.dma_semaphore, #tpu.memory_space<semaphore_mem>>
      tpu.enqueue_dma source(%arg4 : memref<10000xf32, #tpu.memory_space<hbm>>) target(%arg6 : memref<10000xf32, #tpu.memory_space<vmem>>) target_semaphore(%run_scoped3A : memref<!tpu.dma_semaphore, #tpu.memory_space<semaphore_mem>>)
      tpu.wait_dma2 semaphore(%run_scoped3A : memref<!tpu.dma_semaphore, #tpu.memory_space<semaphore_mem>>) src(%arg4 : memref<10000xf32, #tpu.memory_space<hbm>>) dst(%arg6 : memref<10000xf32, #tpu.memory_space<vmem>>)
      tpu.yield
    }) : () -> ()
    "tpu.region"() ({
      %run_scoped3A = tpu.sem_alloc : memref<!tpu.dma_semaphore, #tpu.memory_space<semaphore_mem>>
      %dma_start3A = arith.constant 0 : i32
      %dma_start3A_12 = tpu.memref_slice %arg2[%add3A, %dma_start3A] : memref<32x10000xi32, #tpu.memory_space<hbm>> -> memref<1x10000xi32, #tpu.memory_space<hbm>>
      %dma_start3A_13 = tpu.memref_squeeze %dma_start3A_12 : memref<1x10000xi32, #tpu.memory_space<hbm>> -> memref<10000xi32, #tpu.memory_space<hbm>>
      %dma_start3A_14 = arith.constant 0 : i32
      %dma_start3A_15 = tpu.memref_slice %arg2[%add3A, %dma_start3A_14] : memref<32x10000xi32, #tpu.memory_space<hbm>> -> memref<1x10000xi32, #tpu.memory_space<hbm>>
      %dma_start3A_16 = tpu.memref_squeeze %dma_start3A_15 : memref<1x10000xi32, #tpu.memory_space<hbm>> -> memref<10000xi32, #tpu.memory_space<hbm>>
      tpu.enqueue_dma source(%dma_start3A_16 : memref<10000xi32, #tpu.memory_space<hbm>>) target(%arg7 : memref<10000xi32, #tpu.memory_space<vmem>>) target_semaphore(%run_scoped3A : memref<!tpu.dma_semaphore, #tpu.memory_space<semaphore_mem>>)
      %dma_wait3A = arith.constant 0 : i32
      %dma_wait3A_17 = tpu.memref_slice %arg2[%add3A, %dma_wait3A] : memref<32x10000xi32, #tpu.memory_space<hbm>> -> memref<1x10000xi32, #tpu.memory_space<hbm>>
      %dma_wait3A_18 = tpu.memref_squeeze %dma_wait3A_17 : memref<1x10000xi32, #tpu.memory_space<hbm>> -> memref<10000xi32, #tpu.memory_space<hbm>>
      %dma_wait3A_19 = arith.constant 0 : i32
      %dma_wait3A_20 = tpu.memref_slice %arg2[%add3A, %dma_wait3A_19] : memref<32x10000xi32, #tpu.memory_space<hbm>> -> memref<1x10000xi32, #tpu.memory_space<hbm>>
      %dma_wait3A_21 = tpu.memref_squeeze %dma_wait3A_20 : memref<1x10000xi32, #tpu.memory_space<hbm>> -> memref<10000xi32, #tpu.memory_space<hbm>>
      tpu.wait_dma2 semaphore(%run_scoped3A : memref<!tpu.dma_semaphore, #tpu.memory_space<semaphore_mem>>) src(%dma_wait3A_21 : memref<10000xi32, #tpu.memory_space<hbm>>) dst(%arg7 : memref<10000xi32, #tpu.memory_space<vmem>>)
      tpu.yield
    }) : () -> ()
    "tpu.region"() ({
      %run_scoped3A = tpu.sem_alloc : memref<!tpu.dma_semaphore, #tpu.memory_space<semaphore_mem>>
      %dma_start3A = arith.constant 0 : i32
      %dma_start3A_12 = tpu.memref_slice %arg3[%add3A, %dma_start3A] : memref<32x10000xi32, #tpu.memory_space<hbm>> -> memref<1x10000xi32, #tpu.memory_space<hbm>>
      %dma_start3A_13 = tpu.memref_squeeze %dma_start3A_12 : memref<1x10000xi32, #tpu.memory_space<hbm>> -> memref<10000xi32, #tpu.memory_space<hbm>>
      %dma_start3A_14 = arith.constant 0 : i32
      %dma_start3A_15 = tpu.memref_slice %arg3[%add3A, %dma_start3A_14] : memref<32x10000xi32, #tpu.memory_space<hbm>> -> memref<1x10000xi32, #tpu.memory_space<hbm>>
      %dma_start3A_16 = tpu.memref_squeeze %dma_start3A_15 : memref<1x10000xi32, #tpu.memory_space<hbm>> -> memref<10000xi32, #tpu.memory_space<hbm>>
      tpu.enqueue_dma source(%dma_start3A_16 : memref<10000xi32, #tpu.memory_space<hbm>>) target(%arg8 : memref<10000xi32, #tpu.memory_space<vmem>>) target_semaphore(%run_scoped3A : memref<!tpu.dma_semaphore, #tpu.memory_space<semaphore_mem>>)
      %dma_wait3A = arith.constant 0 : i32
      %dma_wait3A_17 = tpu.memref_slice %arg3[%add3A, %dma_wait3A] : memref<32x10000xi32, #tpu.memory_space<hbm>> -> memref<1x10000xi32, #tpu.memory_space<hbm>>
      %dma_wait3A_18 = tpu.memref_squeeze %dma_wait3A_17 : memref<1x10000xi32, #tpu.memory_space<hbm>> -> memref<10000xi32, #tpu.memory_space<hbm>>
      %dma_wait3A_19 = arith.constant 0 : i32
      %dma_wait3A_20 = tpu.memref_slice %arg3[%add3A, %dma_wait3A_19] : memref<32x10000xi32, #tpu.memory_space<hbm>> -> memref<1x10000xi32, #tpu.memory_space<hbm>>
      %dma_wait3A_21 = tpu.memref_squeeze %dma_wait3A_20 : memref<1x10000xi32, #tpu.memory_space<hbm>> -> memref<10000xi32, #tpu.memory_space<hbm>>
      tpu.wait_dma2 semaphore(%run_scoped3A : memref<!tpu.dma_semaphore, #tpu.memory_space<semaphore_mem>>) src(%dma_wait3A_21 : memref<10000xi32, #tpu.memory_space<hbm>>) dst(%arg8 : memref<10000xi32, #tpu.memory_space<vmem>>)
      tpu.yield
    }) : () -> ()
    %scan3A = arith.constant 0 : i32
    %scan3A_1 = arith.constant 0 : i32
    %scan3A_2 = arith.constant 625 : i32
    %scan3A_3 = arith.addi %scan3A_1, %scan3A_2 : i32
    %scan3A_4 = arith.constant 1 : i32
    scf.for %scan3A_12 = %scan3A_1 to %scan3A_3 step %scan3A_4  : i32 {
      %broadcast_in_dim3A = arith.constant 0.000000e+00 : f32
      %broadcast_in_dim3A_13 = vector.broadcast %broadcast_in_dim3A : f32 to vector<16xf32>
      %mul3A_14 = arith.constant 16 : i32
      %mul3A_15 = arith.muli %scan3A_12, %mul3A_14 : i32
      %swap3A = arith.index_cast %mul3A_15 : i32 to index
      %swap3A_16 = tpu.vector_load %arg9[%swap3A] {strides = array<i32>} : memref<10000xf32, #tpu.memory_space<vmem>>, vector<16xf32>,
      tpu.vector_store %arg9[%swap3A], %broadcast_in_dim3A_13 {strides = array<i32>} : memref<10000xf32, #tpu.memory_space<vmem>>, vector<16xf32>,
    }
    %scan3A_5 = arith.constant 625 : i32
    %scan3A_6 = arith.constant 0 : i32
    %scan3A_7 = arith.constant 0 : i32
    %scan3A_8 = arith.constant 625 : i32
    %scan3A_9 = arith.addi %scan3A_7, %scan3A_8 : i32
    %scan3A_10 = arith.constant 1 : i32
    scf.for %scan3A_12 = %scan3A_7 to %scan3A_9 step %scan3A_10  : i32 {
      %mul3A_13 = arith.constant 16 : i32
      %mul3A_14 = arith.muli %scan3A_12, %mul3A_13 : i32
      %get3A = arith.index_cast %mul3A_14 : i32 to index
      %get3A_15 = tpu.vector_load %arg7[%get3A] {strides = array<i32>} : memref<10000xi32, #tpu.memory_space<vmem>>, vector<16xi32>,
      %mul3A_16 = arith.constant 16 : i32
      %mul3A_17 = arith.muli %scan3A_12, %mul3A_16 : i32
      %get3A_18 = arith.index_cast %mul3A_17 : i32 to index
      %get3A_19 = tpu.vector_load %arg8[%get3A_18] {strides = array<i32>} : memref<10000xi32, #tpu.memory_space<vmem>>, vector<16xi32>,
      %gather3A = tpu.vector_load_idx %arg6[%get3A_19] : memref<10000xf32, #tpu.memory_space<vmem>>[vector<16xi32>], vector<16xf32>,
      tpu.vector_store_idx %arg9[%get3A_15], %gather3A {add = true} : memref<10000xf32, #tpu.memory_space<vmem>>[vector<16xi32>], vector<16xf32>,
    }
    %scan3A_11 = arith.constant 625 : i32
    "tpu.region"() ({
      %run_scoped3A = tpu.sem_alloc : memref<!tpu.dma_semaphore, #tpu.memory_space<semaphore_mem>>
      %dma_start3A = arith.constant 0 : i32
      %dma_start3A_12 = tpu.memref_slice %arg5[%add3A, %dma_start3A] : memref<32x10000xf32, #tpu.memory_space<hbm>> -> memref<1x10000xf32, #tpu.memory_space<hbm>>
      %dma_start3A_13 = tpu.memref_squeeze %dma_start3A_12 : memref<1x10000xf32, #tpu.memory_space<hbm>> -> memref<10000xf32, #tpu.memory_space<hbm>>
      %dma_start3A_14 = arith.constant 0 : i32
      %dma_start3A_15 = tpu.memref_slice %arg5[%add3A, %dma_start3A_14] : memref<32x10000xf32, #tpu.memory_space<hbm>> -> memref<1x10000xf32, #tpu.memory_space<hbm>>
      %dma_start3A_16 = tpu.memref_squeeze %dma_start3A_15 : memref<1x10000xf32, #tpu.memory_space<hbm>> -> memref<10000xf32, #tpu.memory_space<hbm>>
      tpu.enqueue_dma source(%arg9 : memref<10000xf32, #tpu.memory_space<vmem>>) target(%dma_start3A_16 : memref<10000xf32, #tpu.memory_space<hbm>>) target_semaphore(%run_scoped3A : memref<!tpu.dma_semaphore, #tpu.memory_space<semaphore_mem>>)
      %dma_wait3A = arith.constant 0 : i32
      %dma_wait3A_17 = tpu.memref_slice %arg5[%add3A, %dma_wait3A] : memref<32x10000xf32, #tpu.memory_space<hbm>> -> memref<1x10000xf32, #tpu.memory_space<hbm>>
      %dma_wait3A_18 = tpu.memref_squeeze %dma_wait3A_17 : memref<1x10000xf32, #tpu.memory_space<hbm>> -> memref<10000xf32, #tpu.memory_space<hbm>>
      %dma_wait3A_19 = arith.constant 0 : i32
      %dma_wait3A_20 = tpu.memref_slice %arg5[%add3A, %dma_wait3A_19] : memref<32x10000xf32, #tpu.memory_space<hbm>> -> memref<1x10000xf32, #tpu.memory_space<hbm>>
      %dma_wait3A_21 = tpu.memref_squeeze %dma_wait3A_20 : memref<1x10000xf32, #tpu.memory_space<hbm>> -> memref<10000xf32, #tpu.memory_space<hbm>>
      tpu.wait_dma2 semaphore(%run_scoped3A : memref<!tpu.dma_semaphore, #tpu.memory_space<semaphore_mem>>) src(%arg9 : memref<10000xf32, #tpu.memory_space<vmem>>) dst(%dma_wait3A_21 : memref<10000xf32, #tpu.memory_space<hbm>>)
      tpu.yield
    }) : () -> ()
    return
  }
}

module attributes {stable_mosaic.version = 14 : i64} {
  func.func @_d1_body(%arg0: i32, %arg1: memref<2000x128xf32, #tpu.memory_space<vmem>>, %arg2: memref<128x128xf32, #tpu.memory_space<vmem>>, %arg3: memref<1x128xf32, #tpu.memory_space<vmem>>, %arg4: memref<128x64xf32, #tpu.memory_space<vmem>>, %arg5: memref<1x64xf32, #tpu.memory_space<vmem>>, %arg6: memref<128x256xf32, #tpu.memory_space<vmem>>, %arg7: memref<2000x64xf32, #tpu.memory_space<vmem>>, %arg8: memref<2000x256xf32, #tpu.memory_space<vmem>>) attributes {dimension_semantics = [#tpu.dimension_semantics<arbitrary>], iteration_bounds = array<i64: 5>, scalar_prefetch = 0 : i64, scratch_operands = 0 : i64, tpu.core_type = #tpu.core_type<tc>, window_params = [{transform_indices = @transform_0, window_bounds = array<i64: 2000, 128>}, {pipeline_mode = #tpu.pipeline_mode<synchronous>, transform_indices = @transform_1, window_bounds = array<i64: 128, 128>}, {pipeline_mode = #tpu.pipeline_mode<synchronous>, transform_indices = @transform_2, window_bounds = array<i64: 1, 128>}, {pipeline_mode = #tpu.pipeline_mode<synchronous>, transform_indices = @transform_3, window_bounds = array<i64: 128, 64>}, {pipeline_mode = #tpu.pipeline_mode<synchronous>, transform_indices = @transform_4, window_bounds = array<i64: 1, 64>}, {pipeline_mode = #tpu.pipeline_mode<synchronous>, transform_indices = @transform_5, window_bounds = array<i64: 128, 256>}, {transform_indices = @transform_6, window_bounds = array<i64: 2000, 64>}, {transform_indices = @transform_7, window_bounds = array<i64: 2000, 256>}]} {
    %get3A = arith.constant 0 : index
    %get3A_0 = arith.constant 0 : index
    %get3A_1 = vector.load %arg1[%get3A, %get3A_0] : memref<2000x128xf32, #tpu.memory_space<vmem>>, vector<2000x128xf32>
    %get3A_2 = arith.constant 0 : index
    %get3A_3 = arith.constant 0 : index
    %get3A_4 = vector.load %arg2[%get3A_2, %get3A_3] : memref<128x128xf32, #tpu.memory_space<vmem>>, vector<128x128xf32>
    %dot_general3A = arith.constant dense<0.000000e+00> : vector<2000x128xf32>
    %dot_general3A_5 = tpu.matmul %get3A_1, %get3A_4, %dot_general3A {dimension_numbers = #tpu.dot_dimension_numbers<[1], [0], [0], [1], [0, 0, 1, 1], [], []>, transpose_lhs_hint = false} : vector<2000x128xf32>, vector<128x128xf32>, vector<2000x128xf32> -> vector<2000x128xf32>
    %get3A_6 = arith.constant 0 : index
    %get3A_7 = arith.constant 0 : index
    %get3A_8 = vector.load %arg3[%get3A_6, %get3A_7] : memref<1x128xf32, #tpu.memory_space<vmem>>, vector<1x128xf32>
    %add3A = vector.broadcast %get3A_8 : vector<1x128xf32> to vector<2000x128xf32>
    %add3A_9 = arith.addf %dot_general3A_5, %add3A : vector<2000x128xf32>
    %max3A = arith.constant 0.000000e+00 : f32
    %max3A_10 = vector.broadcast %max3A : f32 to vector<2000x128xf32>
    %max3A_11 = arith.maximumf %add3A_9, %max3A_10 : vector<2000x128xf32>
    %get3A_12 = arith.constant 0 : index
    %get3A_13 = arith.constant 0 : index
    %get3A_14 = vector.load %arg4[%get3A_12, %get3A_13] : memref<128x64xf32, #tpu.memory_space<vmem>>, vector<128x64xf32>
    %dot_general3A_15 = arith.constant dense<0.000000e+00> : vector<2000x64xf32>
    %dot_general3A_16 = tpu.matmul %max3A_11, %get3A_14, %dot_general3A_15 {dimension_numbers = #tpu.dot_dimension_numbers<[1], [0], [0], [1], [0, 0, 1, 1], [], []>, transpose_lhs_hint = false} : vector<2000x128xf32>, vector<128x64xf32>, vector<2000x64xf32> -> vector<2000x64xf32>
    %get3A_17 = arith.constant 0 : index
    %get3A_18 = arith.constant 0 : index
    %get3A_19 = vector.load %arg5[%get3A_17, %get3A_18] : memref<1x64xf32, #tpu.memory_space<vmem>>, vector<1x64xf32>
    %add3A_20 = vector.broadcast %get3A_19 : vector<1x64xf32> to vector<2000x64xf32>
    %add3A_21 = arith.addf %dot_general3A_16, %add3A_20 : vector<2000x64xf32>
    %swap3A = arith.constant 0 : index
    %swap3A_22 = arith.constant 0 : index
    %swap3A_23 = vector.load %arg7[%swap3A, %swap3A_22] : memref<2000x64xf32, #tpu.memory_space<vmem>>, vector<2000x64xf32>
    tpu.vector_store %arg7[%swap3A, %swap3A_22], %add3A_21 {strides = array<i32>} : memref<2000x64xf32, #tpu.memory_space<vmem>>, vector<2000x64xf32>,
    %get3A_24 = arith.constant 0 : index
    %get3A_25 = arith.constant 0 : index
    %get3A_26 = vector.load %arg6[%get3A_24, %get3A_25] : memref<128x256xf32, #tpu.memory_space<vmem>>, vector<128x256xf32>
    %dot_general3A_27 = arith.constant dense<0.000000e+00> : vector<2000x256xf32>
    %dot_general3A_28 = tpu.matmul %get3A_1, %get3A_26, %dot_general3A_27 {dimension_numbers = #tpu.dot_dimension_numbers<[1], [0], [0], [1], [0, 0, 1, 1], [], []>, transpose_lhs_hint = false} : vector<2000x128xf32>, vector<128x256xf32>, vector<2000x256xf32> -> vector<2000x256xf32>
    %swap3A_29 = arith.constant 0 : index
    %swap3A_30 = arith.constant 0 : index
    %swap3A_31 = vector.load %arg8[%swap3A_29, %swap3A_30] : memref<2000x256xf32, #tpu.memory_space<vmem>>, vector<2000x256xf32>
    tpu.vector_store %arg8[%swap3A_29, %swap3A_30], %dot_general3A_28 {strides = array<i32>} : memref<2000x256xf32, #tpu.memory_space<vmem>>, vector<2000x256xf32>,
    return
  }
  func.func @transform_0(%arg0: i32) -> (i32, i32) {
    %c0_i32 = arith.constant 0 : i32
    %c0_i32_0 = arith.constant 0 : i32
    return %arg0, %c0_i32 : i32, i32
  }
  func.func @transform_1(%arg0: i32) -> (i32, i32) {
    %c0_i32 = arith.constant 0 : i32
    %c0_i32_0 = arith.constant 0 : i32
    %c0_i32_1 = arith.constant 0 : i32
    return %c0_i32, %c0_i32_0 : i32, i32
  }
  func.func @transform_2(%arg0: i32) -> (i32, i32) {
    %c0_i32 = arith.constant 0 : i32
    %c0_i32_0 = arith.constant 0 : i32
    %c0_i32_1 = arith.constant 0 : i32
    return %c0_i32, %c0_i32_0 : i32, i32
  }
  func.func @transform_3(%arg0: i32) -> (i32, i32) {
    %c0_i32 = arith.constant 0 : i32
    %c0_i32_0 = arith.constant 0 : i32
    %c0_i32_1 = arith.constant 0 : i32
    return %c0_i32, %c0_i32_0 : i32, i32
  }
  func.func @transform_4(%arg0: i32) -> (i32, i32) {
    %c0_i32 = arith.constant 0 : i32
    %c0_i32_0 = arith.constant 0 : i32
    %c0_i32_1 = arith.constant 0 : i32
    return %c0_i32, %c0_i32_0 : i32, i32
  }
  func.func @transform_5(%arg0: i32) -> (i32, i32) {
    %c0_i32 = arith.constant 0 : i32
    %c0_i32_0 = arith.constant 0 : i32
    %c0_i32_1 = arith.constant 0 : i32
    return %c0_i32, %c0_i32_0 : i32, i32
  }
  func.func @transform_6(%arg0: i32) -> (i32, i32) {
    %c0_i32 = arith.constant 0 : i32
    %c0_i32_0 = arith.constant 0 : i32
    return %arg0, %c0_i32 : i32, i32
  }
  func.func @transform_7(%arg0: i32) -> (i32, i32) {
    %c0_i32 = arith.constant 0 : i32
    %c0_i32_0 = arith.constant 0 : i32
    return %arg0, %c0_i32 : i32, i32
  }
}

module attributes {stable_mosaic.version = 14 : i64} {
  func.func @_d2_body(%arg0: i32, %arg1: memref<32x10000xf32, #tpu.memory_space<vmem>>, %arg2: memref<10000x64xf32, #tpu.memory_space<vmem>>, %arg3: memref<64x256xf32, #tpu.memory_space<vmem>>, %arg4: memref<1x256xf32, #tpu.memory_space<vmem>>, %arg5: memref<2000x256xf32, #tpu.memory_space<vmem>>, %arg6: memref<256x128xf32, #tpu.memory_space<vmem>>, %arg7: memref<1x128xf32, #tpu.memory_space<vmem>>, %arg8: memref<2000x128xf32, #tpu.memory_space<vmem>>, %arg9: memref<1x256xf32, #tpu.memory_space<vmem>>) attributes {dimension_semantics = [#tpu.dimension_semantics<arbitrary>], iteration_bounds = array<i64: 5>, scalar_prefetch = 0 : i64, scratch_operands = 1 : i64, tpu.core_type = #tpu.core_type<tc>, window_params = [{pipeline_mode = #tpu.pipeline_mode<synchronous>, transform_indices = @transform_0, window_bounds = array<i64: 32, 10000>}, {pipeline_mode = #tpu.pipeline_mode<synchronous>, transform_indices = @transform_1, window_bounds = array<i64: 10000, 64>}, {pipeline_mode = #tpu.pipeline_mode<synchronous>, transform_indices = @transform_2, window_bounds = array<i64: 64, 256>}, {pipeline_mode = #tpu.pipeline_mode<synchronous>, transform_indices = @transform_3, window_bounds = array<i64: 1, 256>}, {transform_indices = @transform_4, window_bounds = array<i64: 2000, 256>}, {pipeline_mode = #tpu.pipeline_mode<synchronous>, transform_indices = @transform_5, window_bounds = array<i64: 256, 128>}, {pipeline_mode = #tpu.pipeline_mode<synchronous>, transform_indices = @transform_6, window_bounds = array<i64: 1, 128>}, {transform_indices = @transform_7, window_bounds = array<i64: 2000, 128>}]} {
    %eq3A = arith.constant 0 : i32
    %eq3A_0 = arith.cmpi eq, %arg0, %eq3A : i32
    %convert_element_type3A = arith.extui %eq3A_0 : i1 to i32
    %cond3A = arith.constant 0 : i32
    %cond3A_1 = arith.cmpi ne, %convert_element_type3A, %cond3A : i32
    scf.if %cond3A_1 {
      %get3A_21 = arith.constant 0 : index
      %get3A_22 = arith.constant 0 : index
      %get3A_23 = vector.load %arg1[%get3A_21, %get3A_22] : memref<32x10000xf32, #tpu.memory_space<vmem>>, vector<32x10000xf32>
      %reduce_sum3A = arith.constant dense<0.000000e+00> : vector<10000xf32>
      %reduce_sum3A_24 = vector.multi_reduction <add>, %get3A_23, %reduce_sum3A [0] : vector<32x10000xf32> to vector<10000xf32>
      %broadcast_in_dim3A = vector.shape_cast %reduce_sum3A_24 : vector<10000xf32> to vector<1x10000xf32>
      %get3A_25 = arith.constant 0 : index
      %get3A_26 = arith.constant 0 : index
      %get3A_27 = vector.load %arg2[%get3A_25, %get3A_26] : memref<10000x64xf32, #tpu.memory_space<vmem>>, vector<10000x64xf32>
      %dot_general3A_28 = arith.constant dense<0.000000e+00> : vector<1x64xf32>
      %dot_general3A_29 = tpu.matmul %broadcast_in_dim3A, %get3A_27, %dot_general3A_28 {dimension_numbers = #tpu.dot_dimension_numbers<[1], [0], [0], [1], [0, 0, 1, 1], [], []>, transpose_lhs_hint = false} : vector<1x10000xf32>, vector<10000x64xf32>, vector<1x64xf32> -> vector<1x64xf32>
      %get3A_30 = arith.constant 0 : index
      %get3A_31 = arith.constant 0 : index
      %get3A_32 = vector.load %arg3[%get3A_30, %get3A_31] : memref<64x256xf32, #tpu.memory_space<vmem>>, vector<64x256xf32>
      %dot_general3A_33 = arith.constant dense<0.000000e+00> : vector<1x256xf32>
      %dot_general3A_34 = tpu.matmul %dot_general3A_29, %get3A_32, %dot_general3A_33 {dimension_numbers = #tpu.dot_dimension_numbers<[1], [0], [0], [1], [0, 0, 1, 1], [], []>, transpose_lhs_hint = false} : vector<1x64xf32>, vector<64x256xf32>, vector<1x256xf32> -> vector<1x256xf32>
      %get3A_35 = arith.constant 0 : index
      %get3A_36 = arith.constant 0 : index
      %get3A_37 = vector.load %arg4[%get3A_35, %get3A_36] : memref<1x256xf32, #tpu.memory_space<vmem>>, vector<1x256xf32>
      %add3A_38 = arith.addf %dot_general3A_34, %get3A_37 : vector<1x256xf32>
      %swap3A_39 = arith.constant 0 : index
      %swap3A_40 = arith.constant 0 : index
      %swap3A_41 = vector.load %arg9[%swap3A_39, %swap3A_40] : memref<1x256xf32, #tpu.memory_space<vmem>>, vector<1x256xf32>
      tpu.vector_store %arg9[%swap3A_39, %swap3A_40], %add3A_38 {strides = array<i32>} : memref<1x256xf32, #tpu.memory_space<vmem>>, vector<1x256xf32>,
    } else {
    }
    %get3A = arith.constant 0 : index
    %get3A_2 = arith.constant 0 : index
    %get3A_3 = vector.load %arg5[%get3A, %get3A_2] : memref<2000x256xf32, #tpu.memory_space<vmem>>, vector<2000x256xf32>
    %get3A_4 = arith.constant 0 : index
    %get3A_5 = arith.constant 0 : index
    %get3A_6 = vector.load %arg9[%get3A_4, %get3A_5] : memref<1x256xf32, #tpu.memory_space<vmem>>, vector<1x256xf32>
    %add3A = vector.broadcast %get3A_6 : vector<1x256xf32> to vector<2000x256xf32>
    %add3A_7 = arith.addf %get3A_3, %add3A : vector<2000x256xf32>
    %max3A = arith.constant 0.000000e+00 : f32
    %max3A_8 = vector.broadcast %max3A : f32 to vector<2000x256xf32>
    %max3A_9 = arith.maximumf %add3A_7, %max3A_8 : vector<2000x256xf32>
    %get3A_10 = arith.constant 0 : index
    %get3A_11 = arith.constant 0 : index
    %get3A_12 = vector.load %arg6[%get3A_10, %get3A_11] : memref<256x128xf32, #tpu.memory_space<vmem>>, vector<256x128xf32>
    %dot_general3A = arith.constant dense<0.000000e+00> : vector<2000x128xf32>
    %dot_general3A_13 = tpu.matmul %max3A_9, %get3A_12, %dot_general3A {dimension_numbers = #tpu.dot_dimension_numbers<[1], [0], [0], [1], [0, 0, 1, 1], [], []>, transpose_lhs_hint = false} : vector<2000x256xf32>, vector<256x128xf32>, vector<2000x128xf32> -> vector<2000x128xf32>
    %get3A_14 = arith.constant 0 : index
    %get3A_15 = arith.constant 0 : index
    %get3A_16 = vector.load %arg7[%get3A_14, %get3A_15] : memref<1x128xf32, #tpu.memory_space<vmem>>, vector<1x128xf32>
    %add3A_17 = vector.broadcast %get3A_16 : vector<1x128xf32> to vector<2000x128xf32>
    %add3A_18 = arith.addf %dot_general3A_13, %add3A_17 : vector<2000x128xf32>
    %swap3A = arith.constant 0 : index
    %swap3A_19 = arith.constant 0 : index
    %swap3A_20 = vector.load %arg8[%swap3A, %swap3A_19] : memref<2000x128xf32, #tpu.memory_space<vmem>>, vector<2000x128xf32>
    tpu.vector_store %arg8[%swap3A, %swap3A_19], %add3A_18 {strides = array<i32>} : memref<2000x128xf32, #tpu.memory_space<vmem>>, vector<2000x128xf32>,
    return
  }
  func.func @transform_0(%arg0: i32) -> (i32, i32) {
    %c0_i32 = arith.constant 0 : i32
    %c0_i32_0 = arith.constant 0 : i32
    %c0_i32_1 = arith.constant 0 : i32
    return %c0_i32, %c0_i32_0 : i32, i32
  }
  func.func @transform_1(%arg0: i32) -> (i32, i32) {
    %c0_i32 = arith.constant 0 : i32
    %c0_i32_0 = arith.constant 0 : i32
    %c0_i32_1 = arith.constant 0 : i32
    return %c0_i32, %c0_i32_0 : i32, i32
  }
  func.func @transform_2(%arg0: i32) -> (i32, i32) {
    %c0_i32 = arith.constant 0 : i32
    %c0_i32_0 = arith.constant 0 : i32
    %c0_i32_1 = arith.constant 0 : i32
    return %c0_i32, %c0_i32_0 : i32, i32
  }
  func.func @transform_3(%arg0: i32) -> (i32, i32) {
    %c0_i32 = arith.constant 0 : i32
    %c0_i32_0 = arith.constant 0 : i32
    %c0_i32_1 = arith.constant 0 : i32
    return %c0_i32, %c0_i32_0 : i32, i32
  }
  func.func @transform_4(%arg0: i32) -> (i32, i32) {
    %c0_i32 = arith.constant 0 : i32
    %c0_i32_0 = arith.constant 0 : i32
    return %arg0, %c0_i32 : i32, i32
  }
  func.func @transform_5(%arg0: i32) -> (i32, i32) {
    %c0_i32 = arith.constant 0 : i32
    %c0_i32_0 = arith.constant 0 : i32
    %c0_i32_1 = arith.constant 0 : i32
    return %c0_i32, %c0_i32_0 : i32, i32
  }
  func.func @transform_6(%arg0: i32) -> (i32, i32) {
    %c0_i32 = arith.constant 0 : i32
    %c0_i32_0 = arith.constant 0 : i32
    %c0_i32_1 = arith.constant 0 : i32
    return %c0_i32, %c0_i32_0 : i32, i32
  }
  func.func @transform_7(%arg0: i32) -> (i32, i32) {
    %c0_i32 = arith.constant 0 : i32
    %c0_i32_0 = arith.constant 0 : i32
    return %arg0, %c0_i32 : i32, i32
  }
}

module attributes {stable_mosaic.version = 14 : i64} {
  func.func @_sum_body(%arg0: i32, %arg1: memref<1x2000x128xf32, #tpu.memory_space<vmem>>, %arg2: memref<1x2000x128xf32, #tpu.memory_space<vmem>>, %arg3: memref<2000x128xf32, #tpu.memory_space<vmem>>) attributes {dimension_semantics = [#tpu.dimension_semantics<arbitrary>], iteration_bounds = array<i64: 5>, scalar_prefetch = 0 : i64, scratch_operands = 0 : i64, tpu.core_type = #tpu.core_type<tc>, window_params = [{transform_indices = @transform_0, window_bounds = array<i64: 1, 2000, 128>}, {transform_indices = @transform_1, window_bounds = array<i64: 1, 2000, 128>}, {transform_indices = @transform_2, window_bounds = array<i64: 2000, 128>}]} {
    %get3A = arith.constant 0 : index
    %get3A_0 = arith.constant 0 : index
    %get3A_1 = arith.constant 0 : index
    %get3A_2 = vector.load %arg1[%get3A, %get3A_0, %get3A_1] : memref<1x2000x128xf32, #tpu.memory_space<vmem>>, vector<1x2000x128xf32>
    %get3A_3 = vector.shape_cast %get3A_2 : vector<1x2000x128xf32> to vector<2000x128xf32>
    %get3A_4 = arith.constant 0 : index
    %get3A_5 = arith.constant 0 : index
    %get3A_6 = arith.constant 0 : index
    %get3A_7 = vector.load %arg2[%get3A_4, %get3A_5, %get3A_6] : memref<1x2000x128xf32, #tpu.memory_space<vmem>>, vector<1x2000x128xf32>
    %get3A_8 = vector.shape_cast %get3A_7 : vector<1x2000x128xf32> to vector<2000x128xf32>
    %add3A = arith.addf %get3A_3, %get3A_8 : vector<2000x128xf32>
    %swap3A = arith.constant 0 : index
    %swap3A_9 = arith.constant 0 : index
    %swap3A_10 = vector.load %arg3[%swap3A, %swap3A_9] : memref<2000x128xf32, #tpu.memory_space<vmem>>, vector<2000x128xf32>
    tpu.vector_store %arg3[%swap3A, %swap3A_9], %add3A {strides = array<i32>} : memref<2000x128xf32, #tpu.memory_space<vmem>>, vector<2000x128xf32>,
    return
  }
  func.func @transform_0(%arg0: i32) -> (i32, i32, i32) {
    %c0_i32 = arith.constant 0 : i32
    %c0_i32_0 = arith.constant 0 : i32
    %c0_i32_1 = arith.constant 0 : i32
    return %c0_i32, %arg0, %c0_i32_0 : i32, i32, i32
  }
  func.func @transform_1(%arg0: i32) -> (i32, i32, i32) {
    %c1_i32 = arith.constant 1 : i32
    %c0_i32 = arith.constant 0 : i32
    %c0_i32_0 = arith.constant 0 : i32
    return %c1_i32, %arg0, %c0_i32 : i32, i32, i32
  }
  func.func @transform_2(%arg0: i32) -> (i32, i32) {
    %c0_i32 = arith.constant 0 : i32
    %c0_i32_0 = arith.constant 0 : i32
    return %arg0, %c0_i32 : i32, i32
  }
}

</mosaic_0001>

<sc_bundles>
// kernel: kernel.10.cloned.1.call-start
scs
__scs_entry_jumppad:
0x0: {  	(pc) =	sbr.rel $0x88, $3  }
0x1: {  	(tag) =	ssettag $0x0;
	lr =	simm.s32 $0x1  }
0x2: {  	[smem:$0x3F96] =	sst lr;
	_ =	strace $0xD0000000  }
0x3: {  	_ = 	snop  }
0x4: {  	_ = 	snop  }
0x5: {  	_ = 	snop  }
0x6: {  	_ = 	snop  }
0x7: {  	_ = 	snop  }
__scs_overlays_trampoline_lowered:
0x8: {  	[smem:$0x3FA5] =	sst s0  }
0x9: {  	[smem:$0x3FA6] =	sst s1  }
0xa: {  	[smem:$0x3FA7] =	sst s2  }
0xb: {  	[smem:$0x3FA8] =	sst s3  }
0xc: {  	[smem:$0x3FA9] =	sst s4  }
0xd: {  	[smem:$0x3FAA] =	sst s5  }
0xe: {  	[smem:$0x3FAB] =	sst s6  }
0xf: {  	[smem:$0x3FAC] =	sst s7  }
0x10: {  	[smem:$0x3FAD] =	sst s8  }
0x11: {  	[smem:$0x3FAE] =	sst s9;
	s0 =	simm.s32 @!p0 $0x0  }
0x12: {  	s1 =	sld [smem:$0x3F94];
	s0 =	simm.s32 @p0 $0x1  }
0x13: {  	[smem:$0x3FAF] =	sst s0;
	s0 =	simm.s32 @!p1 $0x0  }
0x14: {  	s2 =	sld [smem:$0x3F93];
	s0 =	simm.s32 @p1 $0x1  }
0x15: {  	[smem:$0x3FB0] =	sst s0;
	s0 =	simm.s32 @!p2 $0x0  }
0x16: {  	s3 =	sld [smem:$0x3FDB];
	s0 =	simm.s32 @p2 $0x1  }
0x17: {  	s4 =	simm.s32 $0x1BF5;
	[smem:$0x3FB2] =	sst s0  }
0x18: {  	s0 =	sld [smem:$0x3F95];
	_ =	swait.ge [sflag:s4], $0x0  }
0x19: {  	s7 =	sld [smem:$0x3F96]  }
0x1a: {  	s8 =	sadd.s32 $0xFFFFE003, lr  }
0x1b: {  	s9 =	sadd.s32 $0xFFFFFEF7, lr;
	s5 =	simm.s32 $0xFFFFFFFF;
	p2 =	slt.u32 s8, $0xFFFFF086  }
0x1c: {  	p1 =	slt.u32 s9, $0xF7A;
	s5 =	simm.s32 @!p2 $0x0  }
0x1d: {  	s5 =	simm.s32 @p1 $0x1;
	p0 =	seq.s32 s7, s2  }
0x1e: {  	s7 =	smul.u32 @!p0 $0xF7A, s2;
	p2 =	seq.s32 @!p0 s5, $0x0  }
0x1f: {  	s9 =	smul.u32 $0xF7A, s1;
	s8 =	simm.s32 @!p0 $0x1BF5;
	p2 =	por !p2, p0  }
0x20: {  	[sflag:s8] =	ssyncset.s32 @!p0 $0xFFFFF086;
	s6 =	sadd.s32 @!p0 s3, s7;
	s7 =	simm.s32 @!p0 $0x108  }
0x21: {  	s3 =	sadd.s32 s3, s9;
	s6 =	sadd.s32 @!p0 $0x88, s6;
	s7 =	simm.s32 @p2 $0x1082  }
0x22: {  	[simem:s7], [sflag:s8] =	dma.local @!p0 [hbm:s6], $0xF7A  }
0x23: {  	s9 =	sor.u32 $0xD0000000, s2;
	s6 =	simm.s32 $0x108;
	_ =	swait.ge @!p0 [sflag:s8], $0x0  }
0x24: {  	s3 =	sadd.s32 $0x88, s3;
	s6 =	simm.s32 @!p1 $0x1082;
	[sflag:s4] =	ssyncset.s32 $0xFFFFF086  }
0x25: {  	[simem:s6], [sflag:s4] =	dma.local [hbm:s3], $0xF7A  }
0x26: {  	[smem:$0x3F96] =	sst s1;
	(tag) =	ssettag s2;
	_ =	strace s9  }
0x27: {  	s1 =	sld [smem:$0x3FA6]  }
0x28: {  	s2 =	sld [smem:$0x3FA7]  }
0x29: {  	s4 =	sld [smem:$0x3FA9]  }
0x2a: {  	p0 =	seq.s32 s5, $0x0;
	s5 =	sld [smem:$0x3FAA]  }
0x2b: {  	s6 =	sld [smem:$0x3FAB]  }
0x2c: {  	s7 =	sld [smem:$0x3FAC]  }
0x2d: {  	s3 =	simm.s32 $0x108;
	s8 =	sld [smem:$0x3FAD]  }
0x2e: {  	s3 =	simm.s32 @!p0 $0x1082;
	s9 =	sld [smem:$0x3FAE]  }
0x2f: {  	lr =	sadd.s32 s0, s3;
	s0 =	sld [smem:$0x3FA5]  }
0x30: {  	s3 =	sld [smem:$0x3FA8]  }
0x31: {  	[smem:$0x3FB1] =	sst s10  }
0x32: {  	s10 =	sld [smem:$0x3FAF];
	_ =	sdelay $0x3  }
0x33: {  	p0 =	seq.s32 s10, $0x1;
	s10 =	sld [smem:$0x3FB1];
	_ =	sdelay $0x3  }
0x34: {  	[smem:$0x3FB1] =	sst s10  }
0x35: {  	s10 =	sld [smem:$0x3FB0];
	_ =	sdelay $0x3  }
0x36: {  	p1 =	seq.s32 s10, $0x1;
	s10 =	sld [smem:$0x3FB1];
	_ =	sdelay $0x3  }
0x37: {  	[smem:$0x3FB1] =	sst s10  }
0x38: {  	s10 =	sld [smem:$0x3FB2]  }
0x39: {  	_ = 	snop;
	(pc) =	sbr.ind lr, $3  }
0x3a: {  	_ = 	snop  }
0x3b: {  	_ = 	snop  }
0x3c: {  	p2 =	seq.s32 s10, $0x1;
	s10 =	sld [smem:$0x3FB1]  }
0x3d: {  	_ =	shalt  }
0x3e: {  	_ =	shalt  }
0x3f: {  	_ =	shalt  }
0x40: {  	_ =	shalt  }
0x41: {  	_ =	shalt  }
0x42: {  	_ =	shalt  }
0x43: {  	_ =	shalt  }
0x44: {  	_ =	shalt  }
0x45: {  	_ =	shalt  }
0x46: {  	_ =	shalt  }
0x47: {  	_ =	shalt  }
0x48: {  	_ =	shalt  }
0x49: {  	_ =	shalt  }
0x4a: {  	_ =	shalt  }
0x4b: {  	_ =	shalt  }
0x4c: {  	_ =	shalt  }
0x4d: {  	_ =	shalt  }
0x4e: {  	_ =	shalt  }
0x4f: {  	_ =	shalt  }
0x50: {  	_ =	shalt  }
0x51: {  	_ =	shalt  }
0x52: {  	_ =	shalt  }
0x53: {  	_ =	shalt  }
0x54: {  	_ =	shalt  }
0x55: {  	_ =	shalt  }
0x56: {  	_ =	shalt  }
0x57: {  	_ =	shalt  }
0x58: {  	_ =	shalt  }
0x59: {  	_ =	shalt  }
0x5a: {  	_ =	shalt  }
0x5b: {  	_ =	shalt  }
0x5c: {  	_ =	shalt  }
0x5d: {  	_ =	shalt  }
0x5e: {  	_ =	shalt  }
0x5f: {  	_ =	shalt  }
0x60: {  	_ =	shalt  }
0x61: {  	_ =	shalt  }
0x62: {  	_ =	shalt  }
0x63: {  	_ =	shalt  }
0x64: {  	_ =	shalt  }
0x65: {  	_ =	shalt  }
0x66: {  	_ =	shalt  }
0x67: {  	_ =	shalt  }
0x68: {  	_ =	shalt  }
0x69: {  	_ =	shalt  }
0x6a: {  	_ =	shalt  }
0x6b: {  	_ =	shalt  }
0x6c: {  	_ =	shalt  }
0x6d: {  	_ =	shalt  }
0x6e: {  	_ =	shalt  }
0x6f: {  	_ =	shalt  }
0x70: {  	_ =	shalt  }
0x71: {  	_ =	shalt  }
0x72: {  	_ =	shalt  }
0x73: {  	_ =	shalt  }
0x74: {  	_ =	shalt  }
0x75: {  	_ =	shalt  }
0x76: {  	_ =	shalt  }
0x77: {  	_ =	shalt  }
0x78: {  	_ =	shalt  }
0x79: {  	_ =	shalt  }
0x7a: {  	_ =	shalt  }
0x7b: {  	_ =	shalt  }
0x7c: {  	_ =	shalt  }
0x7d: {  	_ =	shalt  }
0x7e: {  	_ =	shalt  }
0x7f: {  	_ =	shalt  }
0x80: {  	_ =	shalt  }
0x81: {  	_ =	shalt  }
0x82: {  	_ =	shalt  }
0x83: {  	_ =	shalt  }
0x84: {  	_ =	shalt  }
0x85: {  	_ =	shalt  }
0x86: {  	_ =	shalt  }
0x87: {  	_ =	shalt  }
.Lfunc_end0:
.L_simem_size_0:
called_computation.1_lowered:
.L_overlay_start_0:
0x88: {  	s2 =	sld [smem:$0x3FD9]  }
0x89: {  	s3 =	sld [smem:$0x3FFE];
	_ =	sdelay $0x1  }
0x8a: {  	s1 =	srdreg.scid  }
0x8b: {  	s0 =	sand.u32 $0x1, s1  }
0x8c: {  	s17 =	sshll.u32 s0, $0xA;
	s2 =	sadd.s32 s3, s2  }
0x8d: {  	s2 =	sadd.s32 s2, s17  }
0x8e: {  	[smem:$0x3FBD] =	sst s2  }
0x8f: {  	_ = 	snop  }
0x90: {  	s2 =	sld [smem:$0x3FD0];
	(tm) =	ssettm $0x1  }
0x91: {  	s18 =	sld [smem:$0x3FFB];
	_ =	sdelay $0x3  }
0x92: {  	_ =	strace s18  }
0x93: {  	s3 =	sld [smem:$0x3FFC];
	_ =	sdelay $0x3  }
0x94: {  	_ =	strace s3  }
0x95: {  	s3 =	sld [smem:$0x3FFD];
	_ =	sdelay $0x3  }
0x96: {  	_ =	strace s3  }
0x97: {  	_ =	strace $0x8FFFFFFF  }
0x98: {  	s19 =	sld [smem:$0x3FDB];
	_ =	sdelay $0x1  }
0x99: {  	s4 =	simm.s32 $_scs_section_size  }
0x9a: {  	s5 =	simm.s32 $_size__tile_overlayer_lowered;
	s6 =	simm.s32 $_tile_overlayer_lowered  }
0x9b: {  	s22 =	simm.s32 $0x1BFF;
	s21 =	sshll.u32 s6, $0x1;
	s3 =	sadd.s32 s4, s19  }
0x9c: {  	s7 =	simm.s32 $0x0;
	s20 =	sshll.u32 s5, $0x1;
	s5 =	sadd.s32 s21, s3  }
0x9d: {  	[timem:s7], [sflag:s22] =	dma.local [hbm:s5], s20  }
0x9e: {  	_ =	swait.ge [sflag:s22], s20  }
0x9f: {  	s4 =	ssub.s32 $0x0, s20;
	[sflag:s22] =	ssyncset.done $0x0  }
0xa0: {  	[sflag:s22] =	ssyncadd.s32 s4;
	_ =	sdelay $0x1  }
0xa1: {  	s23 =	simm.s32 $0x1B8B  }
0xa2: {  	_ =	swait.ge [sflag:s23], $0x1  }
0xa3: {  	[sflag:s23] =	ssyncset.done $0x0  }
0xa4: {  	s25 =	simm.s32 $0x1B8E;
	s24 =	sld [smem:$0x3FFE];
	[sflag:s23] =	ssyncadd.s32 $0xFFFFFFFF  }
0xa5: {  	s26 =	simm.s32 $execute0_lowered;
	[smem:$0x3FD2] =	sst s25  }
0xa6: {  	s5 =	sshll.u32 s26, $0x1;
	_ =	strace $0x80000049;
	[dreg:$0x1] =	wrdreg $0xFFFFFFFF  }
0xa7: {  	s28 =	simm.s32 $_size_execute0_lowered;
	s3 =	sadd.s32 s3, s5;
	[dreg:$0x0] =	wrdreg $0x0  }
0xa8: {  	s5 =	sshll.u32 s28, $0x1;
	[dreg:$0x2] =	wrdreg s3  }
0xa9: {  	[dreg:$0x3] =	wrdreg s5  }
0xaa: {  	[dreg:$0x4] =	wrdreg $0xC0  }
0xab: {  	_ =	task [dreg:s7], $0x5FFFF  }
0xac: {  	[dreg:$0x1] =	wrdreg $0xFFFFFFFF  }
0xad: {  	[dreg:$0x0] =	wrdreg $0x60  }
0xae: {  	[dreg:$0x2] =	wrdreg s24  }
0xaf: {  	[dreg:$0x3] =	wrdreg s2  }
0xb0: {  	[dreg:$0x4] =	wrdreg $0x84000  }
0xb1: {  	[dreg:$0x5] =	wrdreg $0x9  }
0xb2: {  	_ =	task.clear_ibuf [dreg:s7], $0x6FFFF;
	_ =	strace $0x90000049  }
0xb3: {  	s29 =	simm.s32 $0x9;
	_ =	strace $0x8000004B  }
0xb4: {  	_ =	swait.ge [sflag:s29], $0x1  }
0xb5: {  	[sflag:s29] =	ssyncadd.s32 $0xFFFFFFFF  }
0xb6: {  	_ =	strace $0x9000004B  }
0xb7: {  	_ =	sfence  }
0xb8: {  	s30 =	sld [smem:$0x0];
	_ =	sdelay $0x2  }
0xb9: {  	s31 =	sshll.u32 s1, $0xD;
	s1 =	sshrl.u32 s1, $0x2  }
0xba: {  	s3 =	sand.u32 $0x4000, s31;
	s1 =	sadd.s32 s1, s30  }
0xbb: {  	s0 =	sor.u32 s3, s0;
	s1 =	sshll.u32 s1, $0x11  }
0xbc: {  	s0 =	sor.u32 s1, s0  }
0xbd: {  	s0 =	sadd.s32 $0x8F2B, s0  }
0xbe: {  	[sflag:s0] =	ssyncadd.remote.s32 $0x1  }
0xbf: {  	_ =	sfence.sel $0xFFFF  }
0xc0: {  	[dreg:$0x0] =	wrdreg $0xFFFFFFFF;
	(pc) =	sbr.abs _section_cstart, $3  }
0xc1: {  	[dreg:$0x1] =	wrdreg $0xFFFFFFFF  }
0xc2: {  	_ =	task.clear_ibuf [dreg:s7], $0x2FFFF;
	_ =	strace $0x9FFFFFFF  }
0xc3: {  	(tm) =	ssettm $0x7FFFFFFF  }
tec
execute0_lowered:
.L_overlay_start_1:
0x0: {  	(tag) =	ssettag $0x1  }
0x1: {  	s0 =	srdreg.scid;
	s24 =	stileid.u32  }
0x2: {  	s0 =	sand.u32 $0x1, s0;
	s9 =	smul.u32 $0x2800, s24  }
0x3: {  	s1 =	rddreg [dreg:$0x0];
	s8 =	sor.u32 $0x10, s24;
	s7 =	smul.u32 $0x138800, s0  }
0x4: {  	s2 =	rddreg [dreg:$0x1];
	s10 =	sor.u32 $0x20, s24;
	s11 =	smul.u32 $0x2800, s8  }
0x5: {  	s5 =	simm.s32 $0x0;
	s12 =	sor.u32 $0x30, s24;
	s13 =	smul.u32 $0x2800, s10  }
0x6: {  	s3 =	sshll.u32 s24, $0x1;
	s16 =	sor.u32 $0x40, s24;
	s15 =	smul.u32 $0x2800, s12  }
0x7: {  	[smem:$0x7FF] =	sst s5;
	s17 =	sor.u32 $0x50, s24;
	s18 =	smul.u32 $0x2800, s16  }
0x8: {  	s6 =	sadd.s32 $0x16000, s1;
	s20 =	sor.u32 $0x60, s24;
	s21 =	smul.u32 $0x2800, s17  }
0x9: {  	s14 =	sadd.s32 $0x2A000, s1;
	p0 =	sgt.u32 s24, $0xC;
	s22 =	smul.u32 $0x2800, s20  }
0xa: {  	s4 =	sor.u32 s0, s3;
	s0 =	ssub.s32 $0x2, s0;
	s10 =	smul.u32 $0xA000, s10  }
0xb: {  	s3 =	rddreg [dreg:$0x2];
	s12 =	smul.u32 $0xA000, s12;
	s19 =	sshrl.u32 s0, $0x1  }
0xc: {  	_ =	strace $0x8000004A;
	s4 =	smul.u32 $0x2800, s4;
	s0 =	ssub.s32 s0, s19  }
0xd: {  	s19 =	sor.u32 $0x70, s24;
	s9 =	sadd.s32 s9, s7;
	s11 =	sadd.s32 s7, s11  }
0xe: {  	s13 =	sadd.s32 s7, s13;
	s15 =	sadd.s32 s7, s15;
	s18 =	sadd.s32 s7, s18  }
0xf: {  	s21 =	sadd.s32 s7, s21;
	s22 =	sadd.s32 s7, s22;
	s23 =	smul.u32 $0x2800, s19  }
0x10: {  	s9 =	sshrl.u32 s9, $0x3;
	s11 =	sshrl.u32 s11, $0x3;
	s25 =	sshrl.u32 s13, $0x3  }
0x11: {  	s26 =	sshrl.u32 s15, $0x3;
	s28 =	sshrl.u32 s18, $0x3;
	s0 =	smax.u32 s0, $0x1  }
0x12: {  	s13 =	sshrl.u32 s22, $0x3;
	s9 =	sadd.s32 s14, s9;
	[dreg:$0x19] =	wrdreg s0  }
0x13: {  	s15 =	sadd.s32 $0x20000, s1;
	s11 =	sadd.s32 s14, s11;
	[dreg:$0x4] =	wrdreg s9  }
0x14: {  	s22 =	smul.u32 $0xA000, s8;
	s30 =	sadd.s32 s14, s28;
	[dreg:$0x5] =	wrdreg s11  }
0x15: {  	s7 =	sadd.s32 s7, s23;
	s9 =	sadd.s32 s14, s25;
	[dreg:$0x8] =	wrdreg s30  }
0x16: {  	s23 =	sshrl.u32 s4, $0x3;
	[dreg:$0x6] =	wrdreg s9;
	s9 =	sadd.s32 s14, s26  }
0x17: {  	s28 =	smul.u32 $0xA000, s24;
	s26 =	sadd.s32 s6, s23;
	[dreg:$0x7] =	wrdreg s9  }
0x18: {  	s11 =	sshrl.u32 s21, $0x3;
	s30 =	sadd.s32 s15, s23;
	[dreg:$0x10] =	wrdreg s26  }
0x19: {  	s7 =	sshrl.u32 s7, $0x3;
	s9 =	sadd.s32 s14, s11;
	[dreg:$0x11] =	wrdreg s30  }
0x1a: {  	s21 =	sor.u32 $0x20, s23;
	s7 =	sadd.s32 s14, s7;
	[dreg:$0x9] =	wrdreg s9  }
0x1b: {  	s0 =	simm.s32 $0x0;
	s25 =	sadd.s32 s6, s21;
	[dreg:$0xb] =	wrdreg s7  }
0x1c: {  	s1 =	sadd.s32 s15, s21;
	s11 =	simm.s32 $0x300;
	[dreg:$0xe] =	wrdreg s25  }
0x1d: {  	s9 =	sadd.s32 s14, s13;
	s14 =	sor.u32 $0x10, s23;
	[dreg:$0xf] =	wrdreg s1  }
0x1e: {  	s1 =	sshrl.u32 s28, $0x2;
	s25 =	smul.u32 $0xA000, s19;
	s19 =	simm.s32 $0x4400  }
0x1f: {  	[dreg:$0xa] =	wrdreg s9;
	s18 =	sadd.s32 s6, s14;
	s7 =	sadd.s32 s15, s14  }
0x20: {  	s9 =	sor.u32 $0x30, s23;
	s29 =	sadd.s32 s1, s3;
	s14 =	smul.u32 $0xA000, s16  }
0x21: {  	s16 =	sshrl.u32 s10, $0x2;
	s23 =	sshrl.u32 s12, $0x2;
	[dreg:$0xc] =	wrdreg s18  }
0x22: {  	s10 =	simm.s32 $0x100;
	s12 =	simm.s32 $0x180;
	[dreg:$0xd] =	wrdreg s7  }
0x23: {  	s13 =	sadd.s32 s6, s9;
	s8 =	sadd.s32 s15, s9;
	s18 =	smul.u32 $0xA000, s17  }
0x24: {  	s7 =	sshrl.u32 s22, $0x2;
	s21 =	sadd.s32 s16, s3;
	s22 =	smul.u32 $0xA000, s20  }
0x25: {  	s30 =	sshrl.u32 s25, $0x2;
	s9 =	simm.s32 $0x280;
	[dreg:$0x12] =	wrdreg s13  }
0x26: {  	s16 =	simm.s32 $0x7;
	s17 =	simm.s32 $0x1;
	[dreg:$0x13] =	wrdreg s8  }
0x27: {  	s20 =	simm.s32 $0x5;
	s7 =	sadd.s32 s7, s3;
	[dreg:$0x15] =	wrdreg s21  }
0x28: {  	s1 =	sshrl.u32 s14, $0x2;
	s8 =	sadd.s32 s23, s3;
	s13 =	simm.s32 $0x380  }
0x29: {  	s14 =	simm.s32 $0x400;
	s21 =	simm.s32 $0x3;
	[dreg:$0x14] =	wrdreg s7  }
.Ltmp0:
0x2a: {  	s23 =	simm.s32 $0x4;
	[dreg:$0x16] =	wrdreg s8;
	(pc) =	sbr.rel .LBB2_1-.Ltmp0, $4  }
0x2b: {  	s1 =	sadd.s32 s1, s3;
	s26 =	sshrl.u32 s18, $0x2;
	s28 =	sshrl.u32 s22, $0x2  }
0x2c: {  	s7 =	simm.s32 $0x200;
	s8 =	simm.s32 $0x80;
	s18 =	simm.s32 $0x2  }
0x2d: {  	s22 =	simm.s32 $0x6;
	[dreg:$0x17] =	wrdreg s1;
	s1 =	sadd.s32 s26, s3  }
0x2e: {  	v0 =	vimm.f32 $0.0e+00;
	s31 =	sadd.s32 s28, s3;
	[dreg:$0x18] =	wrdreg s1;
	s1 =	sadd.s32 s30, s3  }
.LBB2_6:
0x2f: {  	_ =	swait.ge [sflag:s22], $0x4000  }
0x30: {  	[sflag:s22] =	ssyncset.done $0x0  }
0x31: {  	[sflag:s22] =	ssyncadd.s32 $0xFFFFC000  }
0x32: {  	[spmem:s3] =	stream.indirect.scatter.add.f32 [tilespmem:s19], [sflag:$0x7], $0x80, s13, s8, $0xb8;
	[tilespmem:$0x1BCC0] =	vst v63  }
0x33: {  	_ =	swait.ge [sflag:s16], $0x4000  }
0x34: {  	[sflag:s16] =	ssyncset.done $0x0  }
0x35: {  	[sflag:s16] =	ssyncadd.s32 $0xFFFFC000  }
0x36: {  	[bflag:$0x0] =	sbarrier.arrive $0xFFFF  }
0x37: {  	[tilespmem:s14], [sflag:$0x7] =	stream.linear.gather [spmem:s30], $0x2800, $0x38;
	[tilespmem:$0x1BCC0] =	vst v63  }
0x38: {  	_ =	swait.ge [sflag:s16], $0x2800  }
0x39: {  	[sflag:s16] =	ssyncset.done $0x0  }
0x3a: {  	s24 =	rddreg [dreg:$0x4];
	[sflag:s16] =	ssyncadd.s32 $0xFFFFD800  }
0x3b: {  	[hbm4b:s24+s5] =	stream.linear.scatter [tilespmem:s14], [sflag:$0x5], $0x2800, $0x38;
	[tilespmem:$0x1BCC0] =	vst v63  }
0x3c: {  	s25 =	rddreg [dreg:$0x14]  }
0x3d: {  	[tilespmem:s19], [sflag:$0x7] =	stream.linear.gather [spmem:s25], $0x2800, $0x38;
	[tilespmem:$0x1BCC0] =	vst v63  }
0x3e: {  	_ =	swait.ge [sflag:s16], $0x2800  }
0x3f: {  	[sflag:s16] =	ssyncset.done $0x0  }
0x40: {  	s26 =	rddreg [dreg:$0x5];
	[sflag:s16] =	ssyncadd.s32 $0xFFFFD800  }
0x41: {  	[hbm4b:s26+s5] =	stream.linear.scatter [tilespmem:s19], [sflag:$0x6], $0x2800, $0x38;
	[tilespmem:$0x1BCC0] =	vst v63  }
0x42: {  	_ =	swait.ge [sflag:s20], $0x2800  }
0x43: {  	[sflag:s20] =	ssyncset.done $0x0  }
0x44: {  	s28 =	rddreg [dreg:$0x15];
	[sflag:s20] =	ssyncadd.s32 $0xFFFFD800  }
0x45: {  	[tilespmem:s14], [sflag:$0x7] =	stream.linear.gather [spmem:s28], $0x2800, $0x38;
	[tilespmem:$0x1BCC0] =	vst v63  }
0x46: {  	_ =	swait.ge [sflag:s16], $0x2800  }
0x47: {  	[sflag:s16] =	ssyncset.done $0x0  }
0x48: {  	s29 =	smov.u32 s30;
	s30 =	rddreg [dreg:$0x6];
	[sflag:s16] =	ssyncadd.s32 $0xFFFFD800  }
0x49: {  	[hbm4b:s30+s5] =	stream.linear.scatter [tilespmem:s14], [sflag:$0x5], $0x2800, $0x38;
	[tilespmem:$0x1BCC0] =	vst v63  }
0x4a: {  	_ =	swait.ge [sflag:s22], $0x2800  }
0x4b: {  	[sflag:s22] =	ssyncset.done $0x0  }
0x4c: {  	s25 =	rddreg [dreg:$0x16];
	[sflag:s22] =	ssyncadd.s32 $0xFFFFD800  }
0x4d: {  	[tilespmem:s19], [sflag:$0x7] =	stream.linear.gather [spmem:s25], $0x2800, $0x38;
	[tilespmem:$0x1BCC0] =	vst v63  }
0x4e: {  	_ =	swait.ge [sflag:s16], $0x2800  }
0x4f: {  	[sflag:s16] =	ssyncset.done $0x0  }
0x50: {  	s26 =	rddreg [dreg:$0x7];
	[sflag:s16] =	ssyncadd.s32 $0xFFFFD800  }
0x51: {  	[hbm4b:s26+s5] =	stream.linear.scatter [tilespmem:s19], [sflag:$0x6], $0x2800, $0x38;
	[tilespmem:$0x1BCC0] =	vst v63  }
0x52: {  	_ =	swait.ge [sflag:s20], $0x2800  }
0x53: {  	[sflag:s20] =	ssyncset.done $0x0  }
0x54: {  	s28 =	rddreg [dreg:$0x17];
	[sflag:s20] =	ssyncadd.s32 $0xFFFFD800  }
0x55: {  	[tilespmem:s14], [sflag:$0x7] =	stream.linear.gather [spmem:s28], $0x2800, $0x38;
	[tilespmem:$0x1BCC0] =	vst v63  }
0x56: {  	_ =	swait.ge [sflag:s16], $0x2800  }
0x57: {  	[sflag:s16] =	ssyncset.done $0x0  }
0x58: {  	s30 =	rddreg [dreg:$0x8];
	[sflag:s16] =	ssyncadd.s32 $0xFFFFD800  }
0x59: {  	[hbm4b:s30+s5] =	stream.linear.scatter [tilespmem:s14], [sflag:$0x5], $0x2800, $0x38;
	[tilespmem:$0x1BCC0] =	vst v63  }
0x5a: {  	_ =	swait.ge [sflag:s22], $0x2800  }
0x5b: {  	[sflag:s22] =	ssyncset.done $0x0  }
0x5c: {  	s25 =	rddreg [dreg:$0x18];
	[sflag:s22] =	ssyncadd.s32 $0xFFFFD800  }
0x5d: {  	[tilespmem:s19], [sflag:$0x7] =	stream.linear.gather [spmem:s25], $0x2800, $0x38;
	[tilespmem:$0x1BCC0] =	vst v63  }
0x5e: {  	_ =	swait.ge [sflag:s16], $0x2800  }
0x5f: {  	[sflag:s16] =	ssyncset.done $0x0  }
0x60: {  	s26 =	rddreg [dreg:$0x9];
	[sflag:s16] =	ssyncadd.s32 $0xFFFFD800  }
0x61: {  	[hbm4b:s26+s5] =	stream.linear.scatter [tilespmem:s19], [sflag:$0x6], $0x2800, $0x38;
	[tilespmem:$0x1BCC0] =	vst v63  }
0x62: {  	_ =	swait.ge [sflag:s20], $0x2800  }
0x63: {  	[sflag:s20] =	ssyncset.done $0x0  }
0x64: {  	[sflag:s20] =	ssyncadd.s32 $0xFFFFD800  }
0x65: {  	[tilespmem:s14], [sflag:$0x7] =	stream.linear.gather [spmem:s31], $0x2800, $0x38;
	[tilespmem:$0x1BCC0] =	vst v63  }
0x66: {  	_ =	swait.ge [sflag:s16], $0x2800  }
0x67: {  	[sflag:s16] =	ssyncset.done $0x0  }
0x68: {  	s28 =	rddreg [dreg:$0xa];
	[sflag:s16] =	ssyncadd.s32 $0xFFFFD800  }
0x69: {  	[hbm4b:s28+s5] =	stream.linear.scatter [tilespmem:s14], [sflag:$0x5], $0x2800, $0x38;
	[tilespmem:$0x1BCC0] =	vst v63  }
0x6a: {  	_ =	swait.ge [sflag:s22], $0x2800  }
0x6b: {  	[sflag:s22] =	ssyncset.done $0x0  }
0x6c: {  	s24 =	simm.s32 @!p0 $0x4400;
	s25 =	simm.s32 @!p0 $0x7;
	[sflag:s22] =	ssyncadd.s32 $0xFFFFD800  }
0x6d: {  	[tilespmem:s24], [sflag:$0x7] =	stream.linear.gather @!p0 [spmem:s1], $0x2800, $0x38;
	[tilespmem:$0x1BCC0] =	vst v63  }
0x6e: {  	_ =	swait.ge @!p0 [sflag:s25], $0x2800  }
0x6f: {  	[sflag:s25] =	ssyncset.done @!p0 $0x0  }
0x70: {  	s26 =	rddreg [dreg:$0xb];
	[sflag:s25] =	ssyncadd.s32 @!p0 $0xFFFFD800;
	s25 =	simm.s32 @!p0 $0x0  }
0x71: {  	[hbm4b:s26+s25] =	stream.linear.scatter @!p0 [tilespmem:s24], [sflag:$0x6], $0x2800, $0x38;
	[tilespmem:$0x1BCC0] =	vst v63  }
0x72: {  	s24 =	simm.s32 @!p0 $0x5  }
0x73: {  	_ =	swait.ge @!p0 [sflag:s24], $0x2800  }
0x74: {  	s25 =	simm.s32 @!p0 $0x6;
	[sflag:s24] =	ssyncset.done @!p0 $0x0  }
0x75: {  	s25 =	simm.s32 @p0 $0x5;
	[sflag:s24] =	ssyncadd.s32 @!p0 $0xFFFFD800  }
0x76: {  	_ =	swait.ge [sflag:s25], $0x2800  }
0x77: {  	s0 =	sadd.s32 $0x1, s0;
	s30 =	rddreg [dreg:$0x19]  }
0x78: {  	p1 =	sne.s32 s0, s30  }
.Ltmp1:
0x79: {  	_ = 	snop;
	(pc) =	sbr.rel @!p1 .LBB2_7-.Ltmp1, $3  }
0x7a: {  	_ =	sdelay $0x1  }
0x7b: {  	[sflag:s25] =	ssyncset.done $0x0  }
0x7c: {  	[sflag:s25] =	ssyncadd.s32 $0xFFFFD800  }
.LBB2_1:
0x7d: {  	s24 =	rddreg [dreg:$0x10]  }
0x7e: {  	[tilespmem:s5], [sflag:$0x1] =	stream.linear.gather [hbm4b:s24+s5], $0x80, $0x38;
	[tilespmem:$0x1BCC0] =	vst v63  }
0x7f: {  	s25 =	rddreg [dreg:$0x11]  }
0x80: {  	[tilespmem:s7], [sflag:$0x1] =	stream.linear.gather [hbm4b:s25+s5], $0x80, $0x38;
	[tilespmem:$0x1BCC0] =	vst v63  }
0x81: {  	s26 =	rddreg [dreg:$0xc]  }
0x82: {  	[tilespmem:s8], [sflag:$0x2] =	stream.linear.gather [hbm4b:s26+s5], $0x80, $0x38;
	[tilespmem:$0x1BCC0] =	vst v63  }
0x83: {  	s28 =	rddreg [dreg:$0xd]  }
0x84: {  	[tilespmem:s9], [sflag:$0x2] =	stream.linear.gather [hbm4b:s28+s5], $0x80, $0x38;
	[tilespmem:$0x1BCC0] =	vst v63  }
0x85: {  	s30 =	rddreg [dreg:$0xe]  }
0x86: {  	[tilespmem:s10], [sflag:$0x3] =	stream.linear.gather [hbm4b:s30+s5], $0x80, $0x38;
	[tilespmem:$0x1BCC0] =	vst v63  }
0x87: {  	s25 =	rddreg [dreg:$0xf]  }
0x88: {  	[tilespmem:s11], [sflag:$0x3] =	stream.linear.gather [hbm4b:s25+s5], $0x80, $0x38;
	[tilespmem:$0x1BCC0] =	vst v63  }
0x89: {  	s26 =	rddreg [dreg:$0x12];
	s30 =	sand.u32 $0xFE00, s5  }
0x8a: {  	[tilespmem:s12], [sflag:$0x4] =	stream.linear.gather [hbm4b:s26+s5], $0x80, $0x38;
	[tilespmem:$0x1BCC0] =	vst v63  }
0x8b: {  	s24 =	simm.s32 $0x40;
	s25 =	sand.u32 $0x70, s5;
	s26 =	sshrl.u32 s30, $0x2  }
0x8c: {  	s28 =	rddreg [dreg:$0x13];
	s26 =	sor.u32 s25, s26;
	s25 =	simm.s32 $0x0  }
0x8d: {  	[tilespmem:s13], [sflag:$0x4] =	stream.linear.gather [hbm4b:s28+s5], $0x80, $0x38;
	[tilespmem:$0x1BCC0] =	vst v63  }
.LBB2_2:
0x8e: {  	p1 =	sne.s32 s24, $0xFFC0  }
0x8f: {  	[tilespmem:s26+$0x400] =	vst v0;
	s25 =	sadd.s32 $0x10, s25;
	s26 =	smov.u32 s24;
	s24 =	sadd.s32 $0x40, s24  }
.Ltmp2:
0x90: {  	(pc) =	sbr.rel @p1 .LBB2_2-.Ltmp2, $4  }
0x91: {  	_ = 	snop  }
0x92: {  	s26 =	sand.u32 $0xFE00, s26  }
0x93: {  	s28 =	sand.u32 $0x70, s25;
	s26 =	sshrl.u32 s26, $0x2  }
0x94: {  	s26 =	sor.u32 s28, s26  }
0x95: {  	[tilespmem:s26+$0x400] =	vst v0  }
0x96: {  	[spmem:s29] =	stream.linear.scatter [tilespmem:s14], [sflag:$0x7], $0x2800, $0x38;
	[tilespmem:$0x1BCC0] =	vst v63  }
0x97: {  	_ =	swait.ge [sflag:s16], $0x2800  }
0x98: {  	[sflag:s16] =	ssyncset.done $0x0  }
0x99: {  	s24 =	rddreg [dreg:$0x14];
	[sflag:s16] =	ssyncadd.s32 $0xFFFFD800  }
0x9a: {  	[spmem:s24] =	stream.linear.scatter [tilespmem:s14], [sflag:$0x7], $0x2800, $0x38;
	[tilespmem:$0x1BCC0] =	vst v63  }
0x9b: {  	_ =	swait.ge [sflag:s16], $0x2800  }
0x9c: {  	[sflag:s16] =	ssyncset.done $0x0  }
0x9d: {  	s25 =	rddreg [dreg:$0x15];
	[sflag:s16] =	ssyncadd.s32 $0xFFFFD800  }
0x9e: {  	[spmem:s25] =	stream.linear.scatter [tilespmem:s14], [sflag:$0x7], $0x2800, $0x38;
	[tilespmem:$0x1BCC0] =	vst v63  }
0x9f: {  	_ =	swait.ge [sflag:s16], $0x2800  }
0xa0: {  	[sflag:s16] =	ssyncset.done $0x0  }
0xa1: {  	s26 =	rddreg [dreg:$0x16];
	[sflag:s16] =	ssyncadd.s32 $0xFFFFD800  }
0xa2: {  	[spmem:s26] =	stream.linear.scatter [tilespmem:s14], [sflag:$0x7], $0x2800, $0x38;
	[tilespmem:$0x1BCC0] =	vst v63  }
0xa3: {  	_ =	swait.ge [sflag:s16], $0x2800  }
0xa4: {  	[sflag:s16] =	ssyncset.done $0x0  }
0xa5: {  	s28 =	rddreg [dreg:$0x17];
	[sflag:s16] =	ssyncadd.s32 $0xFFFFD800  }
0xa6: {  	[spmem:s28] =	stream.linear.scatter [tilespmem:s14], [sflag:$0x7], $0x2800, $0x38;
	[tilespmem:$0x1BCC0] =	vst v63  }
0xa7: {  	_ =	swait.ge [sflag:s16], $0x2800  }
0xa8: {  	[sflag:s16] =	ssyncset.done $0x0  }
0xa9: {  	s30 =	smov.u32 s29;
	s29 =	rddreg [dreg:$0x18];
	[sflag:s16] =	ssyncadd.s32 $0xFFFFD800  }
0xaa: {  	[spmem:s29] =	stream.linear.scatter [tilespmem:s14], [sflag:$0x7], $0x2800, $0x38;
	[tilespmem:$0x1BCC0] =	vst v63  }
0xab: {  	_ =	swait.ge [sflag:s16], $0x2800  }
0xac: {  	[sflag:s16] =	ssyncset.done $0x0  }
0xad: {  	[sflag:s16] =	ssyncadd.s32 $0xFFFFD800  }
0xae: {  	[spmem:s31] =	stream.linear.scatter [tilespmem:s14], [sflag:$0x7], $0x2800, $0x38;
	[tilespmem:$0x1BCC0] =	vst v63  }
0xaf: {  	_ =	swait.ge [sflag:s16], $0x2800  }
0xb0: {  	[sflag:s16] =	ssyncset.done $0x0  }
0xb1: {  	s24 =	simm.s32 @!p0 $0x400;
	[sflag:s16] =	ssyncadd.s32 $0xFFFFD800  }
0xb2: {  	[spmem:s1] =	stream.linear.scatter @!p0 [tilespmem:s24], [sflag:$0x7], $0x2800, $0x38;
	[tilespmem:$0x1BCC0] =	vst v63  }
0xb3: {  	s24 =	simm.s32 @!p0 $0x7  }
0xb4: {  	_ =	swait.ge @!p0 [sflag:s24], $0x2800  }
0xb5: {  	[sflag:s24] =	ssyncset.done @!p0 $0x0  }
0xb6: {  	[sflag:s24] =	ssyncadd.s32 @!p0 $0xFFFFD800  }
0xb7: {  	_ =	swait.ge [sflag:s17], $0x80  }
0xb8: {  	[sflag:s17] =	ssyncset.done $0x0  }
0xb9: {  	[sflag:s17] =	ssyncadd.s32 $0xFFFFFF80  }
0xba: {  	_ =	swait.ge [sflag:s17], $0x80  }
0xbb: {  	[sflag:s17] =	ssyncset.done $0x0  }
0xbc: {  	[sflag:s17] =	ssyncadd.s32 $0xFFFFFF80  }
0xbd: {  	[tilespmem:s14], [sflag:$0x5] =	stream.indirect.gather [hbm4b:s2+s8], $0x80, s5, s8, $0xb8;
	[tilespmem:$0x1BCC0] =	vst v63  }
0xbe: {  	_ =	swait.ge [sflag:s18], $0x80  }
0xbf: {  	[sflag:s18] =	ssyncset.done $0x0  }
0xc0: {  	[sflag:s18] =	ssyncadd.s32 $0xFFFFFF80  }
0xc1: {  	_ =	swait.ge [sflag:s18], $0x80  }
0xc2: {  	[sflag:s18] =	ssyncset.done $0x0  }
0xc3: {  	[sflag:s18] =	ssyncadd.s32 $0xFFFFFF80  }
0xc4: {  	[tilespmem:s19], [sflag:$0x6] =	stream.indirect.gather [hbm4b:s2+s8], $0x80, s8, s8, $0xb8;
	[tilespmem:$0x1BCC0] =	vst v63  }
0xc5: {  	s24 =	simm.s32 $0x380;
	[bflag:$0x0] =	sbarrier.arrive $0xFFFF  }
.LBB2_4:
0xc6: {  	_ =	swait.ge [sflag:s20], $0x4000;
	p1 =	seq.s32 s24, $0x2980  }
0xc7: {  	[sflag:s20] =	ssyncset.done $0x0;
	s25 =	sadd.s32 @!p1 $0xFFFFFE80, s24  }
0xc8: {  	[sflag:s20] =	ssyncadd.s32 $0xFFFFC000;
	s26 =	sand.u32 @!p1 $0x7C00, s25  }
0xc9: {  	[spmem:s3] =	stream.indirect.scatter.add.f32 [tilespmem:s14], [sflag:$0x7], $0x80, s7, s8, $0xb8;
	[tilespmem:$0x1BCC0] =	vst v63  }
0xca: {  	s25 =	sand.u32 @!p1 $0x200, s25;
	s26 =	sadd.s32 @!p1 s4, s26  }
0xcb: {  	_ =	swait.ge [sflag:s16], $0x4000;
	s25 =	sor.u32 @!p1 s25, s26  }
0xcc: {  	[sflag:s16] =	ssyncset.done $0x0;
	s25 =	sshrl.u32 @!p1 s25, $0x3  }
0xcd: {  	s28 =	simm.s32 @!p1 $0x0;
	[sflag:s16] =	ssyncadd.s32 $0xFFFFC000;
	s26 =	sadd.s32 @!p1 s6, s25  }
0xce: {  	[tilespmem:s28], [sflag:$0x1] =	stream.linear.gather @!p1 [hbm4b:s26+s28], $0x80, $0x38;
	[tilespmem:$0x1BCC0] =	vst v63  }
0xcf: {  	s25 =	sadd.s32 @!p1 s15, s25;
	s26 =	simm.s32 @!p1 $0x200  }
0xd0: {  	[tilespmem:s26], [sflag:$0x1] =	stream.linear.gather @!p1 [hbm4b:s25+s28], $0x80, $0x38;
	[tilespmem:$0x1BCC0] =	vst v63  }
0xd1: {  	_ =	swait.ge [sflag:s21], $0x80  }
0xd2: {  	[sflag:s21] =	ssyncset.done $0x0  }
0xd3: {  	[sflag:s21] =	ssyncadd.s32 $0xFFFFFF80  }
0xd4: {  	_ =	swait.ge [sflag:s21], $0x80  }
0xd5: {  	[sflag:s21] =	ssyncset.done $0x0  }
0xd6: {  	[sflag:s21] =	ssyncadd.s32 $0xFFFFFF80  }
0xd7: {  	[tilespmem:s14], [sflag:$0x5] =	stream.indirect.gather [hbm4b:s2+s8], $0x80, s10, s8, $0xb8;
	[tilespmem:$0x1BCC0] =	vst v63  }
0xd8: {  	s25 =	sadd.s32 @!p1 $0xFFFFFF00, s24;
	_ =	swait.ge [sflag:s22], $0x4000  }
0xd9: {  	s26 =	sand.u32 @!p1 $0x7C00, s25;
	[sflag:s22] =	ssyncset.done $0x0  }
0xda: {  	s25 =	sand.u32 @!p1 $0x280, s25;
	s26 =	sadd.s32 @!p1 s4, s26;
	[sflag:s22] =	ssyncadd.s32 $0xFFFFC000  }
0xdb: {  	[spmem:s3] =	stream.indirect.scatter.add.f32 [tilespmem:s19], [sflag:$0x7], $0x80, s9, s8, $0xb8;
	[tilespmem:$0x1BCC0] =	vst v63  }
0xdc: {  	s25 =	sor.u32 @!p1 s25, s26;
	_ =	swait.ge [sflag:s16], $0x4000  }
0xdd: {  	s25 =	sshrl.u32 @!p1 s25, $0x3;
	[sflag:s16] =	ssyncset.done $0x0  }
0xde: {  	s29 =	simm.s32 @!p1 $0x80;
	s26 =	sadd.s32 @!p1 s6, s25;
	[sflag:s16] =	ssyncadd.s32 $0xFFFFC000  }
0xdf: {  	[tilespmem:s29], [sflag:$0x2] =	stream.linear.gather @!p1 [hbm4b:s26+s28], $0x80, $0x38;
	[tilespmem:$0x1BCC0] =	vst v63  }
0xe0: {  	s25 =	sadd.s32 @!p1 s15, s25;
	s26 =	simm.s32 @!p1 $0x280  }
0xe1: {  	[tilespmem:s26], [sflag:$0x2] =	stream.linear.gather @!p1 [hbm4b:s25+s28], $0x80, $0x38;
	[tilespmem:$0x1BCC0] =	vst v63  }
0xe2: {  	_ =	swait.ge [sflag:s23], $0x80  }
0xe3: {  	[sflag:s23] =	ssyncset.done $0x0  }
0xe4: {  	[sflag:s23] =	ssyncadd.s32 $0xFFFFFF80  }
0xe5: {  	_ =	swait.ge [sflag:s23], $0x80  }
0xe6: {  	[sflag:s23] =	ssyncset.done $0x0  }
0xe7: {  	[sflag:s23] =	ssyncadd.s32 $0xFFFFFF80  }
0xe8: {  	[tilespmem:s19], [sflag:$0x6] =	stream.indirect.gather [hbm4b:s2+s8], $0x80, s12, s8, $0xb8;
	[tilespmem:$0x1BCC0] =	vst v63  }
0xe9: {  	_ =	swait.ge [sflag:s20], $0x4000  }
0xea: {  	[sflag:s20] =	ssyncset.done $0x0  }
.Ltmp3:
0xeb: {  	[sflag:s20] =	ssyncadd.s32 $0xFFFFC000;
	(pc) =	sbr.rel @p1 .LBB2_6-.Ltmp3, $4  }
0xec: {  	[spmem:s3] =	stream.indirect.scatter.add.f32 [tilespmem:s14], [sflag:$0x7], $0x80, s11, s8, $0xb8;
	[tilespmem:$0x1BCC0] =	vst v63  }
0xed: {  	_ =	swait.ge [sflag:s16], $0x4000  }
0xee: {  	[sflag:s16] =	ssyncset.done $0x0  }
0xef: {  	[sflag:s16] =	ssyncadd.s32 $0xFFFFC000  }
0xf0: {  	s25 =	sadd.s32 $0xFFFFFF80, s24  }
0xf1: {  	s26 =	sand.u32 $0x7C00, s25  }
0xf2: {  	s25 =	sand.u32 $0x300, s25;
	s26 =	sadd.s32 s4, s26  }
0xf3: {  	s25 =	sor.u32 s25, s26  }
0xf4: {  	s25 =	sshrl.u32 s25, $0x3  }
0xf5: {  	s29 =	sadd.s32 s6, s25  }
0xf6: {  	[tilespmem:s10], [sflag:$0x3] =	stream.linear.gather [hbm4b:s29+s5], $0x80, $0x38;
	[tilespmem:$0x1BCC0] =	vst v63  }
0xf7: {  	s25 =	sadd.s32 s15, s25  }
0xf8: {  	[tilespmem:s11], [sflag:$0x3] =	stream.linear.gather [hbm4b:s25+s5], $0x80, $0x38;
	[tilespmem:$0x1BCC0] =	vst v63  }
0xf9: {  	_ =	swait.ge [sflag:s17], $0x80  }
0xfa: {  	[sflag:s17] =	ssyncset.done $0x0  }
0xfb: {  	[sflag:s17] =	ssyncadd.s32 $0xFFFFFF80  }
0xfc: {  	_ =	swait.ge [sflag:s17], $0x80  }
0xfd: {  	[sflag:s17] =	ssyncset.done $0x0  }
0xfe: {  	[sflag:s17] =	ssyncadd.s32 $0xFFFFFF80  }
0xff: {  	[tilespmem:s14], [sflag:$0x5] =	stream.indirect.gather [hbm4b:s2+s8], $0x80, s5, s8, $0xb8;
	[tilespmem:$0x1BCC0] =	vst v63  }
0x100: {  	_ =	swait.ge [sflag:s22], $0x4000  }
0x101: {  	s26 =	sand.u32 $0x7C00, s24;
	[sflag:s22] =	ssyncset.done $0x0  }
0x102: {  	s28 =	sand.u32 $0x380, s24;
	s25 =	sadd.s32 s4, s26;
	[sflag:s22] =	ssyncadd.s32 $0xFFFFC000  }
0x103: {  	[spmem:s3] =	stream.indirect.scatter.add.f32 [tilespmem:s19], [sflag:$0x7], $0x80, s13, s8, $0xb8;
	[tilespmem:$0x1BCC0] =	vst v63  }
0x104: {  	s25 =	sor.u32 s28, s25;
	_ =	swait.ge [sflag:s16], $0x4000  }
0x105: {  	s25 =	sshrl.u32 s25, $0x3;
	[sflag:s16] =	ssyncset.done $0x0  }
0x106: {  	s29 =	sadd.s32 s6, s25;
	[sflag:s16] =	ssyncadd.s32 $0xFFFFC000  }
0x107: {  	[tilespmem:s12], [sflag:$0x4] =	stream.linear.gather [hbm4b:s29+s5], $0x80, $0x38;
	[tilespmem:$0x1BCC0] =	vst v63  }
0x108: {  	s25 =	sadd.s32 s15, s25  }
0x109: {  	[tilespmem:s13], [sflag:$0x4] =	stream.linear.gather [hbm4b:s25+s5], $0x80, $0x38;
	[tilespmem:$0x1BCC0] =	vst v63  }
0x10a: {  	_ =	swait.ge [sflag:s18], $0x80  }
0x10b: {  	[sflag:s18] =	ssyncset.done $0x0  }
.Ltmp4:
0x10c: {  	[sflag:s18] =	ssyncadd.s32 $0xFFFFFF80;
	(pc) =	sbr.rel .LBB2_4-.Ltmp4, $4  }
0x10d: {  	_ =	swait.ge [sflag:s18], $0x80  }
0x10e: {  	[sflag:s18] =	ssyncset.done $0x0  }
0x10f: {  	s24 =	sadd.s32 $0x200, s24;
	[sflag:s18] =	ssyncadd.s32 $0xFFFFFF80  }
0x110: {  	[tilespmem:s19], [sflag:$0x6] =	stream.indirect.gather [hbm4b:s2+s8], $0x80, s8, s8, $0xb8;
	[tilespmem:$0x1BCC0] =	vst v63  }
.LBB2_7:
0x111: {  	_ =	sfence.sel $0x180000  }
0x112: {  	[bflag:$0x0] =	sbarrier.arrive $0xFFFF  }
0x113: {  	_ =	strace $0x9000004A  }
0x114: {  	s0 =	stileid.u32;
	[bflag:$0x2] =	sbarrier.arrive $0xFFFF  }
0x115: {  	p0 =	sne.s32 s0, $0x0;
	s0 =	rddreg [dreg:$0x3]  }
0x116: {  	s0 =	sadd.s32 @!p0 $0x100000, s0  }
0x117: {  	[sflag:s0] =	ssyncadd.tile.s32 @!p0 $0x1;
	_ =	shalt  }
.Lfunc_end2:
_tile_overlayer_lowered:
.L_overlay_start_2:
0x118: {  	(tag) =	ssettag $0x2  }
0x119: {  	s0 =	rddreg [dreg:$0x0];
	s2 =	stileid.u32  }
0x11a: {  	s1 =	rddreg [dreg:$0x1];
	p0 =	sne.s32 s2, $0x0  }
0x11b: {  	s3 =	rddreg [dreg:$0x2];
	[bflag:$0x3] =	sbarrier.arrive $0xFFFF;
	s2 =	simm.s32 @!p0 $0x1C07  }
0x11c: {  	[timem:s3], [sflag:s2] =	dma.local @!p0 [hbm:s0], s1  }
0x11d: {  	s0 =	simm.s32 @!p0 $0x7  }
0x11e: {  	_ =	swait.ge @!p0 [sflag:s0], s1  }
0x11f: {  	s1 =	ssub.s32 @!p0 $0x0, s1;
	[sflag:s0] =	ssyncset.done @!p0 $0x0  }
0x120: {  	[sflag:s0] =	ssyncadd.s32 @!p0 s1  }
0x121: {  	[bflag:$0x3] =	sbarrier.arrive $0xFFFF  }
0x122: {  	_ =	shalt  }

// kernel: kernel.7.cloned.1.call-start
scs
__scs_entry_jumppad:
0x0: {  	(pc) =	sbr.rel $0x88, $3  }
0x1: {  	(tag) =	ssettag $0x0;
	lr =	simm.s32 $0x1  }
0x2: {  	[smem:$0x3F96] =	sst lr;
	_ =	strace $0xD0000000  }
0x3: {  	_ = 	snop  }
0x4: {  	_ = 	snop  }
0x5: {  	_ = 	snop  }
0x6: {  	_ = 	snop  }
0x7: {  	_ = 	snop  }
__scs_overlays_trampoline_lowered:
0x8: {  	[smem:$0x3FA5] =	sst s0  }
0x9: {  	[smem:$0x3FA6] =	sst s1  }
0xa: {  	[smem:$0x3FA7] =	sst s2  }
0xb: {  	[smem:$0x3FA8] =	sst s3  }
0xc: {  	[smem:$0x3FA9] =	sst s4  }
0xd: {  	[smem:$0x3FAA] =	sst s5  }
0xe: {  	[smem:$0x3FAB] =	sst s6  }
0xf: {  	[smem:$0x3FAC] =	sst s7  }
0x10: {  	[smem:$0x3FAD] =	sst s8  }
0x11: {  	[smem:$0x3FAE] =	sst s9;
	s0 =	simm.s32 @!p0 $0x0  }
0x12: {  	s1 =	sld [smem:$0x3F94];
	s0 =	simm.s32 @p0 $0x1  }
0x13: {  	[smem:$0x3FAF] =	sst s0;
	s0 =	simm.s32 @!p1 $0x0  }
0x14: {  	s2 =	sld [smem:$0x3F93];
	s0 =	simm.s32 @p1 $0x1  }
0x15: {  	[smem:$0x3FB0] =	sst s0;
	s0 =	simm.s32 @!p2 $0x0  }
0x16: {  	s3 =	sld [smem:$0x3FDB];
	s0 =	simm.s32 @p2 $0x1  }
0x17: {  	s4 =	simm.s32 $0x1BF5;
	[smem:$0x3FB2] =	sst s0  }
0x18: {  	s0 =	sld [smem:$0x3F95];
	_ =	swait.ge [sflag:s4], $0x0  }
0x19: {  	s7 =	sld [smem:$0x3F96]  }
0x1a: {  	s8 =	sadd.s32 $0xFFFFE003, lr  }
0x1b: {  	s9 =	sadd.s32 $0xFFFFFEF7, lr;
	s5 =	simm.s32 $0xFFFFFFFF;
	p2 =	slt.u32 s8, $0xFFFFF086  }
0x1c: {  	p1 =	slt.u32 s9, $0xF7A;
	s5 =	simm.s32 @!p2 $0x0  }
0x1d: {  	s5 =	simm.s32 @p1 $0x1;
	p0 =	seq.s32 s7, s2  }
0x1e: {  	s7 =	smul.u32 @!p0 $0xF7A, s2;
	p2 =	seq.s32 @!p0 s5, $0x0  }
0x1f: {  	s9 =	smul.u32 $0xF7A, s1;
	s8 =	simm.s32 @!p0 $0x1BF5;
	p2 =	por !p2, p0  }
0x20: {  	[sflag:s8] =	ssyncset.s32 @!p0 $0xFFFFF086;
	s6 =	sadd.s32 @!p0 s3, s7;
	s7 =	simm.s32 @!p0 $0x108  }
0x21: {  	s3 =	sadd.s32 s3, s9;
	s6 =	sadd.s32 @!p0 $0x88, s6;
	s7 =	simm.s32 @p2 $0x1082  }
0x22: {  	[simem:s7], [sflag:s8] =	dma.local @!p0 [hbm:s6], $0xF7A  }
0x23: {  	s9 =	sor.u32 $0xD0000000, s2;
	s6 =	simm.s32 $0x108;
	_ =	swait.ge @!p0 [sflag:s8], $0x0  }
0x24: {  	s3 =	sadd.s32 $0x88, s3;
	s6 =	simm.s32 @!p1 $0x1082;
	[sflag:s4] =	ssyncset.s32 $0xFFFFF086  }
0x25: {  	[simem:s6], [sflag:s4] =	dma.local [hbm:s3], $0xF7A  }
0x26: {  	[smem:$0x3F96] =	sst s1;
	(tag) =	ssettag s2;
	_ =	strace s9  }
0x27: {  	s1 =	sld [smem:$0x3FA6]  }
0x28: {  	s2 =	sld [smem:$0x3FA7]  }
0x29: {  	s4 =	sld [smem:$0x3FA9]  }
0x2a: {  	p0 =	seq.s32 s5, $0x0;
	s5 =	sld [smem:$0x3FAA]  }
0x2b: {  	s6 =	sld [smem:$0x3FAB]  }
0x2c: {  	s7 =	sld [smem:$0x3FAC]  }
0x2d: {  	s3 =	simm.s32 $0x108;
	s8 =	sld [smem:$0x3FAD]  }
0x2e: {  	s3 =	simm.s32 @!p0 $0x1082;
	s9 =	sld [smem:$0x3FAE]  }
0x2f: {  	lr =	sadd.s32 s0, s3;
	s0 =	sld [smem:$0x3FA5]  }
0x30: {  	s3 =	sld [smem:$0x3FA8]  }
0x31: {  	[smem:$0x3FB1] =	sst s10  }
0x32: {  	s10 =	sld [smem:$0x3FAF];
	_ =	sdelay $0x3  }
0x33: {  	p0 =	seq.s32 s10, $0x1;
	s10 =	sld [smem:$0x3FB1];
	_ =	sdelay $0x3  }
0x34: {  	[smem:$0x3FB1] =	sst s10  }
0x35: {  	s10 =	sld [smem:$0x3FB0];
	_ =	sdelay $0x3  }
0x36: {  	p1 =	seq.s32 s10, $0x1;
	s10 =	sld [smem:$0x3FB1];
	_ =	sdelay $0x3  }
0x37: {  	[smem:$0x3FB1] =	sst s10  }
0x38: {  	s10 =	sld [smem:$0x3FB2]  }
0x39: {  	_ = 	snop;
	(pc) =	sbr.ind lr, $3  }
0x3a: {  	_ = 	snop  }
0x3b: {  	_ = 	snop  }
0x3c: {  	p2 =	seq.s32 s10, $0x1;
	s10 =	sld [smem:$0x3FB1]  }
0x3d: {  	_ =	shalt  }
0x3e: {  	_ =	shalt  }
0x3f: {  	_ =	shalt  }
0x40: {  	_ =	shalt  }
0x41: {  	_ =	shalt  }
0x42: {  	_ =	shalt  }
0x43: {  	_ =	shalt  }
0x44: {  	_ =	shalt  }
0x45: {  	_ =	shalt  }
0x46: {  	_ =	shalt  }
0x47: {  	_ =	shalt  }
0x48: {  	_ =	shalt  }
0x49: {  	_ =	shalt  }
0x4a: {  	_ =	shalt  }
0x4b: {  	_ =	shalt  }
0x4c: {  	_ =	shalt  }
0x4d: {  	_ =	shalt  }
0x4e: {  	_ =	shalt  }
0x4f: {  	_ =	shalt  }
0x50: {  	_ =	shalt  }
0x51: {  	_ =	shalt  }
0x52: {  	_ =	shalt  }
0x53: {  	_ =	shalt  }
0x54: {  	_ =	shalt  }
0x55: {  	_ =	shalt  }
0x56: {  	_ =	shalt  }
0x57: {  	_ =	shalt  }
0x58: {  	_ =	shalt  }
0x59: {  	_ =	shalt  }
0x5a: {  	_ =	shalt  }
0x5b: {  	_ =	shalt  }
0x5c: {  	_ =	shalt  }
0x5d: {  	_ =	shalt  }
0x5e: {  	_ =	shalt  }
0x5f: {  	_ =	shalt  }
0x60: {  	_ =	shalt  }
0x61: {  	_ =	shalt  }
0x62: {  	_ =	shalt  }
0x63: {  	_ =	shalt  }
0x64: {  	_ =	shalt  }
0x65: {  	_ =	shalt  }
0x66: {  	_ =	shalt  }
0x67: {  	_ =	shalt  }
0x68: {  	_ =	shalt  }
0x69: {  	_ =	shalt  }
0x6a: {  	_ =	shalt  }
0x6b: {  	_ =	shalt  }
0x6c: {  	_ =	shalt  }
0x6d: {  	_ =	shalt  }
0x6e: {  	_ =	shalt  }
0x6f: {  	_ =	shalt  }
0x70: {  	_ =	shalt  }
0x71: {  	_ =	shalt  }
0x72: {  	_ =	shalt  }
0x73: {  	_ =	shalt  }
0x74: {  	_ =	shalt  }
0x75: {  	_ =	shalt  }
0x76: {  	_ =	shalt  }
0x77: {  	_ =	shalt  }
0x78: {  	_ =	shalt  }
0x79: {  	_ =	shalt  }
0x7a: {  	_ =	shalt  }
0x7b: {  	_ =	shalt  }
0x7c: {  	_ =	shalt  }
0x7d: {  	_ =	shalt  }
0x7e: {  	_ =	shalt  }
0x7f: {  	_ =	shalt  }
0x80: {  	_ =	shalt  }
0x81: {  	_ =	shalt  }
0x82: {  	_ =	shalt  }
0x83: {  	_ =	shalt  }
0x84: {  	_ =	shalt  }
0x85: {  	_ =	shalt  }
0x86: {  	_ =	shalt  }
0x87: {  	_ =	shalt  }
.Lfunc_end0:
.L_simem_size_0:
called_computation_lowered:
.L_overlay_start_0:
0x88: {  	s2 =	sld [smem:$0x3FD9]  }
0x89: {  	s3 =	sld [smem:$0x3FFE];
	_ =	sdelay $0x1  }
0x8a: {  	s1 =	srdreg.scid  }
0x8b: {  	s0 =	sand.u32 $0x1, s1  }
0x8c: {  	s17 =	sshll.u32 s0, $0xA;
	s2 =	sadd.s32 s3, s2  }
0x8d: {  	s2 =	sadd.s32 s2, s17  }
0x8e: {  	[smem:$0x3FBD] =	sst s2  }
0x8f: {  	_ = 	snop  }
0x90: {  	s2 =	sld [smem:$0x3FD0];
	(tm) =	ssettm $0x1  }
0x91: {  	s18 =	sld [smem:$0x3FFB];
	_ =	sdelay $0x3  }
0x92: {  	_ =	strace s18  }
0x93: {  	s3 =	sld [smem:$0x3FFC];
	_ =	sdelay $0x3  }
0x94: {  	_ =	strace s3  }
0x95: {  	s3 =	sld [smem:$0x3FFD];
	_ =	sdelay $0x3  }
0x96: {  	_ =	strace s3  }
0x97: {  	_ =	strace $0x8FFFFFFF  }
0x98: {  	s19 =	sld [smem:$0x3FDB];
	_ =	sdelay $0x1  }
0x99: {  	s4 =	simm.s32 $_scs_section_size  }
0x9a: {  	s5 =	simm.s32 $_size__tile_overlayer_lowered;
	s6 =	simm.s32 $_tile_overlayer_lowered  }
0x9b: {  	s22 =	simm.s32 $0x1BFF;
	s21 =	sshll.u32 s6, $0x1;
	s3 =	sadd.s32 s4, s19  }
0x9c: {  	s7 =	simm.s32 $0x0;
	s20 =	sshll.u32 s5, $0x1;
	s5 =	sadd.s32 s21, s3  }
0x9d: {  	[timem:s7], [sflag:s22] =	dma.local [hbm:s5], s20  }
0x9e: {  	_ =	swait.ge [sflag:s22], s20  }
0x9f: {  	s4 =	ssub.s32 $0x0, s20;
	[sflag:s22] =	ssyncset.done $0x0  }
0xa0: {  	[sflag:s22] =	ssyncadd.s32 s4;
	_ =	sdelay $0x1  }
0xa1: {  	s23 =	simm.s32 $0x1B8B  }
0xa2: {  	_ =	swait.ge [sflag:s23], $0x1  }
0xa3: {  	[sflag:s23] =	ssyncset.done $0x0  }
0xa4: {  	s25 =	simm.s32 $0x1B8E;
	s24 =	sld [smem:$0x3FFE];
	[sflag:s23] =	ssyncadd.s32 $0xFFFFFFFF  }
0xa5: {  	s26 =	simm.s32 $execute0_lowered;
	[smem:$0x3FD2] =	sst s25  }
0xa6: {  	s5 =	sshll.u32 s26, $0x1;
	_ =	strace $0x80000046;
	[dreg:$0x1] =	wrdreg $0xFFFFFFFF  }
0xa7: {  	s28 =	simm.s32 $_size_execute0_lowered;
	s3 =	sadd.s32 s3, s5;
	[dreg:$0x0] =	wrdreg $0x0  }
0xa8: {  	s5 =	sshll.u32 s28, $0x1;
	[dreg:$0x2] =	wrdreg s3  }
0xa9: {  	[dreg:$0x3] =	wrdreg s5  }
0xaa: {  	[dreg:$0x4] =	wrdreg $0xC0  }
0xab: {  	_ =	task [dreg:s7], $0x5FFFF  }
0xac: {  	[dreg:$0x1] =	wrdreg $0xFFFFFFFF  }
0xad: {  	[dreg:$0x0] =	wrdreg $0x60  }
0xae: {  	[dreg:$0x2] =	wrdreg s2  }
0xaf: {  	[dreg:$0x3] =	wrdreg s24  }
0xb0: {  	[dreg:$0x4] =	wrdreg $0x9  }
0xb1: {  	_ =	task.clear_ibuf [dreg:s7], $0x5FFFF;
	_ =	strace $0x90000046  }
0xb2: {  	s29 =	simm.s32 $0x9;
	_ =	strace $0x80000048  }
0xb3: {  	_ =	swait.ge [sflag:s29], $0x1  }
0xb4: {  	[sflag:s29] =	ssyncadd.s32 $0xFFFFFFFF  }
0xb5: {  	_ =	strace $0x90000048  }
0xb6: {  	_ =	sfence  }
0xb7: {  	s30 =	sld [smem:$0x0];
	_ =	sdelay $0x2  }
0xb8: {  	s31 =	sshll.u32 s1, $0xD;
	s1 =	sshrl.u32 s1, $0x2  }
0xb9: {  	s3 =	sand.u32 $0x4000, s31;
	s1 =	sadd.s32 s1, s30  }
0xba: {  	s0 =	sor.u32 s3, s0;
	s1 =	sshll.u32 s1, $0x11  }
0xbb: {  	s0 =	sor.u32 s1, s0  }
0xbc: {  	s0 =	sadd.s32 $0x8F2B, s0  }
0xbd: {  	[sflag:s0] =	ssyncadd.remote.s32 $0x1  }
0xbe: {  	_ =	sfence.sel $0xFFFF  }
0xbf: {  	[dreg:$0x0] =	wrdreg $0xFFFFFFFF;
	(pc) =	sbr.abs _section_cstart, $3  }
0xc0: {  	[dreg:$0x1] =	wrdreg $0xFFFFFFFF  }
0xc1: {  	_ =	task.clear_ibuf [dreg:s7], $0x2FFFF;
	_ =	strace $0x9FFFFFFF  }
0xc2: {  	(tm) =	ssettm $0x7FFFFFFF  }
0xc3: {  	_ =	shalt  }
tec
execute0_lowered:
.L_overlay_start_1:
0x0: {  	(tag) =	ssettag $0x1  }
0x1: {  	s4 =	rddreg [dreg:$0x0]  }
0x2: {  	s5 =	rddreg [dreg:$0x1];
	s1 =	srdreg.scid  }
0x3: {  	s0 =	stileid.u32;
	s9 =	simm.s32 $0x80;
	s10 =	simm.s32 $0x400  }
0x4: {  	s11 =	simm.s32 $0x2780;
	s12 =	simm.s32 $0x4F00;
	s13 =	simm.s32 $0x7680  }
0x5: {  	s14 =	simm.s32 $0x0;
	s3 =	sand.u32 $0x1, s1;
	s28 =	sshrl.u32 s0, $0x2  }
0x6: {  	s2 =	sshll.u32 s0, $0x8;
	s1 =	rddreg [dreg:$0x2];
	s6 =	smul.u32 $0x13C00, s28  }
0x7: {  	s7 =	sshll.u32 s3, $0x7;
	s8 =	sand.u32 $0x300, s2;
	s2 =	simm.s32 $0x0  }
0x8: {  	s29 =	ssub.s32 $0x2, s3;
	s3 =	sadd.s32 $0xBC00, s5;
	s7 =	sor.u32 s7, s8  }
0x9: {  	[smem:$0x7FF] =	sst s2;
	s31 =	sshrl.u32 s29, $0x1;
	s6 =	sor.u32 s6, s7  }
0xa: {  	s8 =	simm.s32 $0x1;
	s7 =	ssub.s32 s29, s31;
	s6 =	sshrl.u32 s6, $0x3  }
0xb: {  	_ =	strace $0x80000047;
	s7 =	smax.u32 s7, $0x1;
	s30 =	sadd.s32 s6, s5  }
0xc: {  	v0 =	vimm.f32 $0.0e+00;
	s4 =	sadd.s32 s4, s6;
	s5 =	sadd.s32 $0x1E00, s30;
	s6 =	sadd.s32 $0xC200, s30  }
.LBB2_1:
0xd: {  	[tilespmem:s2], [sflag:$0x1] =	stream.linear.gather [hbm4b:s3+s2], $0x2780, $0x38;
	[tilespmem:$0x9E00] =	vst v63  }
0xe: {  	_ =	swait.ge [sflag:s8], $0x2780  }
0xf: {  	[sflag:s8] =	ssyncset.done $0x0  }
0x10: {  	[sflag:s8] =	ssyncadd.s32 $0xFFFFD880  }
0x11: {  	[tilespmem:s11], [sflag:$0x1] =	stream.strided.gather [hbm4b:s4+s9], $0x2780, s10, s9, $0x38;
	[tilespmem:$0x9E00] =	vst v63  }
0x12: {  	_ =	swait.ge [sflag:s8], $0x2780  }
0x13: {  	[sflag:s8] =	ssyncset.done $0x0  }
0x14: {  	[sflag:s8] =	ssyncadd.s32 $0xFFFFD880  }
0x15: {  	[tilespmem:s12], [sflag:$0x1] =	stream.strided.gather [hbm4b:s5+s9], $0x2780, s10, s9, $0x38;
	[tilespmem:$0x9E00] =	vst v63  }
0x16: {  	_ =	swait.ge [sflag:s8], $0x2780  }
0x17: {  	[sflag:s8] =	ssyncset.done $0x0  }
0x18: {  	s15 =	simm.s32 $0x0;
	[sflag:s8] =	ssyncadd.s32 $0xFFFFD880  }
.LBB2_2:
0x19: {  	p0 =	sne.s32 s15, $0x9C00  }
.Ltmp0:
0x1a: {  	_ = 	snop;
	(pc) =	sbr.rel @p0 .LBB2_2-.Ltmp0, $3  }
0x1b: {  	_ =	sdelay $0x1  }
0x1c: {  	s16 =	sshra.s32 s15, $0x2  }
0x1d: {  	s15 =	sadd.s32 $0x40, s15;
	[tilespmem:s16+$0x7680] =	vst v0  }
0x1e: {  	s16 =	simm.s32 $0x0;
	s15 =	simm.s32 $0x40  }
.LBB2_4:
0x1f: {  	p0 =	sne.s32 s15, $0x9C00;
	v1 =	vld [tilespmem:s16+$0x4F00];
	_ =	sdelay $0x5  }
0x20: {  	v2 =	vld [tilespmem:s16+$0x2780];
	_ =	sdelay $0x1  }
0x21: {  	v1 =	vld.idx.msk [tilespmem:v1+s2+$0x0], $0xffff;
	_ =	sdelay $0x1  }
.Ltmp1:
0x22: {  	(pc) =	sbr.rel @p0 .LBB2_4-.Ltmp1, $2  }
0x23: {  	_ =	sdelay $0x2  }
0x24: {  	s16 =	sshra.s32 s15, $0x2;
	s15 =	sadd.s32 $0x40, s15;
	[tilespmem:v2+s13+$0x0] =	vst.idx.add.f32.msk $0xffff, v1  }
0x25: {  	v1 =	vld [tilespmem:s16+$0x4F00];
	_ =	sdelay $0x4  }
0x26: {  	v2 =	vld [tilespmem:s16+$0x2780];
	_ =	sdelay $0x2  }
0x27: {  	v1 =	vld.idx.msk [tilespmem:v1+s2+$0x0], $0xffff;
	_ =	sdelay $0x2  }
0x28: {  	s14 =	sadd.s32 $0x1, s14  }
0x29: {  	p0 =	sne.s32 s14, s7  }
.Ltmp2:
0x2a: {  	[tilespmem:v2+s13+$0x0] =	vst.idx.add.f32.msk $0xffff, v1;
	(pc) =	sbr.rel @p0 .LBB2_1-.Ltmp2, $4  }
0x2b: {  	[hbm4b:s6+s9] =	stream.strided.scatter [tilespmem:s13], [sflag:$0x1], $0x2780, s10, s9, $0x38;
	[tilespmem:$0x9E00] =	vst v63  }
0x2c: {  	_ =	swait.ge [sflag:s8], $0x2780  }
0x2d: {  	[sflag:s8] =	ssyncset.done $0x0  }
0x2e: {  	[sflag:s8] =	ssyncadd.s32 $0xFFFFD880  }
0x2f: {  	_ =	sfence.sel $0x180000  }
0x30: {  	[bflag:$0x0] =	sbarrier.arrive $0xFFFF  }
0x31: {  	p0 =	sne.s32 s0, $0x0;
	_ =	strace $0x90000047  }
0x32: {  	s0 =	sadd.s32 @!p0 $0x100000, s1;
	[bflag:$0x2] =	sbarrier.arrive $0xFFFF  }
0x33: {  	[sflag:s0] =	ssyncadd.tile.s32 @!p0 $0x1;
	_ =	shalt  }
.Lfunc_end2:
_tile_overlayer_lowered:
.L_overlay_start_2:
0x34: {  	(tag) =	ssettag $0x2  }
0x35: {  	s0 =	rddreg [dreg:$0x0];
	s2 =	stileid.u32  }
0x36: {  	s1 =	rddreg [dreg:$0x1];
	p0 =	sne.s32 s2, $0x0  }
0x37: {  	s3 =	rddreg [dreg:$0x2];
	[bflag:$0x3] =	sbarrier.arrive $0xFFFF;
	s2 =	simm.s32 @!p0 $0x1C01  }
0x38: {  	[timem:s3], [sflag:s2] =	dma.local @!p0 [hbm:s0], s1  }
0x39: {  	s0 =	simm.s32 @!p0 $0x1  }
0x3a: {  	_ =	swait.ge @!p0 [sflag:s0], s1  }
0x3b: {  	s1 =	ssub.s32 @!p0 $0x0, s1;
	[sflag:s0] =	ssyncset.done @!p0 $0x0  }
0x3c: {  	[sflag:s0] =	ssyncadd.s32 @!p0 s1  }
0x3d: {  	[bflag:$0x3] =	sbarrier.arrive $0xFFFF  }
0x3e: {  	_ =	shalt  }

</sc_bundles>
